<compile_context>
chip_gen: v7x
topology: tpu7x:2x2x1
jax: 0.10.2.dev20260603
libtpu: 0.0.44.dev20260713+nightly
codegen_flags: <defaults>
</compile_context>

<pallas_src>
import functools
import jax
import jax.numpy as jnp
from jax import lax
from jax.experimental import pallas as pl
from jax.experimental.pallas import tpu as pltpu
from jax.experimental.pallas import tpu_sc as plsc

N = 32768
D = 512
H = 1024
NB = 16
BLK = 2048

NC, NS = 2, 16
NW = NC * NS
CHUNK = N // NW


def _sc_counts_body(ids_hbm, ones_hbm, zeros_hbm, out_hbm, idx_v, ones_v,
                    hist_v, tmp_v, shared):
    c = lax.axis_index("c")
    s = lax.axis_index("s")
    wid = c * NS + s
    pltpu.sync_copy(ids_hbm.at[pl.ds(wid * CHUNK, CHUNK)], idx_v)
    pltpu.sync_copy(ones_hbm.at[pl.ds(0, CHUNK)], ones_v)
    pltpu.sync_copy(zeros_hbm, shared.at[s])
    pltpu.sync_copy(ones_v, shared.at[s].at[idx_v], add=True)
    plsc.subcore_barrier()

    @pl.when(s == 0)
    def _reduce():
        pltpu.sync_copy(zeros_hbm, hist_v)
        for r in range(NS - 1, -1, -1):
            pltpu.sync_copy(shared.at[r], tmp_v)
            for j in range(8):
                sl = pl.ds(j * 16, 16)
                hist_v[sl] = hist_v[sl] + tmp_v[sl]
        pltpu.sync_copy(hist_v, out_hbm.at[c])


def _sc_counts(ids32):
    mesh = plsc.VectorSubcoreMesh(core_axis_name="c", subcore_axis_name="s")
    k = functools.partial(
        pl.kernel,
        mesh=mesh,
        out_type=jax.ShapeDtypeStruct((NC, 128), jnp.float32),
        scratch_types=[
            pltpu.VMEM((CHUNK,), jnp.int32),
            pltpu.VMEM((CHUNK,), jnp.float32),
            pltpu.VMEM((128,), jnp.float32),
            pltpu.VMEM((128,), jnp.float32),
            pltpu.VMEM_SHARED((NS, 128), jnp.float32),
        ],
    )(_sc_counts_body)
    return k(ids32, jnp.ones((CHUNK,), jnp.float32), jnp.zeros((128,), jnp.float32))


def _sums_body(ids_ref, x_ref, w1_ref, b1_ref, out_ref, acc_ref):
    i = pl.program_id(0)
    nsteps = pl.num_programs(0)

    @pl.when(i == 0)
    def _init():
        acc_ref[...] = jnp.zeros_like(acc_ref)

    h = jnp.dot(x_ref[...], w1_ref[...], preferred_element_type=jnp.float32)
    h = jnp.maximum(h + b1_ref[...], 0.0)

    ids_blk = ids_ref[0, :]
    onehot = (ids_blk[None, :] ==
              jax.lax.broadcasted_iota(jnp.int32, (NB, BLK), 0)).astype(jnp.float32)
    acc_ref[...] += jnp.dot(onehot, h, preferred_element_type=jnp.float32)

    @pl.when(i == nsteps - 1)
    def _flush():
        out_ref[...] = acc_ref[...]


def _finish_body(acc_ref, pc_ref, w2_ref, b2_ref, w3_ref, b3_ref, out_ref):
    pcs = pc_ref[0:1, :] + pc_ref[1:2, :]
    sel = (jax.lax.broadcasted_iota(jnp.int32, (NB, 128), 0) ==
           jax.lax.broadcasted_iota(jnp.int32, (NB, 128), 1)).astype(jnp.float32)
    cnt = jax.lax.dot_general(sel, pcs, (((1,), (1,)), ((), ())),
                              preferred_element_type=jnp.float32)
    cnt = jnp.maximum(cnt, 1.0)
    s = jnp.dot(acc_ref[...], w2_ref[...], preferred_element_type=jnp.float32)
    agg = s / cnt + b2_ref[...]
    out_ref[...] = jnp.dot(agg, w3_ref[...], preferred_element_type=jnp.float32) + b3_ref[...]


def kernel(x, ids, W1, b1, W2, b2, W3, b3):
    inner_ids = ids[-1].astype(jnp.int32)
    pcounts = _sc_counts(inner_ids)

    grid = (N // BLK,)
    acc = pl.pallas_call(
        _sums_body,
        grid=grid,
        in_specs=[
            pl.BlockSpec((1, BLK), lambda i: (0, i)),
            pl.BlockSpec((BLK, D), lambda i: (i, 0)),
            pl.BlockSpec((D, H), lambda i: (0, 0)),
            pl.BlockSpec((1, H), lambda i: (0, 0)),
        ],
        out_specs=pl.BlockSpec((NB, H), lambda i: (0, 0)),
        out_shape=jax.ShapeDtypeStruct((NB, H), jnp.float32),
        scratch_shapes=[pltpu.VMEM((NB, H), jnp.float32)],
        compiler_params=pltpu.CompilerParams(
            dimension_semantics=("arbitrary",),
        ),
    )(inner_ids.reshape(1, N), x, W1, b1.reshape(1, H))

    out = pl.pallas_call(
        _finish_body,
        out_shape=jax.ShapeDtypeStruct((NB, 128), jnp.float32),
    )(acc, pcounts, W2, b2.reshape(1, D), W3, b3.reshape(1, 128))
    return out

# --- scband reference (transcript-rebuilt; emitter-appended) ---
"""Pipeline reference for scband-bag-model-6803228197419 (READ-ONLY COPY).

The authoritative reference and input builder live on the scoring server;
editing this copy changes nothing except your own understanding.
"""

import jax, jax.numpy as jnp
import numpy as np

NUM_BAGS = 16

def setup_inputs(seed: int = 0) -> dict:
    key = jax.random.key(seed)
    ks = jax.random.split(key, 8)
    x = jax.random.normal(ks[0], (32768, 512), dtype=jnp.float32)
    ids = jnp.sort(jax.random.randint(ks[1], (1, 32768), 0, NUM_BAGS), axis=-1).astype(jnp.int64)
    W1 = jax.random.normal(ks[2], (512, 1024), dtype=jnp.float32) * 0.02
    b1 = jnp.zeros((1024,), dtype=jnp.float32)
    W2 = jax.random.normal(ks[3], (1024, 512), dtype=jnp.float32) * 0.02
    b2 = jnp.zeros((512,), dtype=jnp.float32)
    W3 = jax.random.normal(ks[4], (512, 128), dtype=jnp.float32) * 0.02
    b3 = jnp.zeros((128,), dtype=jnp.float32)
    return {"x": x, "ids": ids, "W1": W1, "b1": b1, "W2": W2, "b2": b2, "W3": W3, "b3": b3}

def reference(x, ids, W1, b1, W2, b2, W3, b3):
    # ids has shape [1, N]; inner_ids = last row (as in the torch module)
    inner_ids = ids[-1]
    # prepNN: Linear(512,1024) -> ReLU -> Linear(1024,512)
    h = jnp.maximum(x @ W1 + b1, 0.0)
    h = h @ W2 + b2
    # per-bag mean aggregation (aggregation_func = torch.mean over dim=0 of each bag)
    sums = jax.ops.segment_sum(h, inner_ids, num_segments=NUM_BAGS)
    counts = jax.ops.segment_sum(jnp.ones((h.shape[0],), dtype=h.dtype), inner_ids, num_segments=NUM_BAGS)
    agg = sums / jnp.maximum(counts, 1.0)[:, None]
    # afterNN: Linear(512,128)
    out = agg @ W3 + b3
    # ids.shape[0] == 1 -> return output only
    return out

if __name__ == "__main__":
    import jax
    _d = setup_inputs()
    print(jax.jit(kernel)(*tuple(_d.values())))

</pallas_src>

<mosaic_0001>
#map = affine_map<(d0, d1) -> (0)>
#map1 = affine_map<(d0, d1) -> (0, 0)>
module attributes {stable_mosaic.version = 14 : i64} {
  func.func @_sc_counts_body(%arg0: i32, %arg1: i32, %arg2: memref<32768xi32, #tpu.memory_space<hbm>>, %arg3: memref<1024xf32, #tpu.memory_space<hbm>>, %arg4: memref<128xf32, #tpu.memory_space<hbm>>, %arg5: memref<2x128xf32, #tpu.memory_space<hbm>>, %arg6: memref<1024xi32, #tpu.memory_space<vmem>>, %arg7: memref<1024xf32, #tpu.memory_space<vmem>>, %arg8: memref<128xf32, #tpu.memory_space<vmem>>, %arg9: memref<128xf32, #tpu.memory_space<vmem>>, %arg10: memref<16x128xf32, #tpu.memory_space<vmem_shared>>) attributes {dimension_semantics = [#tpu.dimension_semantics<core_parallel>, #tpu.dimension_semantics<subcore_parallel>], iteration_bounds = array<i64: 2, 16>, scalar_prefetch = 0 : i64, scratch_operands = 5 : i64, tpu.core_type = #tpu.core_type<sc_vector_subcore>, window_params = [{transform_indices = #map}, {transform_indices = #map}, {transform_indices = #map}, {transform_indices = #map1}]} {
    %mul3A = arith.constant 16 : i32
    %mul3A_0 = arith.muli %arg0, %mul3A : i32
    %add3A = arith.addi %mul3A_0, %arg1 : i32
    %mul3A_1 = arith.constant 1024 : i32
    %mul3A_2 = arith.muli %add3A, %mul3A_1 : i32
    "tpu.region"() ({
      %run_scoped3A = tpu.sem_alloc : memref<!tpu.dma_semaphore, #tpu.memory_space<semaphore_mem>>
      %dma_start3A = tpu.memref_slice %arg2[%mul3A_2] : memref<32768xi32, #tpu.memory_space<hbm>> -> memref<1024xi32, #tpu.memory_space<hbm>>
      %dma_start3A_5 = tpu.memref_slice %arg2[%mul3A_2] : memref<32768xi32, #tpu.memory_space<hbm>> -> memref<1024xi32, #tpu.memory_space<hbm>>
      tpu.enqueue_dma source(%dma_start3A_5 : memref<1024xi32, #tpu.memory_space<hbm>>) target(%arg6 : memref<1024xi32, #tpu.memory_space<vmem>>) target_semaphore(%run_scoped3A : memref<!tpu.dma_semaphore, #tpu.memory_space<semaphore_mem>>)
      %dma_wait3A = tpu.memref_slice %arg2[%mul3A_2] : memref<32768xi32, #tpu.memory_space<hbm>> -> memref<1024xi32, #tpu.memory_space<hbm>>
      %dma_wait3A_6 = tpu.memref_slice %arg2[%mul3A_2] : memref<32768xi32, #tpu.memory_space<hbm>> -> memref<1024xi32, #tpu.memory_space<hbm>>
      tpu.wait_dma2 semaphore(%run_scoped3A : memref<!tpu.dma_semaphore, #tpu.memory_space<semaphore_mem>>) src(%dma_wait3A_6 : memref<1024xi32, #tpu.memory_space<hbm>>) dst(%arg6 : memref<1024xi32, #tpu.memory_space<vmem>>)
      tpu.yield
    }) : () -> ()
    "tpu.region"() ({
      %run_scoped3A = tpu.sem_alloc : memref<!tpu.dma_semaphore, #tpu.memory_space<semaphore_mem>>
      %dma_start3A = arith.constant 0 : i32
      %dma_start3A_5 = tpu.memref_slice %arg3[%dma_start3A] : memref<1024xf32, #tpu.memory_space<hbm>> -> memref<1024xf32, #tpu.memory_space<hbm>>
      %dma_start3A_6 = arith.constant 0 : i32
      %dma_start3A_7 = tpu.memref_slice %arg3[%dma_start3A_6] : memref<1024xf32, #tpu.memory_space<hbm>> -> memref<1024xf32, #tpu.memory_space<hbm>>
      tpu.enqueue_dma source(%dma_start3A_7 : memref<1024xf32, #tpu.memory_space<hbm>>) target(%arg7 : memref<1024xf32, #tpu.memory_space<vmem>>) target_semaphore(%run_scoped3A : memref<!tpu.dma_semaphore, #tpu.memory_space<semaphore_mem>>)
      %dma_wait3A = arith.constant 0 : i32
      %dma_wait3A_8 = tpu.memref_slice %arg3[%dma_wait3A] : memref<1024xf32, #tpu.memory_space<hbm>> -> memref<1024xf32, #tpu.memory_space<hbm>>
      %dma_wait3A_9 = arith.constant 0 : i32
      %dma_wait3A_10 = tpu.memref_slice %arg3[%dma_wait3A_9] : memref<1024xf32, #tpu.memory_space<hbm>> -> memref<1024xf32, #tpu.memory_space<hbm>>
      tpu.wait_dma2 semaphore(%run_scoped3A : memref<!tpu.dma_semaphore, #tpu.memory_space<semaphore_mem>>) src(%dma_wait3A_10 : memref<1024xf32, #tpu.memory_space<hbm>>) dst(%arg7 : memref<1024xf32, #tpu.memory_space<vmem>>)
      tpu.yield
    }) : () -> ()
    "tpu.region"() ({
      %run_scoped3A = tpu.sem_alloc : memref<!tpu.dma_semaphore, #tpu.memory_space<semaphore_mem>>
      %dma_start3A = arith.constant 0 : i32
      %dma_start3A_5 = tpu.memref_slice %arg10[%arg1, %dma_start3A] : memref<16x128xf32, #tpu.memory_space<vmem_shared>> -> memref<1x128xf32, #tpu.memory_space<vmem_shared>>
      %dma_start3A_6 = tpu.memref_squeeze %dma_start3A_5 : memref<1x128xf32, #tpu.memory_space<vmem_shared>> -> memref<128xf32, #tpu.memory_space<vmem_shared>>
      tpu.enqueue_dma source(%arg4 : memref<128xf32, #tpu.memory_space<hbm>>) target(%dma_start3A_6 : memref<128xf32, #tpu.memory_space<vmem_shared>>) target_semaphore(%run_scoped3A : memref<!tpu.dma_semaphore, #tpu.memory_space<semaphore_mem>>)
      %dma_wait3A = arith.constant 0 : i32
      %dma_wait3A_7 = tpu.memref_slice %arg10[%arg1, %dma_wait3A] : memref<16x128xf32, #tpu.memory_space<vmem_shared>> -> memref<1x128xf32, #tpu.memory_space<vmem_shared>>
      %dma_wait3A_8 = tpu.memref_squeeze %dma_wait3A_7 : memref<1x128xf32, #tpu.memory_space<vmem_shared>> -> memref<128xf32, #tpu.memory_space<vmem_shared>>
      tpu.wait_dma2 semaphore(%run_scoped3A : memref<!tpu.dma_semaphore, #tpu.memory_space<semaphore_mem>>) src(%arg4 : memref<128xf32, #tpu.memory_space<hbm>>) dst(%dma_wait3A_8 : memref<128xf32, #tpu.memory_space<vmem_shared>>)
      tpu.yield
    }) : () -> ()
    "tpu.region"() ({
      %run_scoped3A = tpu.sem_alloc : memref<!tpu.dma_semaphore, #tpu.memory_space<semaphore_mem>>
      %dma_start3A = arith.constant 0 : i32
      %dma_start3A_5 = tpu.memref_slice %arg10[%arg1, %dma_start3A] : memref<16x128xf32, #tpu.memory_space<vmem_shared>> -> memref<1x128xf32, #tpu.memory_space<vmem_shared>>
      %dma_start3A_6 = tpu.memref_squeeze %dma_start3A_5 : memref<1x128xf32, #tpu.memory_space<vmem_shared>> -> memref<128xf32, #tpu.memory_space<vmem_shared>>
      %dma_start3A_7 = arith.constant 0 : i32
      %dma_start3A_8 = tpu.memref_slice %dma_start3A_6[%dma_start3A_7] : memref<128xf32, #tpu.memory_space<vmem_shared>> -> memref<128xf32, #tpu.memory_space<vmem_shared>>
      tpu.enqueue_indirect_dma source(%arg7 : memref<1024xf32, #tpu.memory_space<vmem>>) target(%dma_start3A_8 : memref<128xf32, #tpu.memory_space<vmem_shared>>) offsets(%arg6 : memref<1024xi32, #tpu.memory_space<vmem>>) semaphore(%run_scoped3A : memref<!tpu.dma_semaphore, #tpu.memory_space<semaphore_mem>>) {add = true}
      %dma_wait3A = arith.constant 0 : i32
      %dma_wait3A_9 = tpu.memref_slice %arg10[%arg1, %dma_wait3A] : memref<16x128xf32, #tpu.memory_space<vmem_shared>> -> memref<1x128xf32, #tpu.memory_space<vmem_shared>>
      %dma_wait3A_10 = tpu.memref_squeeze %dma_wait3A_9 : memref<1x128xf32, #tpu.memory_space<vmem_shared>> -> memref<128xf32, #tpu.memory_space<vmem_shared>>
      %dma_wait3A_11 = arith.constant 0 : i32
      %dma_wait3A_12 = tpu.memref_slice %dma_wait3A_10[%dma_wait3A_11] : memref<128xf32, #tpu.memory_space<vmem_shared>> -> memref<128xf32, #tpu.memory_space<vmem_shared>>
      tpu.wait_indirect_dma semaphore(%run_scoped3A : memref<!tpu.dma_semaphore, #tpu.memory_space<semaphore_mem>>) src(%arg7 : memref<1024xf32, #tpu.memory_space<vmem>>) dst(%dma_wait3A_12 : memref<128xf32, #tpu.memory_space<vmem_shared>>)
      tpu.yield
    }) : () -> ()
    %barrier3A = arith.constant 0 : index
    tpu.barrier barrier_id(%barrier3A)
    %eq3A = arith.constant 0 : i32
    %eq3A_3 = arith.cmpi eq, %arg1, %eq3A : i32
    %convert_element_type3A = arith.extui %eq3A_3 : i1 to i32
    %cond3A = arith.constant 0 : i32
    %cond3A_4 = arith.cmpi ne, %convert_element_type3A, %cond3A : i32
    scf.if %cond3A_4 {
      "tpu.region"() ({
        %run_scoped3A_1426 = tpu.sem_alloc : memref<!tpu.dma_semaphore, #tpu.memory_space<semaphore_mem>>
        tpu.enqueue_dma source(%arg4 : memref<128xf32, #tpu.memory_space<hbm>>) target(%arg8 : memref<128xf32, #tpu.memory_space<vmem>>) target_semaphore(%run_scoped3A_1426 : memref<!tpu.dma_semaphore, #tpu.memory_space<semaphore_mem>>)
        tpu.wait_dma2 semaphore(%run_scoped3A_1426 : memref<!tpu.dma_semaphore, #tpu.memory_space<semaphore_mem>>) src(%arg4 : memref<128xf32, #tpu.memory_space<hbm>>) dst(%arg8 : memref<128xf32, #tpu.memory_space<vmem>>)
        tpu.yield
      }) : () -> ()
      %run_scoped3A = arith.constant 15 : i32
      "tpu.region"() ({
        %run_scoped3A_1426 = tpu.sem_alloc : memref<!tpu.dma_semaphore, #tpu.memory_space<semaphore_mem>>
        %dma_start3A = arith.constant 0 : i32
        %dma_start3A_1427 = tpu.memref_slice %arg10[%run_scoped3A, %dma_start3A] : memref<16x128xf32, #tpu.memory_space<vmem_shared>> -> memref<1x128xf32, #tpu.memory_space<vmem_shared>>
        %dma_start3A_1428 = tpu.memref_squeeze %dma_start3A_1427 : memref<1x128xf32, #tpu.memory_space<vmem_shared>> -> memref<128xf32, #tpu.memory_space<vmem_shared>>
        %dma_start3A_1429 = arith.constant 0 : i32
        %dma_start3A_1430 = tpu.memref_slice %arg10[%run_scoped3A, %dma_start3A_1429] : memref<16x128xf32, #tpu.memory_space<vmem_shared>> -> memref<1x128xf32, #tpu.memory_space<vmem_shared>>
        %dma_start3A_1431 = tpu.memref_squeeze %dma_start3A_1430 : memref<1x128xf32, #tpu.memory_space<vmem_shared>> -> memref<128xf32, #tpu.memory_space<vmem_shared>>
        tpu.enqueue_dma source(%dma_start3A_1431 : memref<128xf32, #tpu.memory_space<vmem_shared>>) target(%arg9 : memref<128xf32, #tpu.memory_space<vmem>>) target_semaphore(%run_scoped3A_1426 : memref<!tpu.dma_semaphore, #tpu.memory_space<semaphore_mem>>)
        %dma_wait3A = arith.constant 0 : i32
        %dma_wait3A_1432 = tpu.memref_slice %arg10[%run_scoped3A, %dma_wait3A] : memref<16x128xf32, #tpu.memory_space<vmem_shared>> -> memref<1x128xf32, #tpu.memory_space<vmem_shared>>
        %dma_wait3A_1433 = tpu.memref_squeeze %dma_wait3A_1432 : memref<1x128xf32, #tpu.memory_space<vmem_shared>> -> memref<128xf32, #tpu.memory_space<vmem_shared>>
        %dma_wait3A_1434 = arith.constant 0 : i32
        %dma_wait3A_1435 = tpu.memref_slice %arg10[%run_scoped3A, %dma_wait3A_1434] : memref<16x128xf32, #tpu.memory_space<vmem_shared>> -> memref<1x128xf32, #tpu.memory_space<vmem_shared>>
        %dma_wait3A_1436 = tpu.memref_squeeze %dma_wait3A_1435 : memref<1x128xf32, #tpu.memory_space<vmem_shared>> -> memref<128xf32, #tpu.memory_space<vmem_shared>>
        tpu.wait_dma2 semaphore(%run_scoped3A_1426 : memref<!tpu.dma_semaphore, #tpu.memory_space<semaphore_mem>>) src(%dma_wait3A_1436 : memref<128xf32, #tpu.memory_space<vmem_shared>>) dst(%arg9 : memref<128xf32, #tpu.memory_space<vmem>>)
        tpu.yield
      }) : () -> ()
      %get3A = arith.constant 0 : index
      %get3A_5 = tpu.vector_load %arg8[%get3A] {strides = array<i32>} : memref<128xf32, #tpu.memory_space<vmem>>, vector<16xf32>,
      %get3A_6 = vector.shape_cast %get3A_5 : vector<16xf32> to vector<16xf32>
      %get3A_7 = arith.constant 0 : index
      %get3A_8 = tpu.vector_load %arg9[%get3A_7] {strides = array<i32>} : memref<128xf32, #tpu.memory_space<vmem>>, vector<16xf32>,
      %get3A_9 = vector.shape_cast %get3A_8 : vector<16xf32> to vector<16xf32>
      %add3A_10 = arith.addf %get3A_6, %get3A_9 : vector<16xf32>
      %swap3A = arith.constant 0 : index
      %swap3A_11 = tpu.vector_load %arg8[%swap3A] {strides = array<i32>} : memref<128xf32, #tpu.memory_space<vmem>>, vector<16xf32>,
      %swap3A_12 = vector.shape_cast %swap3A_11 : vector<16xf32> to vector<16xf32>
      %swap3A_13 = vector.shape_cast %add3A_10 : vector<16xf32> to vector<16xf32>
      tpu.vector_store %arg8[%swap3A], %swap3A_13 {strides = array<i32>} : memref<128xf32, #tpu.memory_space<vmem>>, vector<16xf32>,
      %get3A_14 = arith.constant 16 : index
      %get3A_15 = tpu.vector_load %arg8[%get3A_14] {strides = array<i32>} : memref<128xf32, #tpu.memory_space<vmem>>, vector<16xf32>,
      %get3A_16 = vector.shape_cast %get3A_15 : vector<16xf32> to vector<16xf32>
      %get3A_17 = arith.constant 16 : index
      %get3A_18 = tpu.vector_load %arg9[%get3A_17] {strides = array<i32>} : memref<128xf32, #tpu.memory_space<vmem>>, vector<16xf32>,
      %get3A_19 = vector.shape_cast %get3A_18 : vector<16xf32> to vector<16xf32>
      %add3A_20 = arith.addf %get3A_16, %get3A_19 : vector<16xf32>
      %swap3A_21 = arith.constant 16 : index
      %swap3A_22 = tpu.vector_load %arg8[%swap3A_21] {strides = array<i32>} : memref<128xf32, #tpu.memory_space<vmem>>, vector<16xf32>,
      %swap3A_23 = vector.shape_cast %swap3A_22 : vector<16xf32> to vector<16xf32>
      %swap3A_24 = vector.shape_cast %add3A_20 : vector<16xf32> to vector<16xf32>
      tpu.vector_store %arg8[%swap3A_21], %swap3A_24 {strides = array<i32>} : memref<128xf32, #tpu.memory_space<vmem>>, vector<16xf32>,
      %get3A_25 = arith.constant 32 : index
      %get3A_26 = tpu.vector_load %arg8[%get3A_25] {strides = array<i32>} : memref<128xf32, #tpu.memory_space<vmem>>, vector<16xf32>,
      %get3A_27 = vector.shape_cast %get3A_26 : vector<16xf32> to vector<16xf32>
      %get3A_28 = arith.constant 32 : index
      %get3A_29 = tpu.vector_load %arg9[%get3A_28] {strides = array<i32>} : memref<128xf32, #tpu.memory_space<vmem>>, vector<16xf32>,
      %get3A_30 = vector.shape_cast %get3A_29 : vector<16xf32> to vector<16xf32>
      %add3A_31 = arith.addf %get3A_27, %get3A_30 : vector<16xf32>
      %swap3A_32 = arith.constant 32 : index
      %swap3A_33 = tpu.vector_load %arg8[%swap3A_32] {strides = array<i32>} : memref<128xf32, #tpu.memory_space<vmem>>, vector<16xf32>,
      %swap3A_34 = vector.shape_cast %swap3A_33 : vector<16xf32> to vector<16xf32>
      %swap3A_35 = vector.shape_cast %add3A_31 : vector<16xf32> to vector<16xf32>
      tpu.vector_store %arg8[%swap3A_32], %swap3A_35 {strides = array<i32>} : memref<128xf32, #tpu.memory_space<vmem>>, vector<16xf32>,
      %get3A_36 = arith.constant 48 : index
      %get3A_37 = tpu.vector_load %arg8[%get3A_36] {strides = array<i32>} : memref<128xf32, #tpu.memory_space<vmem>>, vector<16xf32>,
      %get3A_38 = vector.shape_cast %get3A_37 : vector<16xf32> to vector<16xf32>
      %get3A_39 = arith.constant 48 : index
      %get3A_40 = tpu.vector_load %arg9[%get3A_39] {strides = array<i32>} : memref<128xf32, #tpu.memory_space<vmem>>, vector<16xf32>,
      %get3A_41 = vector.shape_cast %get3A_40 : vector<16xf32> to vector<16xf32>
      %add3A_42 = arith.addf %get3A_38, %get3A_41 : vector<16xf32>
      %swap3A_43 = arith.constant 48 : index
      %swap3A_44 = tpu.vector_load %arg8[%swap3A_43] {strides = array<i32>} : memref<128xf32, #tpu.memory_space<vmem>>, vector<16xf32>,
      %swap3A_45 = vector.shape_cast %swap3A_44 : vector<16xf32> to vector<16xf32>
      %swap3A_46 = vector.shape_cast %add3A_42 : vector<16xf32> to vector<16xf32>
      tpu.vector_store %arg8[%swap3A_43], %swap3A_46 {strides = array<i32>} : memref<128xf32, #tpu.memory_space<vmem>>, vector<16xf32>,
      %get3A_47 = arith.constant 64 : index
      %get3A_48 = tpu.vector_load %arg8[%get3A_47] {strides = array<i32>} : memref<128xf32, #tpu.memory_space<vmem>>, vector<16xf32>,
      %get3A_49 = vector.shape_cast %get3A_48 : vector<16xf32> to vector<16xf32>
      %get3A_50 = arith.constant 64 : index
      %get3A_51 = tpu.vector_load %arg9[%get3A_50] {strides = array<i32>} : memref<128xf32, #tpu.memory_space<vmem>>, vector<16xf32>,
      %get3A_52 = vector.shape_cast %get3A_51 : vector<16xf32> to vector<16xf32>
      %add3A_53 = arith.addf %get3A_49, %get3A_52 : vector<16xf32>
      %swap3A_54 = arith.constant 64 : index
      %swap3A_55 = tpu.vector_load %arg8[%swap3A_54] {strides = array<i32>} : memref<128xf32, #tpu.memory_space<vmem>>, vector<16xf32>,
      %swap3A_56 = vector.shape_cast %swap3A_55 : vector<16xf32> to vector<16xf32>
      %swap3A_57 = vector.shape_cast %add3A_53 : vector<16xf32> to vector<16xf32>
      tpu.vector_store %arg8[%swap3A_54], %swap3A_57 {strides = array<i32>} : memref<128xf32, #tpu.memory_space<vmem>>, vector<16xf32>,
      %get3A_58 = arith.constant 80 : index
      %get3A_59 = tpu.vector_load %arg8[%get3A_58] {strides = array<i32>} : memref<128xf32, #tpu.memory_space<vmem>>, vector<16xf32>,
      %get3A_60 = vector.shape_cast %get3A_59 : vector<16xf32> to vector<16xf32>
      %get3A_61 = arith.constant 80 : index
      %get3A_62 = tpu.vector_load %arg9[%get3A_61] {strides = array<i32>} : memref<128xf32, #tpu.memory_space<vmem>>, vector<16xf32>,
      %get3A_63 = vector.shape_cast %get3A_62 : vector<16xf32> to vector<16xf32>
      %add3A_64 = arith.addf %get3A_60, %get3A_63 : vector<16xf32>
      %swap3A_65 = arith.constant 80 : index
      %swap3A_66 = tpu.vector_load %arg8[%swap3A_65] {strides = array<i32>} : memref<128xf32, #tpu.memory_space<vmem>>, vector<16xf32>,
      %swap3A_67 = vector.shape_cast %swap3A_66 : vector<16xf32> to vector<16xf32>
      %swap3A_68 = vector.shape_cast %add3A_64 : vector<16xf32> to vector<16xf32>
      tpu.vector_store %arg8[%swap3A_65], %swap3A_68 {strides = array<i32>} : memref<128xf32, #tpu.memory_space<vmem>>, vector<16xf32>,
      %get3A_69 = arith.constant 96 : index
      %get3A_70 = tpu.vector_load %arg8[%get3A_69] {strides = array<i32>} : memref<128xf32, #tpu.memory_space<vmem>>, vector<16xf32>,
      %get3A_71 = vector.shape_cast %get3A_70 : vector<16xf32> to vector<16xf32>
      %get3A_72 = arith.constant 96 : index
      %get3A_73 = tpu.vector_load %arg9[%get3A_72] {strides = array<i32>} : memref<128xf32, #tpu.memory_space<vmem>>, vector<16xf32>,
      %get3A_74 = vector.shape_cast %get3A_73 : vector<16xf32> to vector<16xf32>
      %add3A_75 = arith.addf %get3A_71, %get3A_74 : vector<16xf32>
      %swap3A_76 = arith.constant 96 : index
      %swap3A_77 = tpu.vector_load %arg8[%swap3A_76] {strides = array<i32>} : memref<128xf32, #tpu.memory_space<vmem>>, vector<16xf32>,
      %swap3A_78 = vector.shape_cast %swap3A_77 : vector<16xf32> to vector<16xf32>
      %swap3A_79 = vector.shape_cast %add3A_75 : vector<16xf32> to vector<16xf32>
      tpu.vector_store %arg8[%swap3A_76], %swap3A_79 {strides = array<i32>} : memref<128xf32, #tpu.memory_space<vmem>>, vector<16xf32>,
      %get3A_80 = arith.constant 112 : index
      %get3A_81 = tpu.vector_load %arg8[%get3A_80] {strides = array<i32>} : memref<128xf32, #tpu.memory_space<vmem>>, vector<16xf32>,
      %get3A_82 = vector.shape_cast %get3A_81 : vector<16xf32> to vector<16xf32>
      %get3A_83 = arith.constant 112 : index
      %get3A_84 = tpu.vector_load %arg9[%get3A_83] {strides = array<i32>} : memref<128xf32, #tpu.memory_space<vmem>>, vector<16xf32>,
      %get3A_85 = vector.shape_cast %get3A_84 : vector<16xf32> to vector<16xf32>
      %add3A_86 = arith.addf %get3A_82, %get3A_85 : vector<16xf32>
      %swap3A_87 = arith.constant 112 : index
      %swap3A_88 = tpu.vector_load %arg8[%swap3A_87] {strides = array<i32>} : memref<128xf32, #tpu.memory_space<vmem>>, vector<16xf32>,
      %swap3A_89 = vector.shape_cast %swap3A_88 : vector<16xf32> to vector<16xf32>
      %swap3A_90 = vector.shape_cast %add3A_86 : vector<16xf32> to vector<16xf32>
      tpu.vector_store %arg8[%swap3A_87], %swap3A_90 {strides = array<i32>} : memref<128xf32, #tpu.memory_space<vmem>>, vector<16xf32>,
      %run_scoped3A_91 = arith.constant 14 : i32
      "tpu.region"() ({
        %run_scoped3A_1426 = tpu.sem_alloc : memref<!tpu.dma_semaphore, #tpu.memory_space<semaphore_mem>>
        %dma_start3A = arith.constant 0 : i32
        %dma_start3A_1427 = tpu.memref_slice %arg10[%run_scoped3A_91, %dma_start3A] : memref<16x128xf32, #tpu.memory_space<vmem_shared>> -> memref<1x128xf32, #tpu.memory_space<vmem_shared>>
        %dma_start3A_1428 = tpu.memref_squeeze %dma_start3A_1427 : memref<1x128xf32, #tpu.memory_space<vmem_shared>> -> memref<128xf32, #tpu.memory_space<vmem_shared>>
        %dma_start3A_1429 = arith.constant 0 : i32
        %dma_start3A_1430 = tpu.memref_slice %arg10[%run_scoped3A_91, %dma_start3A_1429] : memref<16x128xf32, #tpu.memory_space<vmem_shared>> -> memref<1x128xf32, #tpu.memory_space<vmem_shared>>
        %dma_start3A_1431 = tpu.memref_squeeze %dma_start3A_1430 : memref<1x128xf32, #tpu.memory_space<vmem_shared>> -> memref<128xf32, #tpu.memory_space<vmem_shared>>
        tpu.enqueue_dma source(%dma_start3A_1431 : memref<128xf32, #tpu.memory_space<vmem_shared>>) target(%arg9 : memref<128xf32, #tpu.memory_space<vmem>>) target_semaphore(%run_scoped3A_1426 : memref<!tpu.dma_semaphore, #tpu.memory_space<semaphore_mem>>)
        %dma_wait3A = arith.constant 0 : i32
        %dma_wait3A_1432 = tpu.memref_slice %arg10[%run_scoped3A_91, %dma_wait3A] : memref<16x128xf32, #tpu.memory_space<vmem_shared>> -> memref<1x128xf32, #tpu.memory_space<vmem_shared>>
        %dma_wait3A_1433 = tpu.memref_squeeze %dma_wait3A_1432 : memref<1x128xf32, #tpu.memory_space<vmem_shared>> -> memref<128xf32, #tpu.memory_space<vmem_shared>>
        %dma_wait3A_1434 = arith.constant 0 : i32
        %dma_wait3A_1435 = tpu.memref_slice %arg10[%run_scoped3A_91, %dma_wait3A_1434] : memref<16x128xf32, #tpu.memory_space<vmem_shared>> -> memref<1x128xf32, #tpu.memory_space<vmem_shared>>
        %dma_wait3A_1436 = tpu.memref_squeeze %dma_wait3A_1435 : memref<1x128xf32, #tpu.memory_space<vmem_shared>> -> memref<128xf32, #tpu.memory_space<vmem_shared>>
        tpu.wait_dma2 semaphore(%run_scoped3A_1426 : memref<!tpu.dma_semaphore, #tpu.memory_space<semaphore_mem>>) src(%dma_wait3A_1436 : memref<128xf32, #tpu.memory_space<vmem_shared>>) dst(%arg9 : memref<128xf32, #tpu.memory_space<vmem>>)
        tpu.yield
      }) : () -> ()
      %get3A_92 = arith.constant 0 : index
      %get3A_93 = tpu.vector_load %arg8[%get3A_92] {strides = array<i32>} : memref<128xf32, #tpu.memory_space<vmem>>, vector<16xf32>,
      %get3A_94 = vector.shape_cast %get3A_93 : vector<16xf32> to vector<16xf32>
      %get3A_95 = arith.constant 0 : index
      %get3A_96 = tpu.vector_load %arg9[%get3A_95] {strides = array<i32>} : memref<128xf32, #tpu.memory_space<vmem>>, vector<16xf32>,
      %get3A_97 = vector.shape_cast %get3A_96 : vector<16xf32> to vector<16xf32>
      %add3A_98 = arith.addf %get3A_94, %get3A_97 : vector<16xf32>
      %swap3A_99 = arith.constant 0 : index
      %swap3A_100 = tpu.vector_load %arg8[%swap3A_99] {strides = array<i32>} : memref<128xf32, #tpu.memory_space<vmem>>, vector<16xf32>,
      %swap3A_101 = vector.shape_cast %swap3A_100 : vector<16xf32> to vector<16xf32>
      %swap3A_102 = vector.shape_cast %add3A_98 : vector<16xf32> to vector<16xf32>
      tpu.vector_store %arg8[%swap3A_99], %swap3A_102 {strides = array<i32>} : memref<128xf32, #tpu.memory_space<vmem>>, vector<16xf32>,
      %get3A_103 = arith.constant 16 : index
      %get3A_104 = tpu.vector_load %arg8[%get3A_103] {strides = array<i32>} : memref<128xf32, #tpu.memory_space<vmem>>, vector<16xf32>,
      %get3A_105 = vector.shape_cast %get3A_104 : vector<16xf32> to vector<16xf32>
      %get3A_106 = arith.constant 16 : index
      %get3A_107 = tpu.vector_load %arg9[%get3A_106] {strides = array<i32>} : memref<128xf32, #tpu.memory_space<vmem>>, vector<16xf32>,
      %get3A_108 = vector.shape_cast %get3A_107 : vector<16xf32> to vector<16xf32>
      %add3A_109 = arith.addf %get3A_105, %get3A_108 : vector<16xf32>
      %swap3A_110 = arith.constant 16 : index
      %swap3A_111 = tpu.vector_load %arg8[%swap3A_110] {strides = array<i32>} : memref<128xf32, #tpu.memory_space<vmem>>, vector<16xf32>,
      %swap3A_112 = vector.shape_cast %swap3A_111 : vector<16xf32> to vector<16xf32>
      %swap3A_113 = vector.shape_cast %add3A_109 : vector<16xf32> to vector<16xf32>
      tpu.vector_store %arg8[%swap3A_110], %swap3A_113 {strides = array<i32>} : memref<128xf32, #tpu.memory_space<vmem>>, vector<16xf32>,
      %get3A_114 = arith.constant 32 : index
      %get3A_115 = tpu.vector_load %arg8[%get3A_114] {strides = array<i32>} : memref<128xf32, #tpu.memory_space<vmem>>, vector<16xf32>,
      %get3A_116 = vector.shape_cast %get3A_115 : vector<16xf32> to vector<16xf32>
      %get3A_117 = arith.constant 32 : index
      %get3A_118 = tpu.vector_load %arg9[%get3A_117] {strides = array<i32>} : memref<128xf32, #tpu.memory_space<vmem>>, vector<16xf32>,
      %get3A_119 = vector.shape_cast %get3A_118 : vector<16xf32> to vector<16xf32>
      %add3A_120 = arith.addf %get3A_116, %get3A_119 : vector<16xf32>
      %swap3A_121 = arith.constant 32 : index
      %swap3A_122 = tpu.vector_load %arg8[%swap3A_121] {strides = array<i32>} : memref<128xf32, #tpu.memory_space<vmem>>, vector<16xf32>,
      %swap3A_123 = vector.shape_cast %swap3A_122 : vector<16xf32> to vector<16xf32>
      %swap3A_124 = vector.shape_cast %add3A_120 : vector<16xf32> to vector<16xf32>
      tpu.vector_store %arg8[%swap3A_121], %swap3A_124 {strides = array<i32>} : memref<128xf32, #tpu.memory_space<vmem>>, vector<16xf32>,
      %get3A_125 = arith.constant 48 : index
      %get3A_126 = tpu.vector_load %arg8[%get3A_125] {strides = array<i32>} : memref<128xf32, #tpu.memory_space<vmem>>, vector<16xf32>,
      %get3A_127 = vector.shape_cast %get3A_126 : vector<16xf32> to vector<16xf32>
      %get3A_128 = arith.constant 48 : index
      %get3A_129 = tpu.vector_load %arg9[%get3A_128] {strides = array<i32>} : memref<128xf32, #tpu.memory_space<vmem>>, vector<16xf32>,
      %get3A_130 = vector.shape_cast %get3A_129 : vector<16xf32> to vector<16xf32>
      %add3A_131 = arith.addf %get3A_127, %get3A_130 : vector<16xf32>
      %swap3A_132 = arith.constant 48 : index
      %swap3A_133 = tpu.vector_load %arg8[%swap3A_132] {strides = array<i32>} : memref<128xf32, #tpu.memory_space<vmem>>, vector<16xf32>,
      %swap3A_134 = vector.shape_cast %swap3A_133 : vector<16xf32> to vector<16xf32>
      %swap3A_135 = vector.shape_cast %add3A_131 : vector<16xf32> to vector<16xf32>
      tpu.vector_store %arg8[%swap3A_132], %swap3A_135 {strides = array<i32>} : memref<128xf32, #tpu.memory_space<vmem>>, vector<16xf32>,
      %get3A_136 = arith.constant 64 : index
      %get3A_137 = tpu.vector_load %arg8[%get3A_136] {strides = array<i32>} : memref<128xf32, #tpu.memory_space<vmem>>, vector<16xf32>,
      %get3A_138 = vector.shape_cast %get3A_137 : vector<16xf32> to vector<16xf32>
      %get3A_139 = arith.constant 64 : index
      %get3A_140 = tpu.vector_load %arg9[%get3A_139] {strides = array<i32>} : memref<128xf32, #tpu.memory_space<vmem>>, vector<16xf32>,
      %get3A_141 = vector.shape_cast %get3A_140 : vector<16xf32> to vector<16xf32>
      %add3A_142 = arith.addf %get3A_138, %get3A_141 : vector<16xf32>
      %swap3A_143 = arith.constant 64 : index
      %swap3A_144 = tpu.vector_load %arg8[%swap3A_143] {strides = array<i32>} : memref<128xf32, #tpu.memory_space<vmem>>, vector<16xf32>,
      %swap3A_145 = vector.shape_cast %swap3A_144 : vector<16xf32> to vector<16xf32>
      %swap3A_146 = vector.shape_cast %add3A_142 : vector<16xf32> to vector<16xf32>
      tpu.vector_store %arg8[%swap3A_143], %swap3A_146 {strides = array<i32>} : memref<128xf32, #tpu.memory_space<vmem>>, vector<16xf32>,
      %get3A_147 = arith.constant 80 : index
      %get3A_148 = tpu.vector_load %arg8[%get3A_147] {strides = array<i32>} : memref<128xf32, #tpu.memory_space<vmem>>, vector<16xf32>,
      %get3A_149 = vector.shape_cast %get3A_148 : vector<16xf32> to vector<16xf32>
      %get3A_150 = arith.constant 80 : index
      %get3A_151 = tpu.vector_load %arg9[%get3A_150] {strides = array<i32>} : memref<128xf32, #tpu.memory_space<vmem>>, vector<16xf32>,
      %get3A_152 = vector.shape_cast %get3A_151 : vector<16xf32> to vector<16xf32>
      %add3A_153 = arith.addf %get3A_149, %get3A_152 : vector<16xf32>
      %swap3A_154 = arith.constant 80 : index
      %swap3A_155 = tpu.vector_load %arg8[%swap3A_154] {strides = array<i32>} : memref<128xf32, #tpu.memory_space<vmem>>, vector<16xf32>,
      %swap3A_156 = vector.shape_cast %swap3A_155 : vector<16xf32> to vector<16xf32>
      %swap3A_157 = vector.shape_cast %add3A_153 : vector<16xf32> to vector<16xf32>
      tpu.vector_store %arg8[%swap3A_154], %swap3A_157 {strides = array<i32>} : memref<128xf32, #tpu.memory_space<vmem>>, vector<16xf32>,
      %get3A_158 = arith.constant 96 : index
      %get3A_159 = tpu.vector_load %arg8[%get3A_158] {strides = array<i32>} : memref<128xf32, #tpu.memory_space<vmem>>, vector<16xf32>,
      %get3A_160 = vector.shape_cast %get3A_159 : vector<16xf32> to vector<16xf32>
      %get3A_161 = arith.constant 96 : index
      %get3A_162 = tpu.vector_load %arg9[%get3A_161] {strides = array<i32>} : memref<128xf32, #tpu.memory_space<vmem>>, vector<16xf32>,
      %get3A_163 = vector.shape_cast %get3A_162 : vector<16xf32> to vector<16xf32>
      %add3A_164 = arith.addf %get3A_160, %get3A_163 : vector<16xf32>
      %swap3A_165 = arith.constant 96 : index
      %swap3A_166 = tpu.vector_load %arg8[%swap3A_165] {strides = array<i32>} : memref<128xf32, #tpu.memory_space<vmem>>, vector<16xf32>,
      %swap3A_167 = vector.shape_cast %swap3A_166 : vector<16xf32> to vector<16xf32>
      %swap3A_168 = vector.shape_cast %add3A_164 : vector<16xf32> to vector<16xf32>
      tpu.vector_store %arg8[%swap3A_165], %swap3A_168 {strides = array<i32>} : memref<128xf32, #tpu.memory_space<vmem>>, vector<16xf32>,
      %get3A_169 = arith.constant 112 : index
      %get3A_170 = tpu.vector_load %arg8[%get3A_169] {strides = array<i32>} : memref<128xf32, #tpu.memory_space<vmem>>, vector<16xf32>,
      %get3A_171 = vector.shape_cast %get3A_170 : vector<16xf32> to vector<16xf32>
      %get3A_172 = arith.constant 112 : index
      %get3A_173 = tpu.vector_load %arg9[%get3A_172] {strides = array<i32>} : memref<128xf32, #tpu.memory_space<vmem>>, vector<16xf32>,
      %get3A_174 = vector.shape_cast %get3A_173 : vector<16xf32> to vector<16xf32>
      %add3A_175 = arith.addf %get3A_171, %get3A_174 : vector<16xf32>
      %swap3A_176 = arith.constant 112 : index
      %swap3A_177 = tpu.vector_load %arg8[%swap3A_176] {strides = array<i32>} : memref<128xf32, #tpu.memory_space<vmem>>, vector<16xf32>,
      %swap3A_178 = vector.shape_cast %swap3A_177 : vector<16xf32> to vector<16xf32>
      %swap3A_179 = vector.shape_cast %add3A_175 : vector<16xf32> to vector<16xf32>
      tpu.vector_store %arg8[%swap3A_176], %swap3A_179 {strides = array<i32>} : memref<128xf32, #tpu.memory_space<vmem>>, vector<16xf32>,
      %run_scoped3A_180 = arith.constant 13 : i32
      "tpu.region"() ({
        %run_scoped3A_1426 = tpu.sem_alloc : memref<!tpu.dma_semaphore, #tpu.memory_space<semaphore_mem>>
        %dma_start3A = arith.constant 0 : i32
        %dma_start3A_1427 = tpu.memref_slice %arg10[%run_scoped3A_180, %dma_start3A] : memref<16x128xf32, #tpu.memory_space<vmem_shared>> -> memref<1x128xf32, #tpu.memory_space<vmem_shared>>
        %dma_start3A_1428 = tpu.memref_squeeze %dma_start3A_1427 : memref<1x128xf32, #tpu.memory_space<vmem_shared>> -> memref<128xf32, #tpu.memory_space<vmem_shared>>
        %dma_start3A_1429 = arith.constant 0 : i32
        %dma_start3A_1430 = tpu.memref_slice %arg10[%run_scoped3A_180, %dma_start3A_1429] : memref<16x128xf32, #tpu.memory_space<vmem_shared>> -> memref<1x128xf32, #tpu.memory_space<vmem_shared>>
        %dma_start3A_1431 = tpu.memref_squeeze %dma_start3A_1430 : memref<1x128xf32, #tpu.memory_space<vmem_shared>> -> memref<128xf32, #tpu.memory_space<vmem_shared>>
        tpu.enqueue_dma source(%dma_start3A_1431 : memref<128xf32, #tpu.memory_space<vmem_shared>>) target(%arg9 : memref<128xf32, #tpu.memory_space<vmem>>) target_semaphore(%run_scoped3A_1426 : memref<!tpu.dma_semaphore, #tpu.memory_space<semaphore_mem>>)
        %dma_wait3A = arith.constant 0 : i32
        %dma_wait3A_1432 = tpu.memref_slice %arg10[%run_scoped3A_180, %dma_wait3A] : memref<16x128xf32, #tpu.memory_space<vmem_shared>> -> memref<1x128xf32, #tpu.memory_space<vmem_shared>>
        %dma_wait3A_1433 = tpu.memref_squeeze %dma_wait3A_1432 : memref<1x128xf32, #tpu.memory_space<vmem_shared>> -> memref<128xf32, #tpu.memory_space<vmem_shared>>
        %dma_wait3A_1434 = arith.constant 0 : i32
        %dma_wait3A_1435 = tpu.memref_slice %arg10[%run_scoped3A_180, %dma_wait3A_1434] : memref<16x128xf32, #tpu.memory_space<vmem_shared>> -> memref<1x128xf32, #tpu.memory_space<vmem_shared>>
        %dma_wait3A_1436 = tpu.memref_squeeze %dma_wait3A_1435 : memref<1x128xf32, #tpu.memory_space<vmem_shared>> -> memref<128xf32, #tpu.memory_space<vmem_shared>>
        tpu.wait_dma2 semaphore(%run_scoped3A_1426 : memref<!tpu.dma_semaphore, #tpu.memory_space<semaphore_mem>>) src(%dma_wait3A_1436 : memref<128xf32, #tpu.memory_space<vmem_shared>>) dst(%arg9 : memref<128xf32, #tpu.memory_space<vmem>>)
        tpu.yield
      }) : () -> ()
      %get3A_181 = arith.constant 0 : index
      %get3A_182 = tpu.vector_load %arg8[%get3A_181] {strides = array<i32>} : memref<128xf32, #tpu.memory_space<vmem>>, vector<16xf32>,
      %get3A_183 = vector.shape_cast %get3A_182 : vector<16xf32> to vector<16xf32>
      %get3A_184 = arith.constant 0 : index
      %get3A_185 = tpu.vector_load %arg9[%get3A_184] {strides = array<i32>} : memref<128xf32, #tpu.memory_space<vmem>>, vector<16xf32>,
      %get3A_186 = vector.shape_cast %get3A_185 : vector<16xf32> to vector<16xf32>
      %add3A_187 = arith.addf %get3A_183, %get3A_186 : vector<16xf32>
      %swap3A_188 = arith.constant 0 : index
      %swap3A_189 = tpu.vector_load %arg8[%swap3A_188] {strides = array<i32>} : memref<128xf32, #tpu.memory_space<vmem>>, vector<16xf32>,
      %swap3A_190 = vector.shape_cast %swap3A_189 : vector<16xf32> to vector<16xf32>
      %swap3A_191 = vector.shape_cast %add3A_187 : vector<16xf32> to vector<16xf32>
      tpu.vector_store %arg8[%swap3A_188], %swap3A_191 {strides = array<i32>} : memref<128xf32, #tpu.memory_space<vmem>>, vector<16xf32>,
      %get3A_192 = arith.constant 16 : index
      %get3A_193 = tpu.vector_load %arg8[%get3A_192] {strides = array<i32>} : memref<128xf32, #tpu.memory_space<vmem>>, vector<16xf32>,
      %get3A_194 = vector.shape_cast %get3A_193 : vector<16xf32> to vector<16xf32>
      %get3A_195 = arith.constant 16 : index
      %get3A_196 = tpu.vector_load %arg9[%get3A_195] {strides = array<i32>} : memref<128xf32, #tpu.memory_space<vmem>>, vector<16xf32>,
      %get3A_197 = vector.shape_cast %get3A_196 : vector<16xf32> to vector<16xf32>
      %add3A_198 = arith.addf %get3A_194, %get3A_197 : vector<16xf32>
      %swap3A_199 = arith.constant 16 : index
      %swap3A_200 = tpu.vector_load %arg8[%swap3A_199] {strides = array<i32>} : memref<128xf32, #tpu.memory_space<vmem>>, vector<16xf32>,
      %swap3A_201 = vector.shape_cast %swap3A_200 : vector<16xf32> to vector<16xf32>
      %swap3A_202 = vector.shape_cast %add3A_198 : vector<16xf32> to vector<16xf32>
      tpu.vector_store %arg8[%swap3A_199], %swap3A_202 {strides = array<i32>} : memref<128xf32, #tpu.memory_space<vmem>>, vector<16xf32>,
      %get3A_203 = arith.constant 32 : index
      %get3A_204 = tpu.vector_load %arg8[%get3A_203] {strides = array<i32>} : memref<128xf32, #tpu.memory_space<vmem>>, vector<16xf32>,
      %get3A_205 = vector.shape_cast %get3A_204 : vector<16xf32> to vector<16xf32>
      %get3A_206 = arith.constant 32 : index
      %get3A_207 = tpu.vector_load %arg9[%get3A_206] {strides = array<i32>} : memref<128xf32, #tpu.memory_space<vmem>>, vector<16xf32>,
      %get3A_208 = vector.shape_cast %get3A_207 : vector<16xf32> to vector<16xf32>
      %add3A_209 = arith.addf %get3A_205, %get3A_208 : vector<16xf32>
      %swap3A_210 = arith.constant 32 : index
      %swap3A_211 = tpu.vector_load %arg8[%swap3A_210] {strides = array<i32>} : memref<128xf32, #tpu.memory_space<vmem>>, vector<16xf32>,
      %swap3A_212 = vector.shape_cast %swap3A_211 : vector<16xf32> to vector<16xf32>
      %swap3A_213 = vector.shape_cast %add3A_209 : vector<16xf32> to vector<16xf32>
      tpu.vector_store %arg8[%swap3A_210], %swap3A_213 {strides = array<i32>} : memref<128xf32, #tpu.memory_space<vmem>>, vector<16xf32>,
      %get3A_214 = arith.constant 48 : index
      %get3A_215 = tpu.vector_load %arg8[%get3A_214] {strides = array<i32>} : memref<128xf32, #tpu.memory_space<vmem>>, vector<16xf32>,
      %get3A_216 = vector.shape_cast %get3A_215 : vector<16xf32> to vector<16xf32>
      %get3A_217 = arith.constant 48 : index
      %get3A_218 = tpu.vector_load %arg9[%get3A_217] {strides = array<i32>} : memref<128xf32, #tpu.memory_space<vmem>>, vector<16xf32>,
      %get3A_219 = vector.shape_cast %get3A_218 : vector<16xf32> to vector<16xf32>
      %add3A_220 = arith.addf %get3A_216, %get3A_219 : vector<16xf32>
      %swap3A_221 = arith.constant 48 : index
      %swap3A_222 = tpu.vector_load %arg8[%swap3A_221] {strides = array<i32>} : memref<128xf32, #tpu.memory_space<vmem>>, vector<16xf32>,
      %swap3A_223 = vector.shape_cast %swap3A_222 : vector<16xf32> to vector<16xf32>
      %swap3A_224 = vector.shape_cast %add3A_220 : vector<16xf32> to vector<16xf32>
      tpu.vector_store %arg8[%swap3A_221], %swap3A_224 {strides = array<i32>} : memref<128xf32, #tpu.memory_space<vmem>>, vector<16xf32>,
      %get3A_225 = arith.constant 64 : index
      %get3A_226 = tpu.vector_load %arg8[%get3A_225] {strides = array<i32>} : memref<128xf32, #tpu.memory_space<vmem>>, vector<16xf32>,
      %get3A_227 = vector.shape_cast %get3A_226 : vector<16xf32> to vector<16xf32>
      %get3A_228 = arith.constant 64 : index
      %get3A_229 = tpu.vector_load %arg9[%get3A_228] {strides = array<i32>} : memref<128xf32, #tpu.memory_space<vmem>>, vector<16xf32>,
      %get3A_230 = vector.shape_cast %get3A_229 : vector<16xf32> to vector<16xf32>
      %add3A_231 = arith.addf %get3A_227, %get3A_230 : vector<16xf32>
      %swap3A_232 = arith.constant 64 : index
      %swap3A_233 = tpu.vector_load %arg8[%swap3A_232] {strides = array<i32>} : memref<128xf32, #tpu.memory_space<vmem>>, vector<16xf32>,
      %swap3A_234 = vector.shape_cast %swap3A_233 : vector<16xf32> to vector<16xf32>
      %swap3A_235 = vector.shape_cast %add3A_231 : vector<16xf32> to vector<16xf32>
      tpu.vector_store %arg8[%swap3A_232], %swap3A_235 {strides = array<i32>} : memref<128xf32, #tpu.memory_space<vmem>>, vector<16xf32>,
      %get3A_236 = arith.constant 80 : index
      %get3A_237 = tpu.vector_load %arg8[%get3A_236] {strides = array<i32>} : memref<128xf32, #tpu.memory_space<vmem>>, vector<16xf32>,
      %get3A_238 = vector.shape_cast %get3A_237 : vector<16xf32> to vector<16xf32>
      %get3A_239 = arith.constant 80 : index
      %get3A_240 = tpu.vector_load %arg9[%get3A_239] {strides = array<i32>} : memref<128xf32, #tpu.memory_space<vmem>>, vector<16xf32>,
      %get3A_241 = vector.shape_cast %get3A_240 : vector<16xf32> to vector<16xf32>
      %add3A_242 = arith.addf %get3A_238, %get3A_241 : vector<16xf32>
      %swap3A_243 = arith.constant 80 : index
      %swap3A_244 = tpu.vector_load %arg8[%swap3A_243] {strides = array<i32>} : memref<128xf32, #tpu.memory_space<vmem>>, vector<16xf32>,
      %swap3A_245 = vector.shape_cast %swap3A_244 : vector<16xf32> to vector<16xf32>
      %swap3A_246 = vector.shape_cast %add3A_242 : vector<16xf32> to vector<16xf32>
      tpu.vector_store %arg8[%swap3A_243], %swap3A_246 {strides = array<i32>} : memref<128xf32, #tpu.memory_space<vmem>>, vector<16xf32>,
      %get3A_247 = arith.constant 96 : index
      %get3A_248 = tpu.vector_load %arg8[%get3A_247] {strides = array<i32>} : memref<128xf32, #tpu.memory_space<vmem>>, vector<16xf32>,
      %get3A_249 = vector.shape_cast %get3A_248 : vector<16xf32> to vector<16xf32>
      %get3A_250 = arith.constant 96 : index
      %get3A_251 = tpu.vector_load %arg9[%get3A_250] {strides = array<i32>} : memref<128xf32, #tpu.memory_space<vmem>>, vector<16xf32>,
      %get3A_252 = vector.shape_cast %get3A_251 : vector<16xf32> to vector<16xf32>
      %add3A_253 = arith.addf %get3A_249, %get3A_252 : vector<16xf32>
      %swap3A_254 = arith.constant 96 : index
      %swap3A_255 = tpu.vector_load %arg8[%swap3A_254] {strides = array<i32>} : memref<128xf32, #tpu.memory_space<vmem>>, vector<16xf32>,
      %swap3A_256 = vector.shape_cast %swap3A_255 : vector<16xf32> to vector<16xf32>
      %swap3A_257 = vector.shape_cast %add3A_253 : vector<16xf32> to vector<16xf32>
      tpu.vector_store %arg8[%swap3A_254], %swap3A_257 {strides = array<i32>} : memref<128xf32, #tpu.memory_space<vmem>>, vector<16xf32>,
      %get3A_258 = arith.constant 112 : index
      %get3A_259 = tpu.vector_load %arg8[%get3A_258] {strides = array<i32>} : memref<128xf32, #tpu.memory_space<vmem>>, vector<16xf32>,
      %get3A_260 = vector.shape_cast %get3A_259 : vector<16xf32> to vector<16xf32>
      %get3A_261 = arith.constant 112 : index
      %get3A_262 = tpu.vector_load %arg9[%get3A_261] {strides = array<i32>} : memref<128xf32, #tpu.memory_space<vmem>>, vector<16xf32>,
      %get3A_263 = vector.shape_cast %get3A_262 : vector<16xf32> to vector<16xf32>
      %add3A_264 = arith.addf %get3A_260, %get3A_263 : vector<16xf32>
      %swap3A_265 = arith.constant 112 : index
      %swap3A_266 = tpu.vector_load %arg8[%swap3A_265] {strides = array<i32>} : memref<128xf32, #tpu.memory_space<vmem>>, vector<16xf32>,
      %swap3A_267 = vector.shape_cast %swap3A_266 : vector<16xf32> to vector<16xf32>
      %swap3A_268 = vector.shape_cast %add3A_264 : vector<16xf32> to vector<16xf32>
      tpu.vector_store %arg8[%swap3A_265], %swap3A_268 {strides = array<i32>} : memref<128xf32, #tpu.memory_space<vmem>>, vector<16xf32>,
      %run_scoped3A_269 = arith.constant 12 : i32
      "tpu.region"() ({
        %run_scoped3A_1426 = tpu.sem_alloc : memref<!tpu.dma_semaphore, #tpu.memory_space<semaphore_mem>>
        %dma_start3A = arith.constant 0 : i32
        %dma_start3A_1427 = tpu.memref_slice %arg10[%run_scoped3A_269, %dma_start3A] : memref<16x128xf32, #tpu.memory_space<vmem_shared>> -> memref<1x128xf32, #tpu.memory_space<vmem_shared>>
        %dma_start3A_1428 = tpu.memref_squeeze %dma_start3A_1427 : memref<1x128xf32, #tpu.memory_space<vmem_shared>> -> memref<128xf32, #tpu.memory_space<vmem_shared>>
        %dma_start3A_1429 = arith.constant 0 : i32
        %dma_start3A_1430 = tpu.memref_slice %arg10[%run_scoped3A_269, %dma_start3A_1429] : memref<16x128xf32, #tpu.memory_space<vmem_shared>> -> memref<1x128xf32, #tpu.memory_space<vmem_shared>>
        %dma_start3A_1431 = tpu.memref_squeeze %dma_start3A_1430 : memref<1x128xf32, #tpu.memory_space<vmem_shared>> -> memref<128xf32, #tpu.memory_space<vmem_shared>>
        tpu.enqueue_dma source(%dma_start3A_1431 : memref<128xf32, #tpu.memory_space<vmem_shared>>) target(%arg9 : memref<128xf32, #tpu.memory_space<vmem>>) target_semaphore(%run_scoped3A_1426 : memref<!tpu.dma_semaphore, #tpu.memory_space<semaphore_mem>>)
        %dma_wait3A = arith.constant 0 : i32
        %dma_wait3A_1432 = tpu.memref_slice %arg10[%run_scoped3A_269, %dma_wait3A] : memref<16x128xf32, #tpu.memory_space<vmem_shared>> -> memref<1x128xf32, #tpu.memory_space<vmem_shared>>
        %dma_wait3A_1433 = tpu.memref_squeeze %dma_wait3A_1432 : memref<1x128xf32, #tpu.memory_space<vmem_shared>> -> memref<128xf32, #tpu.memory_space<vmem_shared>>
        %dma_wait3A_1434 = arith.constant 0 : i32
        %dma_wait3A_1435 = tpu.memref_slice %arg10[%run_scoped3A_269, %dma_wait3A_1434] : memref<16x128xf32, #tpu.memory_space<vmem_shared>> -> memref<1x128xf32, #tpu.memory_space<vmem_shared>>
        %dma_wait3A_1436 = tpu.memref_squeeze %dma_wait3A_1435 : memref<1x128xf32, #tpu.memory_space<vmem_shared>> -> memref<128xf32, #tpu.memory_space<vmem_shared>>
        tpu.wait_dma2 semaphore(%run_scoped3A_1426 : memref<!tpu.dma_semaphore, #tpu.memory_space<semaphore_mem>>) src(%dma_wait3A_1436 : memref<128xf32, #tpu.memory_space<vmem_shared>>) dst(%arg9 : memref<128xf32, #tpu.memory_space<vmem>>)
        tpu.yield
      }) : () -> ()
      %get3A_270 = arith.constant 0 : index
      %get3A_271 = tpu.vector_load %arg8[%get3A_270] {strides = array<i32>} : memref<128xf32, #tpu.memory_space<vmem>>, vector<16xf32>,
      %get3A_272 = vector.shape_cast %get3A_271 : vector<16xf32> to vector<16xf32>
      %get3A_273 = arith.constant 0 : index
      %get3A_274 = tpu.vector_load %arg9[%get3A_273] {strides = array<i32>} : memref<128xf32, #tpu.memory_space<vmem>>, vector<16xf32>,
      %get3A_275 = vector.shape_cast %get3A_274 : vector<16xf32> to vector<16xf32>
      %add3A_276 = arith.addf %get3A_272, %get3A_275 : vector<16xf32>
      %swap3A_277 = arith.constant 0 : index
      %swap3A_278 = tpu.vector_load %arg8[%swap3A_277] {strides = array<i32>} : memref<128xf32, #tpu.memory_space<vmem>>, vector<16xf32>,
      %swap3A_279 = vector.shape_cast %swap3A_278 : vector<16xf32> to vector<16xf32>
      %swap3A_280 = vector.shape_cast %add3A_276 : vector<16xf32> to vector<16xf32>
      tpu.vector_store %arg8[%swap3A_277], %swap3A_280 {strides = array<i32>} : memref<128xf32, #tpu.memory_space<vmem>>, vector<16xf32>,
      %get3A_281 = arith.constant 16 : index
      %get3A_282 = tpu.vector_load %arg8[%get3A_281] {strides = array<i32>} : memref<128xf32, #tpu.memory_space<vmem>>, vector<16xf32>,
      %get3A_283 = vector.shape_cast %get3A_282 : vector<16xf32> to vector<16xf32>
      %get3A_284 = arith.constant 16 : index
      %get3A_285 = tpu.vector_load %arg9[%get3A_284] {strides = array<i32>} : memref<128xf32, #tpu.memory_space<vmem>>, vector<16xf32>,
      %get3A_286 = vector.shape_cast %get3A_285 : vector<16xf32> to vector<16xf32>
      %add3A_287 = arith.addf %get3A_283, %get3A_286 : vector<16xf32>
      %swap3A_288 = arith.constant 16 : index
      %swap3A_289 = tpu.vector_load %arg8[%swap3A_288] {strides = array<i32>} : memref<128xf32, #tpu.memory_space<vmem>>, vector<16xf32>,
      %swap3A_290 = vector.shape_cast %swap3A_289 : vector<16xf32> to vector<16xf32>
      %swap3A_291 = vector.shape_cast %add3A_287 : vector<16xf32> to vector<16xf32>
      tpu.vector_store %arg8[%swap3A_288], %swap3A_291 {strides = array<i32>} : memref<128xf32, #tpu.memory_space<vmem>>, vector<16xf32>,
      %get3A_292 = arith.constant 32 : index
      %get3A_293 = tpu.vector_load %arg8[%get3A_292] {strides = array<i32>} : memref<128xf32, #tpu.memory_space<vmem>>, vector<16xf32>,
      %get3A_294 = vector.shape_cast %get3A_293 : vector<16xf32> to vector<16xf32>
      %get3A_295 = arith.constant 32 : index
      %get3A_296 = tpu.vector_load %arg9[%get3A_295] {strides = array<i32>} : memref<128xf32, #tpu.memory_space<vmem>>, vector<16xf32>,
      %get3A_297 = vector.shape_cast %get3A_296 : vector<16xf32> to vector<16xf32>
      %add3A_298 = arith.addf %get3A_294, %get3A_297 : vector<16xf32>
      %swap3A_299 = arith.constant 32 : index
      %swap3A_300 = tpu.vector_load %arg8[%swap3A_299] {strides = array<i32>} : memref<128xf32, #tpu.memory_space<vmem>>, vector<16xf32>,
      %swap3A_301 = vector.shape_cast %swap3A_300 : vector<16xf32> to vector<16xf32>
      %swap3A_302 = vector.shape_cast %add3A_298 : vector<16xf32> to vector<16xf32>
      tpu.vector_store %arg8[%swap3A_299], %swap3A_302 {strides = array<i32>} : memref<128xf32, #tpu.memory_space<vmem>>, vector<16xf32>,
      %get3A_303 = arith.constant 48 : index
      %get3A_304 = tpu.vector_load %arg8[%get3A_303] {strides = array<i32>} : memref<128xf32, #tpu.memory_space<vmem>>, vector<16xf32>,
      %get3A_305 = vector.shape_cast %get3A_304 : vector<16xf32> to vector<16xf32>
      %get3A_306 = arith.constant 48 : index
      %get3A_307 = tpu.vector_load %arg9[%get3A_306] {strides = array<i32>} : memref<128xf32, #tpu.memory_space<vmem>>, vector<16xf32>,
      %get3A_308 = vector.shape_cast %get3A_307 : vector<16xf32> to vector<16xf32>
      %add3A_309 = arith.addf %get3A_305, %get3A_308 : vector<16xf32>
      %swap3A_310 = arith.constant 48 : index
      %swap3A_311 = tpu.vector_load %arg8[%swap3A_310] {strides = array<i32>} : memref<128xf32, #tpu.memory_space<vmem>>, vector<16xf32>,
      %swap3A_312 = vector.shape_cast %swap3A_311 : vector<16xf32> to vector<16xf32>
      %swap3A_313 = vector.shape_cast %add3A_309 : vector<16xf32> to vector<16xf32>
      tpu.vector_store %arg8[%swap3A_310], %swap3A_313 {strides = array<i32>} : memref<128xf32, #tpu.memory_space<vmem>>, vector<16xf32>,
      %get3A_314 = arith.constant 64 : index
      %get3A_315 = tpu.vector_load %arg8[%get3A_314] {strides = array<i32>} : memref<128xf32, #tpu.memory_space<vmem>>, vector<16xf32>,
      %get3A_316 = vector.shape_cast %get3A_315 : vector<16xf32> to vector<16xf32>
      %get3A_317 = arith.constant 64 : index
      %get3A_318 = tpu.vector_load %arg9[%get3A_317] {strides = array<i32>} : memref<128xf32, #tpu.memory_space<vmem>>, vector<16xf32>,
      %get3A_319 = vector.shape_cast %get3A_318 : vector<16xf32> to vector<16xf32>
      %add3A_320 = arith.addf %get3A_316, %get3A_319 : vector<16xf32>
      %swap3A_321 = arith.constant 64 : index
      %swap3A_322 = tpu.vector_load %arg8[%swap3A_321] {strides = array<i32>} : memref<128xf32, #tpu.memory_space<vmem>>, vector<16xf32>,
      %swap3A_323 = vector.shape_cast %swap3A_322 : vector<16xf32> to vector<16xf32>
      %swap3A_324 = vector.shape_cast %add3A_320 : vector<16xf32> to vector<16xf32>
      tpu.vector_store %arg8[%swap3A_321], %swap3A_324 {strides = array<i32>} : memref<128xf32, #tpu.memory_space<vmem>>, vector<16xf32>,
      %get3A_325 = arith.constant 80 : index
      %get3A_326 = tpu.vector_load %arg8[%get3A_325] {strides = array<i32>} : memref<128xf32, #tpu.memory_space<vmem>>, vector<16xf32>,
      %get3A_327 = vector.shape_cast %get3A_326 : vector<16xf32> to vector<16xf32>
      %get3A_328 = arith.constant 80 : index
      %get3A_329 = tpu.vector_load %arg9[%get3A_328] {strides = array<i32>} : memref<128xf32, #tpu.memory_space<vmem>>, vector<16xf32>,
      %get3A_330 = vector.shape_cast %get3A_329 : vector<16xf32> to vector<16xf32>
      %add3A_331 = arith.addf %get3A_327, %get3A_330 : vector<16xf32>
      %swap3A_332 = arith.constant 80 : index
      %swap3A_333 = tpu.vector_load %arg8[%swap3A_332] {strides = array<i32>} : memref<128xf32, #tpu.memory_space<vmem>>, vector<16xf32>,
      %swap3A_334 = vector.shape_cast %swap3A_333 : vector<16xf32> to vector<16xf32>
      %swap3A_335 = vector.shape_cast %add3A_331 : vector<16xf32> to vector<16xf32>
      tpu.vector_store %arg8[%swap3A_332], %swap3A_335 {strides = array<i32>} : memref<128xf32, #tpu.memory_space<vmem>>, vector<16xf32>,
      %get3A_336 = arith.constant 96 : index
      %get3A_337 = tpu.vector_load %arg8[%get3A_336] {strides = array<i32>} : memref<128xf32, #tpu.memory_space<vmem>>, vector<16xf32>,
      %get3A_338 = vector.shape_cast %get3A_337 : vector<16xf32> to vector<16xf32>
      %get3A_339 = arith.constant 96 : index
      %get3A_340 = tpu.vector_load %arg9[%get3A_339] {strides = array<i32>} : memref<128xf32, #tpu.memory_space<vmem>>, vector<16xf32>,
      %get3A_341 = vector.shape_cast %get3A_340 : vector<16xf32> to vector<16xf32>
      %add3A_342 = arith.addf %get3A_338, %get3A_341 : vector<16xf32>
      %swap3A_343 = arith.constant 96 : index
      %swap3A_344 = tpu.vector_load %arg8[%swap3A_343] {strides = array<i32>} : memref<128xf32, #tpu.memory_space<vmem>>, vector<16xf32>,
      %swap3A_345 = vector.shape_cast %swap3A_344 : vector<16xf32> to vector<16xf32>
      %swap3A_346 = vector.shape_cast %add3A_342 : vector<16xf32> to vector<16xf32>
      tpu.vector_store %arg8[%swap3A_343], %swap3A_346 {strides = array<i32>} : memref<128xf32, #tpu.memory_space<vmem>>, vector<16xf32>,
      %get3A_347 = arith.constant 112 : index
      %get3A_348 = tpu.vector_load %arg8[%get3A_347] {strides = array<i32>} : memref<128xf32, #tpu.memory_space<vmem>>, vector<16xf32>,
      %get3A_349 = vector.shape_cast %get3A_348 : vector<16xf32> to vector<16xf32>
      %get3A_350 = arith.constant 112 : index
      %get3A_351 = tpu.vector_load %arg9[%get3A_350] {strides = array<i32>} : memref<128xf32, #tpu.memory_space<vmem>>, vector<16xf32>,
      %get3A_352 = vector.shape_cast %get3A_351 : vector<16xf32> to vector<16xf32>
      %add3A_353 = arith.addf %get3A_349, %get3A_352 : vector<16xf32>
      %swap3A_354 = arith.constant 112 : index
      %swap3A_355 = tpu.vector_load %arg8[%swap3A_354] {strides = array<i32>} : memref<128xf32, #tpu.memory_space<vmem>>, vector<16xf32>,
      %swap3A_356 = vector.shape_cast %swap3A_355 : vector<16xf32> to vector<16xf32>
      %swap3A_357 = vector.shape_cast %add3A_353 : vector<16xf32> to vector<16xf32>
      tpu.vector_store %arg8[%swap3A_354], %swap3A_357 {strides = array<i32>} : memref<128xf32, #tpu.memory_space<vmem>>, vector<16xf32>,
      %run_scoped3A_358 = arith.constant 11 : i32
      "tpu.region"() ({
        %run_scoped3A_1426 = tpu.sem_alloc : memref<!tpu.dma_semaphore, #tpu.memory_space<semaphore_mem>>
        %dma_start3A = arith.constant 0 : i32
        %dma_start3A_1427 = tpu.memref_slice %arg10[%run_scoped3A_358, %dma_start3A] : memref<16x128xf32, #tpu.memory_space<vmem_shared>> -> memref<1x128xf32, #tpu.memory_space<vmem_shared>>
        %dma_start3A_1428 = tpu.memref_squeeze %dma_start3A_1427 : memref<1x128xf32, #tpu.memory_space<vmem_shared>> -> memref<128xf32, #tpu.memory_space<vmem_shared>>
        %dma_start3A_1429 = arith.constant 0 : i32
        %dma_start3A_1430 = tpu.memref_slice %arg10[%run_scoped3A_358, %dma_start3A_1429] : memref<16x128xf32, #tpu.memory_space<vmem_shared>> -> memref<1x128xf32, #tpu.memory_space<vmem_shared>>
        %dma_start3A_1431 = tpu.memref_squeeze %dma_start3A_1430 : memref<1x128xf32, #tpu.memory_space<vmem_shared>> -> memref<128xf32, #tpu.memory_space<vmem_shared>>
        tpu.enqueue_dma source(%dma_start3A_1431 : memref<128xf32, #tpu.memory_space<vmem_shared>>) target(%arg9 : memref<128xf32, #tpu.memory_space<vmem>>) target_semaphore(%run_scoped3A_1426 : memref<!tpu.dma_semaphore, #tpu.memory_space<semaphore_mem>>)
        %dma_wait3A = arith.constant 0 : i32
        %dma_wait3A_1432 = tpu.memref_slice %arg10[%run_scoped3A_358, %dma_wait3A] : memref<16x128xf32, #tpu.memory_space<vmem_shared>> -> memref<1x128xf32, #tpu.memory_space<vmem_shared>>
        %dma_wait3A_1433 = tpu.memref_squeeze %dma_wait3A_1432 : memref<1x128xf32, #tpu.memory_space<vmem_shared>> -> memref<128xf32, #tpu.memory_space<vmem_shared>>
        %dma_wait3A_1434 = arith.constant 0 : i32
        %dma_wait3A_1435 = tpu.memref_slice %arg10[%run_scoped3A_358, %dma_wait3A_1434] : memref<16x128xf32, #tpu.memory_space<vmem_shared>> -> memref<1x128xf32, #tpu.memory_space<vmem_shared>>
        %dma_wait3A_1436 = tpu.memref_squeeze %dma_wait3A_1435 : memref<1x128xf32, #tpu.memory_space<vmem_shared>> -> memref<128xf32, #tpu.memory_space<vmem_shared>>
        tpu.wait_dma2 semaphore(%run_scoped3A_1426 : memref<!tpu.dma_semaphore, #tpu.memory_space<semaphore_mem>>) src(%dma_wait3A_1436 : memref<128xf32, #tpu.memory_space<vmem_shared>>) dst(%arg9 : memref<128xf32, #tpu.memory_space<vmem>>)
        tpu.yield
      }) : () -> ()
      %get3A_359 = arith.constant 0 : index
      %get3A_360 = tpu.vector_load %arg8[%get3A_359] {strides = array<i32>} : memref<128xf32, #tpu.memory_space<vmem>>, vector<16xf32>,
      %get3A_361 = vector.shape_cast %get3A_360 : vector<16xf32> to vector<16xf32>
      %get3A_362 = arith.constant 0 : index
      %get3A_363 = tpu.vector_load %arg9[%get3A_362] {strides = array<i32>} : memref<128xf32, #tpu.memory_space<vmem>>, vector<16xf32>,
      %get3A_364 = vector.shape_cast %get3A_363 : vector<16xf32> to vector<16xf32>
      %add3A_365 = arith.addf %get3A_361, %get3A_364 : vector<16xf32>
      %swap3A_366 = arith.constant 0 : index
      %swap3A_367 = tpu.vector_load %arg8[%swap3A_366] {strides = array<i32>} : memref<128xf32, #tpu.memory_space<vmem>>, vector<16xf32>,
      %swap3A_368 = vector.shape_cast %swap3A_367 : vector<16xf32> to vector<16xf32>
      %swap3A_369 = vector.shape_cast %add3A_365 : vector<16xf32> to vector<16xf32>
      tpu.vector_store %arg8[%swap3A_366], %swap3A_369 {strides = array<i32>} : memref<128xf32, #tpu.memory_space<vmem>>, vector<16xf32>,
      %get3A_370 = arith.constant 16 : index
      %get3A_371 = tpu.vector_load %arg8[%get3A_370] {strides = array<i32>} : memref<128xf32, #tpu.memory_space<vmem>>, vector<16xf32>,
      %get3A_372 = vector.shape_cast %get3A_371 : vector<16xf32> to vector<16xf32>
      %get3A_373 = arith.constant 16 : index
      %get3A_374 = tpu.vector_load %arg9[%get3A_373] {strides = array<i32>} : memref<128xf32, #tpu.memory_space<vmem>>, vector<16xf32>,
      %get3A_375 = vector.shape_cast %get3A_374 : vector<16xf32> to vector<16xf32>
      %add3A_376 = arith.addf %get3A_372, %get3A_375 : vector<16xf32>
      %swap3A_377 = arith.constant 16 : index
      %swap3A_378 = tpu.vector_load %arg8[%swap3A_377] {strides = array<i32>} : memref<128xf32, #tpu.memory_space<vmem>>, vector<16xf32>,
      %swap3A_379 = vector.shape_cast %swap3A_378 : vector<16xf32> to vector<16xf32>
      %swap3A_380 = vector.shape_cast %add3A_376 : vector<16xf32> to vector<16xf32>
      tpu.vector_store %arg8[%swap3A_377], %swap3A_380 {strides = array<i32>} : memref<128xf32, #tpu.memory_space<vmem>>, vector<16xf32>,
      %get3A_381 = arith.constant 32 : index
      %get3A_382 = tpu.vector_load %arg8[%get3A_381] {strides = array<i32>} : memref<128xf32, #tpu.memory_space<vmem>>, vector<16xf32>,
      %get3A_383 = vector.shape_cast %get3A_382 : vector<16xf32> to vector<16xf32>
      %get3A_384 = arith.constant 32 : index
      %get3A_385 = tpu.vector_load %arg9[%get3A_384] {strides = array<i32>} : memref<128xf32, #tpu.memory_space<vmem>>, vector<16xf32>,
      %get3A_386 = vector.shape_cast %get3A_385 : vector<16xf32> to vector<16xf32>
      %add3A_387 = arith.addf %get3A_383, %get3A_386 : vector<16xf32>
      %swap3A_388 = arith.constant 32 : index
      %swap3A_389 = tpu.vector_load %arg8[%swap3A_388] {strides = array<i32>} : memref<128xf32, #tpu.memory_space<vmem>>, vector<16xf32>,
      %swap3A_390 = vector.shape_cast %swap3A_389 : vector<16xf32> to vector<16xf32>
      %swap3A_391 = vector.shape_cast %add3A_387 : vector<16xf32> to vector<16xf32>
      tpu.vector_store %arg8[%swap3A_388], %swap3A_391 {strides = array<i32>} : memref<128xf32, #tpu.memory_space<vmem>>, vector<16xf32>,
      %get3A_392 = arith.constant 48 : index
      %get3A_393 = tpu.vector_load %arg8[%get3A_392] {strides = array<i32>} : memref<128xf32, #tpu.memory_space<vmem>>, vector<16xf32>,
      %get3A_394 = vector.shape_cast %get3A_393 : vector<16xf32> to vector<16xf32>
      %get3A_395 = arith.constant 48 : index
      %get3A_396 = tpu.vector_load %arg9[%get3A_395] {strides = array<i32>} : memref<128xf32, #tpu.memory_space<vmem>>, vector<16xf32>,
      %get3A_397 = vector.shape_cast %get3A_396 : vector<16xf32> to vector<16xf32>
      %add3A_398 = arith.addf %get3A_394, %get3A_397 : vector<16xf32>
      %swap3A_399 = arith.constant 48 : index
      %swap3A_400 = tpu.vector_load %arg8[%swap3A_399] {strides = array<i32>} : memref<128xf32, #tpu.memory_space<vmem>>, vector<16xf32>,
      %swap3A_401 = vector.shape_cast %swap3A_400 : vector<16xf32> to vector<16xf32>
      %swap3A_402 = vector.shape_cast %add3A_398 : vector<16xf32> to vector<16xf32>
      tpu.vector_store %arg8[%swap3A_399], %swap3A_402 {strides = array<i32>} : memref<128xf32, #tpu.memory_space<vmem>>, vector<16xf32>,
      %get3A_403 = arith.constant 64 : index
      %get3A_404 = tpu.vector_load %arg8[%get3A_403] {strides = array<i32>} : memref<128xf32, #tpu.memory_space<vmem>>, vector<16xf32>,
      %get3A_405 = vector.shape_cast %get3A_404 : vector<16xf32> to vector<16xf32>
      %get3A_406 = arith.constant 64 : index
      %get3A_407 = tpu.vector_load %arg9[%get3A_406] {strides = array<i32>} : memref<128xf32, #tpu.memory_space<vmem>>, vector<16xf32>,
      %get3A_408 = vector.shape_cast %get3A_407 : vector<16xf32> to vector<16xf32>
      %add3A_409 = arith.addf %get3A_405, %get3A_408 : vector<16xf32>
      %swap3A_410 = arith.constant 64 : index
      %swap3A_411 = tpu.vector_load %arg8[%swap3A_410] {strides = array<i32>} : memref<128xf32, #tpu.memory_space<vmem>>, vector<16xf32>,
      %swap3A_412 = vector.shape_cast %swap3A_411 : vector<16xf32> to vector<16xf32>
      %swap3A_413 = vector.shape_cast %add3A_409 : vector<16xf32> to vector<16xf32>
      tpu.vector_store %arg8[%swap3A_410], %swap3A_413 {strides = array<i32>} : memref<128xf32, #tpu.memory_space<vmem>>, vector<16xf32>,
      %get3A_414 = arith.constant 80 : index
      %get3A_415 = tpu.vector_load %arg8[%get3A_414] {strides = array<i32>} : memref<128xf32, #tpu.memory_space<vmem>>, vector<16xf32>,
      %get3A_416 = vector.shape_cast %get3A_415 : vector<16xf32> to vector<16xf32>
      %get3A_417 = arith.constant 80 : index
      %get3A_418 = tpu.vector_load %arg9[%get3A_417] {strides = array<i32>} : memref<128xf32, #tpu.memory_space<vmem>>, vector<16xf32>,
      %get3A_419 = vector.shape_cast %get3A_418 : vector<16xf32> to vector<16xf32>
      %add3A_420 = arith.addf %get3A_416, %get3A_419 : vector<16xf32>
      %swap3A_421 = arith.constant 80 : index
      %swap3A_422 = tpu.vector_load %arg8[%swap3A_421] {strides = array<i32>} : memref<128xf32, #tpu.memory_space<vmem>>, vector<16xf32>,
      %swap3A_423 = vector.shape_cast %swap3A_422 : vector<16xf32> to vector<16xf32>
      %swap3A_424 = vector.shape_cast %add3A_420 : vector<16xf32> to vector<16xf32>
      tpu.vector_store %arg8[%swap3A_421], %swap3A_424 {strides = array<i32>} : memref<128xf32, #tpu.memory_space<vmem>>, vector<16xf32>,
      %get3A_425 = arith.constant 96 : index
      %get3A_426 = tpu.vector_load %arg8[%get3A_425] {strides = array<i32>} : memref<128xf32, #tpu.memory_space<vmem>>, vector<16xf32>,
      %get3A_427 = vector.shape_cast %get3A_426 : vector<16xf32> to vector<16xf32>
      %get3A_428 = arith.constant 96 : index
      %get3A_429 = tpu.vector_load %arg9[%get3A_428] {strides = array<i32>} : memref<128xf32, #tpu.memory_space<vmem>>, vector<16xf32>,
      %get3A_430 = vector.shape_cast %get3A_429 : vector<16xf32> to vector<16xf32>
      %add3A_431 = arith.addf %get3A_427, %get3A_430 : vector<16xf32>
      %swap3A_432 = arith.constant 96 : index
      %swap3A_433 = tpu.vector_load %arg8[%swap3A_432] {strides = array<i32>} : memref<128xf32, #tpu.memory_space<vmem>>, vector<16xf32>,
      %swap3A_434 = vector.shape_cast %swap3A_433 : vector<16xf32> to vector<16xf32>
      %swap3A_435 = vector.shape_cast %add3A_431 : vector<16xf32> to vector<16xf32>
      tpu.vector_store %arg8[%swap3A_432], %swap3A_435 {strides = array<i32>} : memref<128xf32, #tpu.memory_space<vmem>>, vector<16xf32>,
      %get3A_436 = arith.constant 112 : index
      %get3A_437 = tpu.vector_load %arg8[%get3A_436] {strides = array<i32>} : memref<128xf32, #tpu.memory_space<vmem>>, vector<16xf32>,
      %get3A_438 = vector.shape_cast %get3A_437 : vector<16xf32> to vector<16xf32>
      %get3A_439 = arith.constant 112 : index
      %get3A_440 = tpu.vector_load %arg9[%get3A_439] {strides = array<i32>} : memref<128xf32, #tpu.memory_space<vmem>>, vector<16xf32>,
      %get3A_441 = vector.shape_cast %get3A_440 : vector<16xf32> to vector<16xf32>
      %add3A_442 = arith.addf %get3A_438, %get3A_441 : vector<16xf32>
      %swap3A_443 = arith.constant 112 : index
      %swap3A_444 = tpu.vector_load %arg8[%swap3A_443] {strides = array<i32>} : memref<128xf32, #tpu.memory_space<vmem>>, vector<16xf32>,
      %swap3A_445 = vector.shape_cast %swap3A_444 : vector<16xf32> to vector<16xf32>
      %swap3A_446 = vector.shape_cast %add3A_442 : vector<16xf32> to vector<16xf32>
      tpu.vector_store %arg8[%swap3A_443], %swap3A_446 {strides = array<i32>} : memref<128xf32, #tpu.memory_space<vmem>>, vector<16xf32>,
      %run_scoped3A_447 = arith.constant 10 : i32
      "tpu.region"() ({
        %run_scoped3A_1426 = tpu.sem_alloc : memref<!tpu.dma_semaphore, #tpu.memory_space<semaphore_mem>>
        %dma_start3A = arith.constant 0 : i32
        %dma_start3A_1427 = tpu.memref_slice %arg10[%run_scoped3A_447, %dma_start3A] : memref<16x128xf32, #tpu.memory_space<vmem_shared>> -> memref<1x128xf32, #tpu.memory_space<vmem_shared>>
        %dma_start3A_1428 = tpu.memref_squeeze %dma_start3A_1427 : memref<1x128xf32, #tpu.memory_space<vmem_shared>> -> memref<128xf32, #tpu.memory_space<vmem_shared>>
        %dma_start3A_1429 = arith.constant 0 : i32
        %dma_start3A_1430 = tpu.memref_slice %arg10[%run_scoped3A_447, %dma_start3A_1429] : memref<16x128xf32, #tpu.memory_space<vmem_shared>> -> memref<1x128xf32, #tpu.memory_space<vmem_shared>>
        %dma_start3A_1431 = tpu.memref_squeeze %dma_start3A_1430 : memref<1x128xf32, #tpu.memory_space<vmem_shared>> -> memref<128xf32, #tpu.memory_space<vmem_shared>>
        tpu.enqueue_dma source(%dma_start3A_1431 : memref<128xf32, #tpu.memory_space<vmem_shared>>) target(%arg9 : memref<128xf32, #tpu.memory_space<vmem>>) target_semaphore(%run_scoped3A_1426 : memref<!tpu.dma_semaphore, #tpu.memory_space<semaphore_mem>>)
        %dma_wait3A = arith.constant 0 : i32
        %dma_wait3A_1432 = tpu.memref_slice %arg10[%run_scoped3A_447, %dma_wait3A] : memref<16x128xf32, #tpu.memory_space<vmem_shared>> -> memref<1x128xf32, #tpu.memory_space<vmem_shared>>
        %dma_wait3A_1433 = tpu.memref_squeeze %dma_wait3A_1432 : memref<1x128xf32, #tpu.memory_space<vmem_shared>> -> memref<128xf32, #tpu.memory_space<vmem_shared>>
        %dma_wait3A_1434 = arith.constant 0 : i32
        %dma_wait3A_1435 = tpu.memref_slice %arg10[%run_scoped3A_447, %dma_wait3A_1434] : memref<16x128xf32, #tpu.memory_space<vmem_shared>> -> memref<1x128xf32, #tpu.memory_space<vmem_shared>>
        %dma_wait3A_1436 = tpu.memref_squeeze %dma_wait3A_1435 : memref<1x128xf32, #tpu.memory_space<vmem_shared>> -> memref<128xf32, #tpu.memory_space<vmem_shared>>
        tpu.wait_dma2 semaphore(%run_scoped3A_1426 : memref<!tpu.dma_semaphore, #tpu.memory_space<semaphore_mem>>) src(%dma_wait3A_1436 : memref<128xf32, #tpu.memory_space<vmem_shared>>) dst(%arg9 : memref<128xf32, #tpu.memory_space<vmem>>)
        tpu.yield
      }) : () -> ()
      %get3A_448 = arith.constant 0 : index
      %get3A_449 = tpu.vector_load %arg8[%get3A_448] {strides = array<i32>} : memref<128xf32, #tpu.memory_space<vmem>>, vector<16xf32>,
      %get3A_450 = vector.shape_cast %get3A_449 : vector<16xf32> to vector<16xf32>
      %get3A_451 = arith.constant 0 : index
      %get3A_452 = tpu.vector_load %arg9[%get3A_451] {strides = array<i32>} : memref<128xf32, #tpu.memory_space<vmem>>, vector<16xf32>,
      %get3A_453 = vector.shape_cast %get3A_452 : vector<16xf32> to vector<16xf32>
      %add3A_454 = arith.addf %get3A_450, %get3A_453 : vector<16xf32>
      %swap3A_455 = arith.constant 0 : index
      %swap3A_456 = tpu.vector_load %arg8[%swap3A_455] {strides = array<i32>} : memref<128xf32, #tpu.memory_space<vmem>>, vector<16xf32>,
      %swap3A_457 = vector.shape_cast %swap3A_456 : vector<16xf32> to vector<16xf32>
      %swap3A_458 = vector.shape_cast %add3A_454 : vector<16xf32> to vector<16xf32>
      tpu.vector_store %arg8[%swap3A_455], %swap3A_458 {strides = array<i32>} : memref<128xf32, #tpu.memory_space<vmem>>, vector<16xf32>,
      %get3A_459 = arith.constant 16 : index
      %get3A_460 = tpu.vector_load %arg8[%get3A_459] {strides = array<i32>} : memref<128xf32, #tpu.memory_space<vmem>>, vector<16xf32>,
      %get3A_461 = vector.shape_cast %get3A_460 : vector<16xf32> to vector<16xf32>
      %get3A_462 = arith.constant 16 : index
      %get3A_463 = tpu.vector_load %arg9[%get3A_462] {strides = array<i32>} : memref<128xf32, #tpu.memory_space<vmem>>, vector<16xf32>,
      %get3A_464 = vector.shape_cast %get3A_463 : vector<16xf32> to vector<16xf32>
      %add3A_465 = arith.addf %get3A_461, %get3A_464 : vector<16xf32>
      %swap3A_466 = arith.constant 16 : index
      %swap3A_467 = tpu.vector_load %arg8[%swap3A_466] {strides = array<i32>} : memref<128xf32, #tpu.memory_space<vmem>>, vector<16xf32>,
      %swap3A_468 = vector.shape_cast %swap3A_467 : vector<16xf32> to vector<16xf32>
      %swap3A_469 = vector.shape_cast %add3A_465 : vector<16xf32> to vector<16xf32>
      tpu.vector_store %arg8[%swap3A_466], %swap3A_469 {strides = array<i32>} : memref<128xf32, #tpu.memory_space<vmem>>, vector<16xf32>,
      %get3A_470 = arith.constant 32 : index
      %get3A_471 = tpu.vector_load %arg8[%get3A_470] {strides = array<i32>} : memref<128xf32, #tpu.memory_space<vmem>>, vector<16xf32>,
      %get3A_472 = vector.shape_cast %get3A_471 : vector<16xf32> to vector<16xf32>
      %get3A_473 = arith.constant 32 : index
      %get3A_474 = tpu.vector_load %arg9[%get3A_473] {strides = array<i32>} : memref<128xf32, #tpu.memory_space<vmem>>, vector<16xf32>,
      %get3A_475 = vector.shape_cast %get3A_474 : vector<16xf32> to vector<16xf32>
      %add3A_476 = arith.addf %get3A_472, %get3A_475 : vector<16xf32>
      %swap3A_477 = arith.constant 32 : index
      %swap3A_478 = tpu.vector_load %arg8[%swap3A_477] {strides = array<i32>} : memref<128xf32, #tpu.memory_space<vmem>>, vector<16xf32>,
      %swap3A_479 = vector.shape_cast %swap3A_478 : vector<16xf32> to vector<16xf32>
      %swap3A_480 = vector.shape_cast %add3A_476 : vector<16xf32> to vector<16xf32>
      tpu.vector_store %arg8[%swap3A_477], %swap3A_480 {strides = array<i32>} : memref<128xf32, #tpu.memory_space<vmem>>, vector<16xf32>,
      %get3A_481 = arith.constant 48 : index
      %get3A_482 = tpu.vector_load %arg8[%get3A_481] {strides = array<i32>} : memref<128xf32, #tpu.memory_space<vmem>>, vector<16xf32>,
      %get3A_483 = vector.shape_cast %get3A_482 : vector<16xf32> to vector<16xf32>
      %get3A_484 = arith.constant 48 : index
      %get3A_485 = tpu.vector_load %arg9[%get3A_484] {strides = array<i32>} : memref<128xf32, #tpu.memory_space<vmem>>, vector<16xf32>,
      %get3A_486 = vector.shape_cast %get3A_485 : vector<16xf32> to vector<16xf32>
      %add3A_487 = arith.addf %get3A_483, %get3A_486 : vector<16xf32>
      %swap3A_488 = arith.constant 48 : index
      %swap3A_489 = tpu.vector_load %arg8[%swap3A_488] {strides = array<i32>} : memref<128xf32, #tpu.memory_space<vmem>>, vector<16xf32>,
      %swap3A_490 = vector.shape_cast %swap3A_489 : vector<16xf32> to vector<16xf32>
      %swap3A_491 = vector.shape_cast %add3A_487 : vector<16xf32> to vector<16xf32>
      tpu.vector_store %arg8[%swap3A_488], %swap3A_491 {strides = array<i32>} : memref<128xf32, #tpu.memory_space<vmem>>, vector<16xf32>,
      %get3A_492 = arith.constant 64 : index
      %get3A_493 = tpu.vector_load %arg8[%get3A_492] {strides = array<i32>} : memref<128xf32, #tpu.memory_space<vmem>>, vector<16xf32>,
      %get3A_494 = vector.shape_cast %get3A_493 : vector<16xf32> to vector<16xf32>
      %get3A_495 = arith.constant 64 : index
      %get3A_496 = tpu.vector_load %arg9[%get3A_495] {strides = array<i32>} : memref<128xf32, #tpu.memory_space<vmem>>, vector<16xf32>,
      %get3A_497 = vector.shape_cast %get3A_496 : vector<16xf32> to vector<16xf32>
      %add3A_498 = arith.addf %get3A_494, %get3A_497 : vector<16xf32>
      %swap3A_499 = arith.constant 64 : index
      %swap3A_500 = tpu.vector_load %arg8[%swap3A_499] {strides = array<i32>} : memref<128xf32, #tpu.memory_space<vmem>>, vector<16xf32>,
      %swap3A_501 = vector.shape_cast %swap3A_500 : vector<16xf32> to vector<16xf32>
      %swap3A_502 = vector.shape_cast %add3A_498 : vector<16xf32> to vector<16xf32>
      tpu.vector_store %arg8[%swap3A_499], %swap3A_502 {strides = array<i32>} : memref<128xf32, #tpu.memory_space<vmem>>, vector<16xf32>,
      %get3A_503 = arith.constant 80 : index
      %get3A_504 = tpu.vector_load %arg8[%get3A_503] {strides = array<i32>} : memref<128xf32, #tpu.memory_space<vmem>>, vector<16xf32>,
      %get3A_505 = vector.shape_cast %get3A_504 : vector<16xf32> to vector<16xf32>
      %get3A_506 = arith.constant 80 : index
      %get3A_507 = tpu.vector_load %arg9[%get3A_506] {strides = array<i32>} : memref<128xf32, #tpu.memory_space<vmem>>, vector<16xf32>,
      %get3A_508 = vector.shape_cast %get3A_507 : vector<16xf32> to vector<16xf32>
      %add3A_509 = arith.addf %get3A_505, %get3A_508 : vector<16xf32>
      %swap3A_510 = arith.constant 80 : index
      %swap3A_511 = tpu.vector_load %arg8[%swap3A_510] {strides = array<i32>} : memref<128xf32, #tpu.memory_space<vmem>>, vector<16xf32>,
      %swap3A_512 = vector.shape_cast %swap3A_511 : vector<16xf32> to vector<16xf32>
      %swap3A_513 = vector.shape_cast %add3A_509 : vector<16xf32> to vector<16xf32>
      tpu.vector_store %arg8[%swap3A_510], %swap3A_513 {strides = array<i32>} : memref<128xf32, #tpu.memory_space<vmem>>, vector<16xf32>,
      %get3A_514 = arith.constant 96 : index
      %get3A_515 = tpu.vector_load %arg8[%get3A_514] {strides = array<i32>} : memref<128xf32, #tpu.memory_space<vmem>>, vector<16xf32>,
      %get3A_516 = vector.shape_cast %get3A_515 : vector<16xf32> to vector<16xf32>
      %get3A_517 = arith.constant 96 : index
      %get3A_518 = tpu.vector_load %arg9[%get3A_517] {strides = array<i32>} : memref<128xf32, #tpu.memory_space<vmem>>, vector<16xf32>,
      %get3A_519 = vector.shape_cast %get3A_518 : vector<16xf32> to vector<16xf32>
      %add3A_520 = arith.addf %get3A_516, %get3A_519 : vector<16xf32>
      %swap3A_521 = arith.constant 96 : index
      %swap3A_522 = tpu.vector_load %arg8[%swap3A_521] {strides = array<i32>} : memref<128xf32, #tpu.memory_space<vmem>>, vector<16xf32>,
      %swap3A_523 = vector.shape_cast %swap3A_522 : vector<16xf32> to vector<16xf32>
      %swap3A_524 = vector.shape_cast %add3A_520 : vector<16xf32> to vector<16xf32>
      tpu.vector_store %arg8[%swap3A_521], %swap3A_524 {strides = array<i32>} : memref<128xf32, #tpu.memory_space<vmem>>, vector<16xf32>,
      %get3A_525 = arith.constant 112 : index
      %get3A_526 = tpu.vector_load %arg8[%get3A_525] {strides = array<i32>} : memref<128xf32, #tpu.memory_space<vmem>>, vector<16xf32>,
      %get3A_527 = vector.shape_cast %get3A_526 : vector<16xf32> to vector<16xf32>
      %get3A_528 = arith.constant 112 : index
      %get3A_529 = tpu.vector_load %arg9[%get3A_528] {strides = array<i32>} : memref<128xf32, #tpu.memory_space<vmem>>, vector<16xf32>,
      %get3A_530 = vector.shape_cast %get3A_529 : vector<16xf32> to vector<16xf32>
      %add3A_531 = arith.addf %get3A_527, %get3A_530 : vector<16xf32>
      %swap3A_532 = arith.constant 112 : index
      %swap3A_533 = tpu.vector_load %arg8[%swap3A_532] {strides = array<i32>} : memref<128xf32, #tpu.memory_space<vmem>>, vector<16xf32>,
      %swap3A_534 = vector.shape_cast %swap3A_533 : vector<16xf32> to vector<16xf32>
      %swap3A_535 = vector.shape_cast %add3A_531 : vector<16xf32> to vector<16xf32>
      tpu.vector_store %arg8[%swap3A_532], %swap3A_535 {strides = array<i32>} : memref<128xf32, #tpu.memory_space<vmem>>, vector<16xf32>,
      %run_scoped3A_536 = arith.constant 9 : i32
      "tpu.region"() ({
        %run_scoped3A_1426 = tpu.sem_alloc : memref<!tpu.dma_semaphore, #tpu.memory_space<semaphore_mem>>
        %dma_start3A = arith.constant 0 : i32
        %dma_start3A_1427 = tpu.memref_slice %arg10[%run_scoped3A_536, %dma_start3A] : memref<16x128xf32, #tpu.memory_space<vmem_shared>> -> memref<1x128xf32, #tpu.memory_space<vmem_shared>>
        %dma_start3A_1428 = tpu.memref_squeeze %dma_start3A_1427 : memref<1x128xf32, #tpu.memory_space<vmem_shared>> -> memref<128xf32, #tpu.memory_space<vmem_shared>>
        %dma_start3A_1429 = arith.constant 0 : i32
        %dma_start3A_1430 = tpu.memref_slice %arg10[%run_scoped3A_536, %dma_start3A_1429] : memref<16x128xf32, #tpu.memory_space<vmem_shared>> -> memref<1x128xf32, #tpu.memory_space<vmem_shared>>
        %dma_start3A_1431 = tpu.memref_squeeze %dma_start3A_1430 : memref<1x128xf32, #tpu.memory_space<vmem_shared>> -> memref<128xf32, #tpu.memory_space<vmem_shared>>
        tpu.enqueue_dma source(%dma_start3A_1431 : memref<128xf32, #tpu.memory_space<vmem_shared>>) target(%arg9 : memref<128xf32, #tpu.memory_space<vmem>>) target_semaphore(%run_scoped3A_1426 : memref<!tpu.dma_semaphore, #tpu.memory_space<semaphore_mem>>)
        %dma_wait3A = arith.constant 0 : i32
        %dma_wait3A_1432 = tpu.memref_slice %arg10[%run_scoped3A_536, %dma_wait3A] : memref<16x128xf32, #tpu.memory_space<vmem_shared>> -> memref<1x128xf32, #tpu.memory_space<vmem_shared>>
        %dma_wait3A_1433 = tpu.memref_squeeze %dma_wait3A_1432 : memref<1x128xf32, #tpu.memory_space<vmem_shared>> -> memref<128xf32, #tpu.memory_space<vmem_shared>>
        %dma_wait3A_1434 = arith.constant 0 : i32
        %dma_wait3A_1435 = tpu.memref_slice %arg10[%run_scoped3A_536, %dma_wait3A_1434] : memref<16x128xf32, #tpu.memory_space<vmem_shared>> -> memref<1x128xf32, #tpu.memory_space<vmem_shared>>
        %dma_wait3A_1436 = tpu.memref_squeeze %dma_wait3A_1435 : memref<1x128xf32, #tpu.memory_space<vmem_shared>> -> memref<128xf32, #tpu.memory_space<vmem_shared>>
        tpu.wait_dma2 semaphore(%run_scoped3A_1426 : memref<!tpu.dma_semaphore, #tpu.memory_space<semaphore_mem>>) src(%dma_wait3A_1436 : memref<128xf32, #tpu.memory_space<vmem_shared>>) dst(%arg9 : memref<128xf32, #tpu.memory_space<vmem>>)
        tpu.yield
      }) : () -> ()
      %get3A_537 = arith.constant 0 : index
      %get3A_538 = tpu.vector_load %arg8[%get3A_537] {strides = array<i32>} : memref<128xf32, #tpu.memory_space<vmem>>, vector<16xf32>,
      %get3A_539 = vector.shape_cast %get3A_538 : vector<16xf32> to vector<16xf32>
      %get3A_540 = arith.constant 0 : index
      %get3A_541 = tpu.vector_load %arg9[%get3A_540] {strides = array<i32>} : memref<128xf32, #tpu.memory_space<vmem>>, vector<16xf32>,
      %get3A_542 = vector.shape_cast %get3A_541 : vector<16xf32> to vector<16xf32>
      %add3A_543 = arith.addf %get3A_539, %get3A_542 : vector<16xf32>
      %swap3A_544 = arith.constant 0 : index
      %swap3A_545 = tpu.vector_load %arg8[%swap3A_544] {strides = array<i32>} : memref<128xf32, #tpu.memory_space<vmem>>, vector<16xf32>,
      %swap3A_546 = vector.shape_cast %swap3A_545 : vector<16xf32> to vector<16xf32>
      %swap3A_547 = vector.shape_cast %add3A_543 : vector<16xf32> to vector<16xf32>
      tpu.vector_store %arg8[%swap3A_544], %swap3A_547 {strides = array<i32>} : memref<128xf32, #tpu.memory_space<vmem>>, vector<16xf32>,
      %get3A_548 = arith.constant 16 : index
      %get3A_549 = tpu.vector_load %arg8[%get3A_548] {strides = array<i32>} : memref<128xf32, #tpu.memory_space<vmem>>, vector<16xf32>,
      %get3A_550 = vector.shape_cast %get3A_549 : vector<16xf32> to vector<16xf32>
      %get3A_551 = arith.constant 16 : index
      %get3A_552 = tpu.vector_load %arg9[%get3A_551] {strides = array<i32>} : memref<128xf32, #tpu.memory_space<vmem>>, vector<16xf32>,
      %get3A_553 = vector.shape_cast %get3A_552 : vector<16xf32> to vector<16xf32>
      %add3A_554 = arith.addf %get3A_550, %get3A_553 : vector<16xf32>
      %swap3A_555 = arith.constant 16 : index
      %swap3A_556 = tpu.vector_load %arg8[%swap3A_555] {strides = array<i32>} : memref<128xf32, #tpu.memory_space<vmem>>, vector<16xf32>,
      %swap3A_557 = vector.shape_cast %swap3A_556 : vector<16xf32> to vector<16xf32>
      %swap3A_558 = vector.shape_cast %add3A_554 : vector<16xf32> to vector<16xf32>
      tpu.vector_store %arg8[%swap3A_555], %swap3A_558 {strides = array<i32>} : memref<128xf32, #tpu.memory_space<vmem>>, vector<16xf32>,
      %get3A_559 = arith.constant 32 : index
      %get3A_560 = tpu.vector_load %arg8[%get3A_559] {strides = array<i32>} : memref<128xf32, #tpu.memory_space<vmem>>, vector<16xf32>,
      %get3A_561 = vector.shape_cast %get3A_560 : vector<16xf32> to vector<16xf32>
      %get3A_562 = arith.constant 32 : index
      %get3A_563 = tpu.vector_load %arg9[%get3A_562] {strides = array<i32>} : memref<128xf32, #tpu.memory_space<vmem>>, vector<16xf32>,
      %get3A_564 = vector.shape_cast %get3A_563 : vector<16xf32> to vector<16xf32>
      %add3A_565 = arith.addf %get3A_561, %get3A_564 : vector<16xf32>
      %swap3A_566 = arith.constant 32 : index
      %swap3A_567 = tpu.vector_load %arg8[%swap3A_566] {strides = array<i32>} : memref<128xf32, #tpu.memory_space<vmem>>, vector<16xf32>,
      %swap3A_568 = vector.shape_cast %swap3A_567 : vector<16xf32> to vector<16xf32>
      %swap3A_569 = vector.shape_cast %add3A_565 : vector<16xf32> to vector<16xf32>
      tpu.vector_store %arg8[%swap3A_566], %swap3A_569 {strides = array<i32>} : memref<128xf32, #tpu.memory_space<vmem>>, vector<16xf32>,
      %get3A_570 = arith.constant 48 : index
      %get3A_571 = tpu.vector_load %arg8[%get3A_570] {strides = array<i32>} : memref<128xf32, #tpu.memory_space<vmem>>, vector<16xf32>,
      %get3A_572 = vector.shape_cast %get3A_571 : vector<16xf32> to vector<16xf32>
      %get3A_573 = arith.constant 48 : index
      %get3A_574 = tpu.vector_load %arg9[%get3A_573] {strides = array<i32>} : memref<128xf32, #tpu.memory_space<vmem>>, vector<16xf32>,
      %get3A_575 = vector.shape_cast %get3A_574 : vector<16xf32> to vector<16xf32>
      %add3A_576 = arith.addf %get3A_572, %get3A_575 : vector<16xf32>
      %swap3A_577 = arith.constant 48 : index
      %swap3A_578 = tpu.vector_load %arg8[%swap3A_577] {strides = array<i32>} : memref<128xf32, #tpu.memory_space<vmem>>, vector<16xf32>,
      %swap3A_579 = vector.shape_cast %swap3A_578 : vector<16xf32> to vector<16xf32>
      %swap3A_580 = vector.shape_cast %add3A_576 : vector<16xf32> to vector<16xf32>
      tpu.vector_store %arg8[%swap3A_577], %swap3A_580 {strides = array<i32>} : memref<128xf32, #tpu.memory_space<vmem>>, vector<16xf32>,
      %get3A_581 = arith.constant 64 : index
      %get3A_582 = tpu.vector_load %arg8[%get3A_581] {strides = array<i32>} : memref<128xf32, #tpu.memory_space<vmem>>, vector<16xf32>,
      %get3A_583 = vector.shape_cast %get3A_582 : vector<16xf32> to vector<16xf32>
      %get3A_584 = arith.constant 64 : index
      %get3A_585 = tpu.vector_load %arg9[%get3A_584] {strides = array<i32>} : memref<128xf32, #tpu.memory_space<vmem>>, vector<16xf32>,
      %get3A_586 = vector.shape_cast %get3A_585 : vector<16xf32> to vector<16xf32>
      %add3A_587 = arith.addf %get3A_583, %get3A_586 : vector<16xf32>
      %swap3A_588 = arith.constant 64 : index
      %swap3A_589 = tpu.vector_load %arg8[%swap3A_588] {strides = array<i32>} : memref<128xf32, #tpu.memory_space<vmem>>, vector<16xf32>,
      %swap3A_590 = vector.shape_cast %swap3A_589 : vector<16xf32> to vector<16xf32>
      %swap3A_591 = vector.shape_cast %add3A_587 : vector<16xf32> to vector<16xf32>
      tpu.vector_store %arg8[%swap3A_588], %swap3A_591 {strides = array<i32>} : memref<128xf32, #tpu.memory_space<vmem>>, vector<16xf32>,
      %get3A_592 = arith.constant 80 : index
      %get3A_593 = tpu.vector_load %arg8[%get3A_592] {strides = array<i32>} : memref<128xf32, #tpu.memory_space<vmem>>, vector<16xf32>,
      %get3A_594 = vector.shape_cast %get3A_593 : vector<16xf32> to vector<16xf32>
      %get3A_595 = arith.constant 80 : index
      %get3A_596 = tpu.vector_load %arg9[%get3A_595] {strides = array<i32>} : memref<128xf32, #tpu.memory_space<vmem>>, vector<16xf32>,
      %get3A_597 = vector.shape_cast %get3A_596 : vector<16xf32> to vector<16xf32>
      %add3A_598 = arith.addf %get3A_594, %get3A_597 : vector<16xf32>
      %swap3A_599 = arith.constant 80 : index
      %swap3A_600 = tpu.vector_load %arg8[%swap3A_599] {strides = array<i32>} : memref<128xf32, #tpu.memory_space<vmem>>, vector<16xf32>,
      %swap3A_601 = vector.shape_cast %swap3A_600 : vector<16xf32> to vector<16xf32>
      %swap3A_602 = vector.shape_cast %add3A_598 : vector<16xf32> to vector<16xf32>
      tpu.vector_store %arg8[%swap3A_599], %swap3A_602 {strides = array<i32>} : memref<128xf32, #tpu.memory_space<vmem>>, vector<16xf32>,
      %get3A_603 = arith.constant 96 : index
      %get3A_604 = tpu.vector_load %arg8[%get3A_603] {strides = array<i32>} : memref<128xf32, #tpu.memory_space<vmem>>, vector<16xf32>,
      %get3A_605 = vector.shape_cast %get3A_604 : vector<16xf32> to vector<16xf32>
      %get3A_606 = arith.constant 96 : index
      %get3A_607 = tpu.vector_load %arg9[%get3A_606] {strides = array<i32>} : memref<128xf32, #tpu.memory_space<vmem>>, vector<16xf32>,
      %get3A_608 = vector.shape_cast %get3A_607 : vector<16xf32> to vector<16xf32>
      %add3A_609 = arith.addf %get3A_605, %get3A_608 : vector<16xf32>
      %swap3A_610 = arith.constant 96 : index
      %swap3A_611 = tpu.vector_load %arg8[%swap3A_610] {strides = array<i32>} : memref<128xf32, #tpu.memory_space<vmem>>, vector<16xf32>,
      %swap3A_612 = vector.shape_cast %swap3A_611 : vector<16xf32> to vector<16xf32>
      %swap3A_613 = vector.shape_cast %add3A_609 : vector<16xf32> to vector<16xf32>
      tpu.vector_store %arg8[%swap3A_610], %swap3A_613 {strides = array<i32>} : memref<128xf32, #tpu.memory_space<vmem>>, vector<16xf32>,
      %get3A_614 = arith.constant 112 : index
      %get3A_615 = tpu.vector_load %arg8[%get3A_614] {strides = array<i32>} : memref<128xf32, #tpu.memory_space<vmem>>, vector<16xf32>,
      %get3A_616 = vector.shape_cast %get3A_615 : vector<16xf32> to vector<16xf32>
      %get3A_617 = arith.constant 112 : index
      %get3A_618 = tpu.vector_load %arg9[%get3A_617] {strides = array<i32>} : memref<128xf32, #tpu.memory_space<vmem>>, vector<16xf32>,
      %get3A_619 = vector.shape_cast %get3A_618 : vector<16xf32> to vector<16xf32>
      %add3A_620 = arith.addf %get3A_616, %get3A_619 : vector<16xf32>
      %swap3A_621 = arith.constant 112 : index
      %swap3A_622 = tpu.vector_load %arg8[%swap3A_621] {strides = array<i32>} : memref<128xf32, #tpu.memory_space<vmem>>, vector<16xf32>,
      %swap3A_623 = vector.shape_cast %swap3A_622 : vector<16xf32> to vector<16xf32>
      %swap3A_624 = vector.shape_cast %add3A_620 : vector<16xf32> to vector<16xf32>
      tpu.vector_store %arg8[%swap3A_621], %swap3A_624 {strides = array<i32>} : memref<128xf32, #tpu.memory_space<vmem>>, vector<16xf32>,
      %run_scoped3A_625 = arith.constant 8 : i32
      "tpu.region"() ({
        %run_scoped3A_1426 = tpu.sem_alloc : memref<!tpu.dma_semaphore, #tpu.memory_space<semaphore_mem>>
        %dma_start3A = arith.constant 0 : i32
        %dma_start3A_1427 = tpu.memref_slice %arg10[%run_scoped3A_625, %dma_start3A] : memref<16x128xf32, #tpu.memory_space<vmem_shared>> -> memref<1x128xf32, #tpu.memory_space<vmem_shared>>
        %dma_start3A_1428 = tpu.memref_squeeze %dma_start3A_1427 : memref<1x128xf32, #tpu.memory_space<vmem_shared>> -> memref<128xf32, #tpu.memory_space<vmem_shared>>
        %dma_start3A_1429 = arith.constant 0 : i32
        %dma_start3A_1430 = tpu.memref_slice %arg10[%run_scoped3A_625, %dma_start3A_1429] : memref<16x128xf32, #tpu.memory_space<vmem_shared>> -> memref<1x128xf32, #tpu.memory_space<vmem_shared>>
        %dma_start3A_1431 = tpu.memref_squeeze %dma_start3A_1430 : memref<1x128xf32, #tpu.memory_space<vmem_shared>> -> memref<128xf32, #tpu.memory_space<vmem_shared>>
        tpu.enqueue_dma source(%dma_start3A_1431 : memref<128xf32, #tpu.memory_space<vmem_shared>>) target(%arg9 : memref<128xf32, #tpu.memory_space<vmem>>) target_semaphore(%run_scoped3A_1426 : memref<!tpu.dma_semaphore, #tpu.memory_space<semaphore_mem>>)
        %dma_wait3A = arith.constant 0 : i32
        %dma_wait3A_1432 = tpu.memref_slice %arg10[%run_scoped3A_625, %dma_wait3A] : memref<16x128xf32, #tpu.memory_space<vmem_shared>> -> memref<1x128xf32, #tpu.memory_space<vmem_shared>>
        %dma_wait3A_1433 = tpu.memref_squeeze %dma_wait3A_1432 : memref<1x128xf32, #tpu.memory_space<vmem_shared>> -> memref<128xf32, #tpu.memory_space<vmem_shared>>
        %dma_wait3A_1434 = arith.constant 0 : i32
        %dma_wait3A_1435 = tpu.memref_slice %arg10[%run_scoped3A_625, %dma_wait3A_1434] : memref<16x128xf32, #tpu.memory_space<vmem_shared>> -> memref<1x128xf32, #tpu.memory_space<vmem_shared>>
        %dma_wait3A_1436 = tpu.memref_squeeze %dma_wait3A_1435 : memref<1x128xf32, #tpu.memory_space<vmem_shared>> -> memref<128xf32, #tpu.memory_space<vmem_shared>>
        tpu.wait_dma2 semaphore(%run_scoped3A_1426 : memref<!tpu.dma_semaphore, #tpu.memory_space<semaphore_mem>>) src(%dma_wait3A_1436 : memref<128xf32, #tpu.memory_space<vmem_shared>>) dst(%arg9 : memref<128xf32, #tpu.memory_space<vmem>>)
        tpu.yield
      }) : () -> ()
      %get3A_626 = arith.constant 0 : index
      %get3A_627 = tpu.vector_load %arg8[%get3A_626] {strides = array<i32>} : memref<128xf32, #tpu.memory_space<vmem>>, vector<16xf32>,
      %get3A_628 = vector.shape_cast %get3A_627 : vector<16xf32> to vector<16xf32>
      %get3A_629 = arith.constant 0 : index
      %get3A_630 = tpu.vector_load %arg9[%get3A_629] {strides = array<i32>} : memref<128xf32, #tpu.memory_space<vmem>>, vector<16xf32>,
      %get3A_631 = vector.shape_cast %get3A_630 : vector<16xf32> to vector<16xf32>
      %add3A_632 = arith.addf %get3A_628, %get3A_631 : vector<16xf32>
      %swap3A_633 = arith.constant 0 : index
      %swap3A_634 = tpu.vector_load %arg8[%swap3A_633] {strides = array<i32>} : memref<128xf32, #tpu.memory_space<vmem>>, vector<16xf32>,
      %swap3A_635 = vector.shape_cast %swap3A_634 : vector<16xf32> to vector<16xf32>
      %swap3A_636 = vector.shape_cast %add3A_632 : vector<16xf32> to vector<16xf32>
      tpu.vector_store %arg8[%swap3A_633], %swap3A_636 {strides = array<i32>} : memref<128xf32, #tpu.memory_space<vmem>>, vector<16xf32>,
      %get3A_637 = arith.constant 16 : index
      %get3A_638 = tpu.vector_load %arg8[%get3A_637] {strides = array<i32>} : memref<128xf32, #tpu.memory_space<vmem>>, vector<16xf32>,
      %get3A_639 = vector.shape_cast %get3A_638 : vector<16xf32> to vector<16xf32>
      %get3A_640 = arith.constant 16 : index
      %get3A_641 = tpu.vector_load %arg9[%get3A_640] {strides = array<i32>} : memref<128xf32, #tpu.memory_space<vmem>>, vector<16xf32>,
      %get3A_642 = vector.shape_cast %get3A_641 : vector<16xf32> to vector<16xf32>
      %add3A_643 = arith.addf %get3A_639, %get3A_642 : vector<16xf32>
      %swap3A_644 = arith.constant 16 : index
      %swap3A_645 = tpu.vector_load %arg8[%swap3A_644] {strides = array<i32>} : memref<128xf32, #tpu.memory_space<vmem>>, vector<16xf32>,
      %swap3A_646 = vector.shape_cast %swap3A_645 : vector<16xf32> to vector<16xf32>
      %swap3A_647 = vector.shape_cast %add3A_643 : vector<16xf32> to vector<16xf32>
      tpu.vector_store %arg8[%swap3A_644], %swap3A_647 {strides = array<i32>} : memref<128xf32, #tpu.memory_space<vmem>>, vector<16xf32>,
      %get3A_648 = arith.constant 32 : index
      %get3A_649 = tpu.vector_load %arg8[%get3A_648] {strides = array<i32>} : memref<128xf32, #tpu.memory_space<vmem>>, vector<16xf32>,
      %get3A_650 = vector.shape_cast %get3A_649 : vector<16xf32> to vector<16xf32>
      %get3A_651 = arith.constant 32 : index
      %get3A_652 = tpu.vector_load %arg9[%get3A_651] {strides = array<i32>} : memref<128xf32, #tpu.memory_space<vmem>>, vector<16xf32>,
      %get3A_653 = vector.shape_cast %get3A_652 : vector<16xf32> to vector<16xf32>
      %add3A_654 = arith.addf %get3A_650, %get3A_653 : vector<16xf32>
      %swap3A_655 = arith.constant 32 : index
      %swap3A_656 = tpu.vector_load %arg8[%swap3A_655] {strides = array<i32>} : memref<128xf32, #tpu.memory_space<vmem>>, vector<16xf32>,
      %swap3A_657 = vector.shape_cast %swap3A_656 : vector<16xf32> to vector<16xf32>
      %swap3A_658 = vector.shape_cast %add3A_654 : vector<16xf32> to vector<16xf32>
      tpu.vector_store %arg8[%swap3A_655], %swap3A_658 {strides = array<i32>} : memref<128xf32, #tpu.memory_space<vmem>>, vector<16xf32>,
      %get3A_659 = arith.constant 48 : index
      %get3A_660 = tpu.vector_load %arg8[%get3A_659] {strides = array<i32>} : memref<128xf32, #tpu.memory_space<vmem>>, vector<16xf32>,
      %get3A_661 = vector.shape_cast %get3A_660 : vector<16xf32> to vector<16xf32>
      %get3A_662 = arith.constant 48 : index
      %get3A_663 = tpu.vector_load %arg9[%get3A_662] {strides = array<i32>} : memref<128xf32, #tpu.memory_space<vmem>>, vector<16xf32>,
      %get3A_664 = vector.shape_cast %get3A_663 : vector<16xf32> to vector<16xf32>
      %add3A_665 = arith.addf %get3A_661, %get3A_664 : vector<16xf32>
      %swap3A_666 = arith.constant 48 : index
      %swap3A_667 = tpu.vector_load %arg8[%swap3A_666] {strides = array<i32>} : memref<128xf32, #tpu.memory_space<vmem>>, vector<16xf32>,
      %swap3A_668 = vector.shape_cast %swap3A_667 : vector<16xf32> to vector<16xf32>
      %swap3A_669 = vector.shape_cast %add3A_665 : vector<16xf32> to vector<16xf32>
      tpu.vector_store %arg8[%swap3A_666], %swap3A_669 {strides = array<i32>} : memref<128xf32, #tpu.memory_space<vmem>>, vector<16xf32>,
      %get3A_670 = arith.constant 64 : index
      %get3A_671 = tpu.vector_load %arg8[%get3A_670] {strides = array<i32>} : memref<128xf32, #tpu.memory_space<vmem>>, vector<16xf32>,
      %get3A_672 = vector.shape_cast %get3A_671 : vector<16xf32> to vector<16xf32>
      %get3A_673 = arith.constant 64 : index
      %get3A_674 = tpu.vector_load %arg9[%get3A_673] {strides = array<i32>} : memref<128xf32, #tpu.memory_space<vmem>>, vector<16xf32>,
      %get3A_675 = vector.shape_cast %get3A_674 : vector<16xf32> to vector<16xf32>
      %add3A_676 = arith.addf %get3A_672, %get3A_675 : vector<16xf32>
      %swap3A_677 = arith.constant 64 : index
      %swap3A_678 = tpu.vector_load %arg8[%swap3A_677] {strides = array<i32>} : memref<128xf32, #tpu.memory_space<vmem>>, vector<16xf32>,
      %swap3A_679 = vector.shape_cast %swap3A_678 : vector<16xf32> to vector<16xf32>
      %swap3A_680 = vector.shape_cast %add3A_676 : vector<16xf32> to vector<16xf32>
      tpu.vector_store %arg8[%swap3A_677], %swap3A_680 {strides = array<i32>} : memref<128xf32, #tpu.memory_space<vmem>>, vector<16xf32>,
      %get3A_681 = arith.constant 80 : index
      %get3A_682 = tpu.vector_load %arg8[%get3A_681] {strides = array<i32>} : memref<128xf32, #tpu.memory_space<vmem>>, vector<16xf32>,
      %get3A_683 = vector.shape_cast %get3A_682 : vector<16xf32> to vector<16xf32>
      %get3A_684 = arith.constant 80 : index
      %get3A_685 = tpu.vector_load %arg9[%get3A_684] {strides = array<i32>} : memref<128xf32, #tpu.memory_space<vmem>>, vector<16xf32>,
      %get3A_686 = vector.shape_cast %get3A_685 : vector<16xf32> to vector<16xf32>
      %add3A_687 = arith.addf %get3A_683, %get3A_686 : vector<16xf32>
      %swap3A_688 = arith.constant 80 : index
      %swap3A_689 = tpu.vector_load %arg8[%swap3A_688] {strides = array<i32>} : memref<128xf32, #tpu.memory_space<vmem>>, vector<16xf32>,
      %swap3A_690 = vector.shape_cast %swap3A_689 : vector<16xf32> to vector<16xf32>
      %swap3A_691 = vector.shape_cast %add3A_687 : vector<16xf32> to vector<16xf32>
      tpu.vector_store %arg8[%swap3A_688], %swap3A_691 {strides = array<i32>} : memref<128xf32, #tpu.memory_space<vmem>>, vector<16xf32>,
      %get3A_692 = arith.constant 96 : index
      %get3A_693 = tpu.vector_load %arg8[%get3A_692] {strides = array<i32>} : memref<128xf32, #tpu.memory_space<vmem>>, vector<16xf32>,
      %get3A_694 = vector.shape_cast %get3A_693 : vector<16xf32> to vector<16xf32>
      %get3A_695 = arith.constant 96 : index
      %get3A_696 = tpu.vector_load %arg9[%get3A_695] {strides = array<i32>} : memref<128xf32, #tpu.memory_space<vmem>>, vector<16xf32>,
      %get3A_697 = vector.shape_cast %get3A_696 : vector<16xf32> to vector<16xf32>
      %add3A_698 = arith.addf %get3A_694, %get3A_697 : vector<16xf32>
      %swap3A_699 = arith.constant 96 : index
      %swap3A_700 = tpu.vector_load %arg8[%swap3A_699] {strides = array<i32>} : memref<128xf32, #tpu.memory_space<vmem>>, vector<16xf32>,
      %swap3A_701 = vector.shape_cast %swap3A_700 : vector<16xf32> to vector<16xf32>
      %swap3A_702 = vector.shape_cast %add3A_698 : vector<16xf32> to vector<16xf32>
      tpu.vector_store %arg8[%swap3A_699], %swap3A_702 {strides = array<i32>} : memref<128xf32, #tpu.memory_space<vmem>>, vector<16xf32>,
      %get3A_703 = arith.constant 112 : index
      %get3A_704 = tpu.vector_load %arg8[%get3A_703] {strides = array<i32>} : memref<128xf32, #tpu.memory_space<vmem>>, vector<16xf32>,
      %get3A_705 = vector.shape_cast %get3A_704 : vector<16xf32> to vector<16xf32>
      %get3A_706 = arith.constant 112 : index
      %get3A_707 = tpu.vector_load %arg9[%get3A_706] {strides = array<i32>} : memref<128xf32, #tpu.memory_space<vmem>>, vector<16xf32>,
      %get3A_708 = vector.shape_cast %get3A_707 : vector<16xf32> to vector<16xf32>
      %add3A_709 = arith.addf %get3A_705, %get3A_708 : vector<16xf32>
      %swap3A_710 = arith.constant 112 : index
      %swap3A_711 = tpu.vector_load %arg8[%swap3A_710] {strides = array<i32>} : memref<128xf32, #tpu.memory_space<vmem>>, vector<16xf32>,
      %swap3A_712 = vector.shape_cast %swap3A_711 : vector<16xf32> to vector<16xf32>
      %swap3A_713 = vector.shape_cast %add3A_709 : vector<16xf32> to vector<16xf32>
      tpu.vector_store %arg8[%swap3A_710], %swap3A_713 {strides = array<i32>} : memref<128xf32, #tpu.memory_space<vmem>>, vector<16xf32>,
      %run_scoped3A_714 = arith.constant 7 : i32
      "tpu.region"() ({
        %run_scoped3A_1426 = tpu.sem_alloc : memref<!tpu.dma_semaphore, #tpu.memory_space<semaphore_mem>>
        %dma_start3A = arith.constant 0 : i32
        %dma_start3A_1427 = tpu.memref_slice %arg10[%run_scoped3A_714, %dma_start3A] : memref<16x128xf32, #tpu.memory_space<vmem_shared>> -> memref<1x128xf32, #tpu.memory_space<vmem_shared>>
        %dma_start3A_1428 = tpu.memref_squeeze %dma_start3A_1427 : memref<1x128xf32, #tpu.memory_space<vmem_shared>> -> memref<128xf32, #tpu.memory_space<vmem_shared>>
        %dma_start3A_1429 = arith.constant 0 : i32
        %dma_start3A_1430 = tpu.memref_slice %arg10[%run_scoped3A_714, %dma_start3A_1429] : memref<16x128xf32, #tpu.memory_space<vmem_shared>> -> memref<1x128xf32, #tpu.memory_space<vmem_shared>>
        %dma_start3A_1431 = tpu.memref_squeeze %dma_start3A_1430 : memref<1x128xf32, #tpu.memory_space<vmem_shared>> -> memref<128xf32, #tpu.memory_space<vmem_shared>>
        tpu.enqueue_dma source(%dma_start3A_1431 : memref<128xf32, #tpu.memory_space<vmem_shared>>) target(%arg9 : memref<128xf32, #tpu.memory_space<vmem>>) target_semaphore(%run_scoped3A_1426 : memref<!tpu.dma_semaphore, #tpu.memory_space<semaphore_mem>>)
        %dma_wait3A = arith.constant 0 : i32
        %dma_wait3A_1432 = tpu.memref_slice %arg10[%run_scoped3A_714, %dma_wait3A] : memref<16x128xf32, #tpu.memory_space<vmem_shared>> -> memref<1x128xf32, #tpu.memory_space<vmem_shared>>
        %dma_wait3A_1433 = tpu.memref_squeeze %dma_wait3A_1432 : memref<1x128xf32, #tpu.memory_space<vmem_shared>> -> memref<128xf32, #tpu.memory_space<vmem_shared>>
        %dma_wait3A_1434 = arith.constant 0 : i32
        %dma_wait3A_1435 = tpu.memref_slice %arg10[%run_scoped3A_714, %dma_wait3A_1434] : memref<16x128xf32, #tpu.memory_space<vmem_shared>> -> memref<1x128xf32, #tpu.memory_space<vmem_shared>>
        %dma_wait3A_1436 = tpu.memref_squeeze %dma_wait3A_1435 : memref<1x128xf32, #tpu.memory_space<vmem_shared>> -> memref<128xf32, #tpu.memory_space<vmem_shared>>
        tpu.wait_dma2 semaphore(%run_scoped3A_1426 : memref<!tpu.dma_semaphore, #tpu.memory_space<semaphore_mem>>) src(%dma_wait3A_1436 : memref<128xf32, #tpu.memory_space<vmem_shared>>) dst(%arg9 : memref<128xf32, #tpu.memory_space<vmem>>)
        tpu.yield
      }) : () -> ()
      %get3A_715 = arith.constant 0 : index
      %get3A_716 = tpu.vector_load %arg8[%get3A_715] {strides = array<i32>} : memref<128xf32, #tpu.memory_space<vmem>>, vector<16xf32>,
      %get3A_717 = vector.shape_cast %get3A_716 : vector<16xf32> to vector<16xf32>
      %get3A_718 = arith.constant 0 : index
      %get3A_719 = tpu.vector_load %arg9[%get3A_718] {strides = array<i32>} : memref<128xf32, #tpu.memory_space<vmem>>, vector<16xf32>,
      %get3A_720 = vector.shape_cast %get3A_719 : vector<16xf32> to vector<16xf32>
      %add3A_721 = arith.addf %get3A_717, %get3A_720 : vector<16xf32>
      %swap3A_722 = arith.constant 0 : index
      %swap3A_723 = tpu.vector_load %arg8[%swap3A_722] {strides = array<i32>} : memref<128xf32, #tpu.memory_space<vmem>>, vector<16xf32>,
      %swap3A_724 = vector.shape_cast %swap3A_723 : vector<16xf32> to vector<16xf32>
      %swap3A_725 = vector.shape_cast %add3A_721 : vector<16xf32> to vector<16xf32>
      tpu.vector_store %arg8[%swap3A_722], %swap3A_725 {strides = array<i32>} : memref<128xf32, #tpu.memory_space<vmem>>, vector<16xf32>,
      %get3A_726 = arith.constant 16 : index
      %get3A_727 = tpu.vector_load %arg8[%get3A_726] {strides = array<i32>} : memref<128xf32, #tpu.memory_space<vmem>>, vector<16xf32>,
      %get3A_728 = vector.shape_cast %get3A_727 : vector<16xf32> to vector<16xf32>
      %get3A_729 = arith.constant 16 : index
      %get3A_730 = tpu.vector_load %arg9[%get3A_729] {strides = array<i32>} : memref<128xf32, #tpu.memory_space<vmem>>, vector<16xf32>,
      %get3A_731 = vector.shape_cast %get3A_730 : vector<16xf32> to vector<16xf32>
      %add3A_732 = arith.addf %get3A_728, %get3A_731 : vector<16xf32>
      %swap3A_733 = arith.constant 16 : index
      %swap3A_734 = tpu.vector_load %arg8[%swap3A_733] {strides = array<i32>} : memref<128xf32, #tpu.memory_space<vmem>>, vector<16xf32>,
      %swap3A_735 = vector.shape_cast %swap3A_734 : vector<16xf32> to vector<16xf32>
      %swap3A_736 = vector.shape_cast %add3A_732 : vector<16xf32> to vector<16xf32>
      tpu.vector_store %arg8[%swap3A_733], %swap3A_736 {strides = array<i32>} : memref<128xf32, #tpu.memory_space<vmem>>, vector<16xf32>,
      %get3A_737 = arith.constant 32 : index
      %get3A_738 = tpu.vector_load %arg8[%get3A_737] {strides = array<i32>} : memref<128xf32, #tpu.memory_space<vmem>>, vector<16xf32>,
      %get3A_739 = vector.shape_cast %get3A_738 : vector<16xf32> to vector<16xf32>
      %get3A_740 = arith.constant 32 : index
      %get3A_741 = tpu.vector_load %arg9[%get3A_740] {strides = array<i32>} : memref<128xf32, #tpu.memory_space<vmem>>, vector<16xf32>,
      %get3A_742 = vector.shape_cast %get3A_741 : vector<16xf32> to vector<16xf32>
      %add3A_743 = arith.addf %get3A_739, %get3A_742 : vector<16xf32>
      %swap3A_744 = arith.constant 32 : index
      %swap3A_745 = tpu.vector_load %arg8[%swap3A_744] {strides = array<i32>} : memref<128xf32, #tpu.memory_space<vmem>>, vector<16xf32>,
      %swap3A_746 = vector.shape_cast %swap3A_745 : vector<16xf32> to vector<16xf32>
      %swap3A_747 = vector.shape_cast %add3A_743 : vector<16xf32> to vector<16xf32>
      tpu.vector_store %arg8[%swap3A_744], %swap3A_747 {strides = array<i32>} : memref<128xf32, #tpu.memory_space<vmem>>, vector<16xf32>,
      %get3A_748 = arith.constant 48 : index
      %get3A_749 = tpu.vector_load %arg8[%get3A_748] {strides = array<i32>} : memref<128xf32, #tpu.memory_space<vmem>>, vector<16xf32>,
      %get3A_750 = vector.shape_cast %get3A_749 : vector<16xf32> to vector<16xf32>
      %get3A_751 = arith.constant 48 : index
      %get3A_752 = tpu.vector_load %arg9[%get3A_751] {strides = array<i32>} : memref<128xf32, #tpu.memory_space<vmem>>, vector<16xf32>,
      %get3A_753 = vector.shape_cast %get3A_752 : vector<16xf32> to vector<16xf32>
      %add3A_754 = arith.addf %get3A_750, %get3A_753 : vector<16xf32>
      %swap3A_755 = arith.constant 48 : index
      %swap3A_756 = tpu.vector_load %arg8[%swap3A_755] {strides = array<i32>} : memref<128xf32, #tpu.memory_space<vmem>>, vector<16xf32>,
      %swap3A_757 = vector.shape_cast %swap3A_756 : vector<16xf32> to vector<16xf32>
      %swap3A_758 = vector.shape_cast %add3A_754 : vector<16xf32> to vector<16xf32>
      tpu.vector_store %arg8[%swap3A_755], %swap3A_758 {strides = array<i32>} : memref<128xf32, #tpu.memory_space<vmem>>, vector<16xf32>,
      %get3A_759 = arith.constant 64 : index
      %get3A_760 = tpu.vector_load %arg8[%get3A_759] {strides = array<i32>} : memref<128xf32, #tpu.memory_space<vmem>>, vector<16xf32>,
      %get3A_761 = vector.shape_cast %get3A_760 : vector<16xf32> to vector<16xf32>
      %get3A_762 = arith.constant 64 : index
      %get3A_763 = tpu.vector_load %arg9[%get3A_762] {strides = array<i32>} : memref<128xf32, #tpu.memory_space<vmem>>, vector<16xf32>,
      %get3A_764 = vector.shape_cast %get3A_763 : vector<16xf32> to vector<16xf32>
      %add3A_765 = arith.addf %get3A_761, %get3A_764 : vector<16xf32>
      %swap3A_766 = arith.constant 64 : index
      %swap3A_767 = tpu.vector_load %arg8[%swap3A_766] {strides = array<i32>} : memref<128xf32, #tpu.memory_space<vmem>>, vector<16xf32>,
      %swap3A_768 = vector.shape_cast %swap3A_767 : vector<16xf32> to vector<16xf32>
      %swap3A_769 = vector.shape_cast %add3A_765 : vector<16xf32> to vector<16xf32>
      tpu.vector_store %arg8[%swap3A_766], %swap3A_769 {strides = array<i32>} : memref<128xf32, #tpu.memory_space<vmem>>, vector<16xf32>,
      %get3A_770 = arith.constant 80 : index
      %get3A_771 = tpu.vector_load %arg8[%get3A_770] {strides = array<i32>} : memref<128xf32, #tpu.memory_space<vmem>>, vector<16xf32>,
      %get3A_772 = vector.shape_cast %get3A_771 : vector<16xf32> to vector<16xf32>
      %get3A_773 = arith.constant 80 : index
      %get3A_774 = tpu.vector_load %arg9[%get3A_773] {strides = array<i32>} : memref<128xf32, #tpu.memory_space<vmem>>, vector<16xf32>,
      %get3A_775 = vector.shape_cast %get3A_774 : vector<16xf32> to vector<16xf32>
      %add3A_776 = arith.addf %get3A_772, %get3A_775 : vector<16xf32>
      %swap3A_777 = arith.constant 80 : index
      %swap3A_778 = tpu.vector_load %arg8[%swap3A_777] {strides = array<i32>} : memref<128xf32, #tpu.memory_space<vmem>>, vector<16xf32>,
      %swap3A_779 = vector.shape_cast %swap3A_778 : vector<16xf32> to vector<16xf32>
      %swap3A_780 = vector.shape_cast %add3A_776 : vector<16xf32> to vector<16xf32>
      tpu.vector_store %arg8[%swap3A_777], %swap3A_780 {strides = array<i32>} : memref<128xf32, #tpu.memory_space<vmem>>, vector<16xf32>,
      %get3A_781 = arith.constant 96 : index
      %get3A_782 = tpu.vector_load %arg8[%get3A_781] {strides = array<i32>} : memref<128xf32, #tpu.memory_space<vmem>>, vector<16xf32>,
      %get3A_783 = vector.shape_cast %get3A_782 : vector<16xf32> to vector<16xf32>
      %get3A_784 = arith.constant 96 : index
      %get3A_785 = tpu.vector_load %arg9[%get3A_784] {strides = array<i32>} : memref<128xf32, #tpu.memory_space<vmem>>, vector<16xf32>,
      %get3A_786 = vector.shape_cast %get3A_785 : vector<16xf32> to vector<16xf32>
      %add3A_787 = arith.addf %get3A_783, %get3A_786 : vector<16xf32>
      %swap3A_788 = arith.constant 96 : index
      %swap3A_789 = tpu.vector_load %arg8[%swap3A_788] {strides = array<i32>} : memref<128xf32, #tpu.memory_space<vmem>>, vector<16xf32>,
      %swap3A_790 = vector.shape_cast %swap3A_789 : vector<16xf32> to vector<16xf32>
      %swap3A_791 = vector.shape_cast %add3A_787 : vector<16xf32> to vector<16xf32>
      tpu.vector_store %arg8[%swap3A_788], %swap3A_791 {strides = array<i32>} : memref<128xf32, #tpu.memory_space<vmem>>, vector<16xf32>,
      %get3A_792 = arith.constant 112 : index
      %get3A_793 = tpu.vector_load %arg8[%get3A_792] {strides = array<i32>} : memref<128xf32, #tpu.memory_space<vmem>>, vector<16xf32>,
      %get3A_794 = vector.shape_cast %get3A_793 : vector<16xf32> to vector<16xf32>
      %get3A_795 = arith.constant 112 : index
      %get3A_796 = tpu.vector_load %arg9[%get3A_795] {strides = array<i32>} : memref<128xf32, #tpu.memory_space<vmem>>, vector<16xf32>,
      %get3A_797 = vector.shape_cast %get3A_796 : vector<16xf32> to vector<16xf32>
      %add3A_798 = arith.addf %get3A_794, %get3A_797 : vector<16xf32>
      %swap3A_799 = arith.constant 112 : index
      %swap3A_800 = tpu.vector_load %arg8[%swap3A_799] {strides = array<i32>} : memref<128xf32, #tpu.memory_space<vmem>>, vector<16xf32>,
      %swap3A_801 = vector.shape_cast %swap3A_800 : vector<16xf32> to vector<16xf32>
      %swap3A_802 = vector.shape_cast %add3A_798 : vector<16xf32> to vector<16xf32>
      tpu.vector_store %arg8[%swap3A_799], %swap3A_802 {strides = array<i32>} : memref<128xf32, #tpu.memory_space<vmem>>, vector<16xf32>,
      %run_scoped3A_803 = arith.constant 6 : i32
      "tpu.region"() ({
        %run_scoped3A_1426 = tpu.sem_alloc : memref<!tpu.dma_semaphore, #tpu.memory_space<semaphore_mem>>
        %dma_start3A = arith.constant 0 : i32
        %dma_start3A_1427 = tpu.memref_slice %arg10[%run_scoped3A_803, %dma_start3A] : memref<16x128xf32, #tpu.memory_space<vmem_shared>> -> memref<1x128xf32, #tpu.memory_space<vmem_shared>>
        %dma_start3A_1428 = tpu.memref_squeeze %dma_start3A_1427 : memref<1x128xf32, #tpu.memory_space<vmem_shared>> -> memref<128xf32, #tpu.memory_space<vmem_shared>>
        %dma_start3A_1429 = arith.constant 0 : i32
        %dma_start3A_1430 = tpu.memref_slice %arg10[%run_scoped3A_803, %dma_start3A_1429] : memref<16x128xf32, #tpu.memory_space<vmem_shared>> -> memref<1x128xf32, #tpu.memory_space<vmem_shared>>
        %dma_start3A_1431 = tpu.memref_squeeze %dma_start3A_1430 : memref<1x128xf32, #tpu.memory_space<vmem_shared>> -> memref<128xf32, #tpu.memory_space<vmem_shared>>
        tpu.enqueue_dma source(%dma_start3A_1431 : memref<128xf32, #tpu.memory_space<vmem_shared>>) target(%arg9 : memref<128xf32, #tpu.memory_space<vmem>>) target_semaphore(%run_scoped3A_1426 : memref<!tpu.dma_semaphore, #tpu.memory_space<semaphore_mem>>)
        %dma_wait3A = arith.constant 0 : i32
        %dma_wait3A_1432 = tpu.memref_slice %arg10[%run_scoped3A_803, %dma_wait3A] : memref<16x128xf32, #tpu.memory_space<vmem_shared>> -> memref<1x128xf32, #tpu.memory_space<vmem_shared>>
        %dma_wait3A_1433 = tpu.memref_squeeze %dma_wait3A_1432 : memref<1x128xf32, #tpu.memory_space<vmem_shared>> -> memref<128xf32, #tpu.memory_space<vmem_shared>>
        %dma_wait3A_1434 = arith.constant 0 : i32
        %dma_wait3A_1435 = tpu.memref_slice %arg10[%run_scoped3A_803, %dma_wait3A_1434] : memref<16x128xf32, #tpu.memory_space<vmem_shared>> -> memref<1x128xf32, #tpu.memory_space<vmem_shared>>
        %dma_wait3A_1436 = tpu.memref_squeeze %dma_wait3A_1435 : memref<1x128xf32, #tpu.memory_space<vmem_shared>> -> memref<128xf32, #tpu.memory_space<vmem_shared>>
        tpu.wait_dma2 semaphore(%run_scoped3A_1426 : memref<!tpu.dma_semaphore, #tpu.memory_space<semaphore_mem>>) src(%dma_wait3A_1436 : memref<128xf32, #tpu.memory_space<vmem_shared>>) dst(%arg9 : memref<128xf32, #tpu.memory_space<vmem>>)
        tpu.yield
      }) : () -> ()
      %get3A_804 = arith.constant 0 : index
      %get3A_805 = tpu.vector_load %arg8[%get3A_804] {strides = array<i32>} : memref<128xf32, #tpu.memory_space<vmem>>, vector<16xf32>,
      %get3A_806 = vector.shape_cast %get3A_805 : vector<16xf32> to vector<16xf32>
      %get3A_807 = arith.constant 0 : index
      %get3A_808 = tpu.vector_load %arg9[%get3A_807] {strides = array<i32>} : memref<128xf32, #tpu.memory_space<vmem>>, vector<16xf32>,
      %get3A_809 = vector.shape_cast %get3A_808 : vector<16xf32> to vector<16xf32>
      %add3A_810 = arith.addf %get3A_806, %get3A_809 : vector<16xf32>
      %swap3A_811 = arith.constant 0 : index
      %swap3A_812 = tpu.vector_load %arg8[%swap3A_811] {strides = array<i32>} : memref<128xf32, #tpu.memory_space<vmem>>, vector<16xf32>,
      %swap3A_813 = vector.shape_cast %swap3A_812 : vector<16xf32> to vector<16xf32>
      %swap3A_814 = vector.shape_cast %add3A_810 : vector<16xf32> to vector<16xf32>
      tpu.vector_store %arg8[%swap3A_811], %swap3A_814 {strides = array<i32>} : memref<128xf32, #tpu.memory_space<vmem>>, vector<16xf32>,
      %get3A_815 = arith.constant 16 : index
      %get3A_816 = tpu.vector_load %arg8[%get3A_815] {strides = array<i32>} : memref<128xf32, #tpu.memory_space<vmem>>, vector<16xf32>,
      %get3A_817 = vector.shape_cast %get3A_816 : vector<16xf32> to vector<16xf32>
      %get3A_818 = arith.constant 16 : index
      %get3A_819 = tpu.vector_load %arg9[%get3A_818] {strides = array<i32>} : memref<128xf32, #tpu.memory_space<vmem>>, vector<16xf32>,
      %get3A_820 = vector.shape_cast %get3A_819 : vector<16xf32> to vector<16xf32>
      %add3A_821 = arith.addf %get3A_817, %get3A_820 : vector<16xf32>
      %swap3A_822 = arith.constant 16 : index
      %swap3A_823 = tpu.vector_load %arg8[%swap3A_822] {strides = array<i32>} : memref<128xf32, #tpu.memory_space<vmem>>, vector<16xf32>,
      %swap3A_824 = vector.shape_cast %swap3A_823 : vector<16xf32> to vector<16xf32>
      %swap3A_825 = vector.shape_cast %add3A_821 : vector<16xf32> to vector<16xf32>
      tpu.vector_store %arg8[%swap3A_822], %swap3A_825 {strides = array<i32>} : memref<128xf32, #tpu.memory_space<vmem>>, vector<16xf32>,
      %get3A_826 = arith.constant 32 : index
      %get3A_827 = tpu.vector_load %arg8[%get3A_826] {strides = array<i32>} : memref<128xf32, #tpu.memory_space<vmem>>, vector<16xf32>,
      %get3A_828 = vector.shape_cast %get3A_827 : vector<16xf32> to vector<16xf32>
      %get3A_829 = arith.constant 32 : index
      %get3A_830 = tpu.vector_load %arg9[%get3A_829] {strides = array<i32>} : memref<128xf32, #tpu.memory_space<vmem>>, vector<16xf32>,
      %get3A_831 = vector.shape_cast %get3A_830 : vector<16xf32> to vector<16xf32>
      %add3A_832 = arith.addf %get3A_828, %get3A_831 : vector<16xf32>
      %swap3A_833 = arith.constant 32 : index
      %swap3A_834 = tpu.vector_load %arg8[%swap3A_833] {strides = array<i32>} : memref<128xf32, #tpu.memory_space<vmem>>, vector<16xf32>,
      %swap3A_835 = vector.shape_cast %swap3A_834 : vector<16xf32> to vector<16xf32>
      %swap3A_836 = vector.shape_cast %add3A_832 : vector<16xf32> to vector<16xf32>
      tpu.vector_store %arg8[%swap3A_833], %swap3A_836 {strides = array<i32>} : memref<128xf32, #tpu.memory_space<vmem>>, vector<16xf32>,
      %get3A_837 = arith.constant 48 : index
      %get3A_838 = tpu.vector_load %arg8[%get3A_837] {strides = array<i32>} : memref<128xf32, #tpu.memory_space<vmem>>, vector<16xf32>,
      %get3A_839 = vector.shape_cast %get3A_838 : vector<16xf32> to vector<16xf32>
      %get3A_840 = arith.constant 48 : index
      %get3A_841 = tpu.vector_load %arg9[%get3A_840] {strides = array<i32>} : memref<128xf32, #tpu.memory_space<vmem>>, vector<16xf32>,
      %get3A_842 = vector.shape_cast %get3A_841 : vector<16xf32> to vector<16xf32>
      %add3A_843 = arith.addf %get3A_839, %get3A_842 : vector<16xf32>
      %swap3A_844 = arith.constant 48 : index
      %swap3A_845 = tpu.vector_load %arg8[%swap3A_844] {strides = array<i32>} : memref<128xf32, #tpu.memory_space<vmem>>, vector<16xf32>,
      %swap3A_846 = vector.shape_cast %swap3A_845 : vector<16xf32> to vector<16xf32>
      %swap3A_847 = vector.shape_cast %add3A_843 : vector<16xf32> to vector<16xf32>
      tpu.vector_store %arg8[%swap3A_844], %swap3A_847 {strides = array<i32>} : memref<128xf32, #tpu.memory_space<vmem>>, vector<16xf32>,
      %get3A_848 = arith.constant 64 : index
      %get3A_849 = tpu.vector_load %arg8[%get3A_848] {strides = array<i32>} : memref<128xf32, #tpu.memory_space<vmem>>, vector<16xf32>,
      %get3A_850 = vector.shape_cast %get3A_849 : vector<16xf32> to vector<16xf32>
      %get3A_851 = arith.constant 64 : index
      %get3A_852 = tpu.vector_load %arg9[%get3A_851] {strides = array<i32>} : memref<128xf32, #tpu.memory_space<vmem>>, vector<16xf32>,
      %get3A_853 = vector.shape_cast %get3A_852 : vector<16xf32> to vector<16xf32>
      %add3A_854 = arith.addf %get3A_850, %get3A_853 : vector<16xf32>
      %swap3A_855 = arith.constant 64 : index
      %swap3A_856 = tpu.vector_load %arg8[%swap3A_855] {strides = array<i32>} : memref<128xf32, #tpu.memory_space<vmem>>, vector<16xf32>,
      %swap3A_857 = vector.shape_cast %swap3A_856 : vector<16xf32> to vector<16xf32>
      %swap3A_858 = vector.shape_cast %add3A_854 : vector<16xf32> to vector<16xf32>
      tpu.vector_store %arg8[%swap3A_855], %swap3A_858 {strides = array<i32>} : memref<128xf32, #tpu.memory_space<vmem>>, vector<16xf32>,
      %get3A_859 = arith.constant 80 : index
      %get3A_860 = tpu.vector_load %arg8[%get3A_859] {strides = array<i32>} : memref<128xf32, #tpu.memory_space<vmem>>, vector<16xf32>,
      %get3A_861 = vector.shape_cast %get3A_860 : vector<16xf32> to vector<16xf32>
      %get3A_862 = arith.constant 80 : index
      %get3A_863 = tpu.vector_load %arg9[%get3A_862] {strides = array<i32>} : memref<128xf32, #tpu.memory_space<vmem>>, vector<16xf32>,
      %get3A_864 = vector.shape_cast %get3A_863 : vector<16xf32> to vector<16xf32>
      %add3A_865 = arith.addf %get3A_861, %get3A_864 : vector<16xf32>
      %swap3A_866 = arith.constant 80 : index
      %swap3A_867 = tpu.vector_load %arg8[%swap3A_866] {strides = array<i32>} : memref<128xf32, #tpu.memory_space<vmem>>, vector<16xf32>,
      %swap3A_868 = vector.shape_cast %swap3A_867 : vector<16xf32> to vector<16xf32>
      %swap3A_869 = vector.shape_cast %add3A_865 : vector<16xf32> to vector<16xf32>
      tpu.vector_store %arg8[%swap3A_866], %swap3A_869 {strides = array<i32>} : memref<128xf32, #tpu.memory_space<vmem>>, vector<16xf32>,
      %get3A_870 = arith.constant 96 : index
      %get3A_871 = tpu.vector_load %arg8[%get3A_870] {strides = array<i32>} : memref<128xf32, #tpu.memory_space<vmem>>, vector<16xf32>,
      %get3A_872 = vector.shape_cast %get3A_871 : vector<16xf32> to vector<16xf32>
      %get3A_873 = arith.constant 96 : index
      %get3A_874 = tpu.vector_load %arg9[%get3A_873] {strides = array<i32>} : memref<128xf32, #tpu.memory_space<vmem>>, vector<16xf32>,
      %get3A_875 = vector.shape_cast %get3A_874 : vector<16xf32> to vector<16xf32>
      %add3A_876 = arith.addf %get3A_872, %get3A_875 : vector<16xf32>
      %swap3A_877 = arith.constant 96 : index
      %swap3A_878 = tpu.vector_load %arg8[%swap3A_877] {strides = array<i32>} : memref<128xf32, #tpu.memory_space<vmem>>, vector<16xf32>,
      %swap3A_879 = vector.shape_cast %swap3A_878 : vector<16xf32> to vector<16xf32>
      %swap3A_880 = vector.shape_cast %add3A_876 : vector<16xf32> to vector<16xf32>
      tpu.vector_store %arg8[%swap3A_877], %swap3A_880 {strides = array<i32>} : memref<128xf32, #tpu.memory_space<vmem>>, vector<16xf32>,
      %get3A_881 = arith.constant 112 : index
      %get3A_882 = tpu.vector_load %arg8[%get3A_881] {strides = array<i32>} : memref<128xf32, #tpu.memory_space<vmem>>, vector<16xf32>,
      %get3A_883 = vector.shape_cast %get3A_882 : vector<16xf32> to vector<16xf32>
      %get3A_884 = arith.constant 112 : index
      %get3A_885 = tpu.vector_load %arg9[%get3A_884] {strides = array<i32>} : memref<128xf32, #tpu.memory_space<vmem>>, vector<16xf32>,
      %get3A_886 = vector.shape_cast %get3A_885 : vector<16xf32> to vector<16xf32>
      %add3A_887 = arith.addf %get3A_883, %get3A_886 : vector<16xf32>
      %swap3A_888 = arith.constant 112 : index
      %swap3A_889 = tpu.vector_load %arg8[%swap3A_888] {strides = array<i32>} : memref<128xf32, #tpu.memory_space<vmem>>, vector<16xf32>,
      %swap3A_890 = vector.shape_cast %swap3A_889 : vector<16xf32> to vector<16xf32>
      %swap3A_891 = vector.shape_cast %add3A_887 : vector<16xf32> to vector<16xf32>
      tpu.vector_store %arg8[%swap3A_888], %swap3A_891 {strides = array<i32>} : memref<128xf32, #tpu.memory_space<vmem>>, vector<16xf32>,
      %run_scoped3A_892 = arith.constant 5 : i32
      "tpu.region"() ({
        %run_scoped3A_1426 = tpu.sem_alloc : memref<!tpu.dma_semaphore, #tpu.memory_space<semaphore_mem>>
        %dma_start3A = arith.constant 0 : i32
        %dma_start3A_1427 = tpu.memref_slice %arg10[%run_scoped3A_892, %dma_start3A] : memref<16x128xf32, #tpu.memory_space<vmem_shared>> -> memref<1x128xf32, #tpu.memory_space<vmem_shared>>
        %dma_start3A_1428 = tpu.memref_squeeze %dma_start3A_1427 : memref<1x128xf32, #tpu.memory_space<vmem_shared>> -> memref<128xf32, #tpu.memory_space<vmem_shared>>
        %dma_start3A_1429 = arith.constant 0 : i32
        %dma_start3A_1430 = tpu.memref_slice %arg10[%run_scoped3A_892, %dma_start3A_1429] : memref<16x128xf32, #tpu.memory_space<vmem_shared>> -> memref<1x128xf32, #tpu.memory_space<vmem_shared>>
        %dma_start3A_1431 = tpu.memref_squeeze %dma_start3A_1430 : memref<1x128xf32, #tpu.memory_space<vmem_shared>> -> memref<128xf32, #tpu.memory_space<vmem_shared>>
        tpu.enqueue_dma source(%dma_start3A_1431 : memref<128xf32, #tpu.memory_space<vmem_shared>>) target(%arg9 : memref<128xf32, #tpu.memory_space<vmem>>) target_semaphore(%run_scoped3A_1426 : memref<!tpu.dma_semaphore, #tpu.memory_space<semaphore_mem>>)
        %dma_wait3A = arith.constant 0 : i32
        %dma_wait3A_1432 = tpu.memref_slice %arg10[%run_scoped3A_892, %dma_wait3A] : memref<16x128xf32, #tpu.memory_space<vmem_shared>> -> memref<1x128xf32, #tpu.memory_space<vmem_shared>>
        %dma_wait3A_1433 = tpu.memref_squeeze %dma_wait3A_1432 : memref<1x128xf32, #tpu.memory_space<vmem_shared>> -> memref<128xf32, #tpu.memory_space<vmem_shared>>
        %dma_wait3A_1434 = arith.constant 0 : i32
        %dma_wait3A_1435 = tpu.memref_slice %arg10[%run_scoped3A_892, %dma_wait3A_1434] : memref<16x128xf32, #tpu.memory_space<vmem_shared>> -> memref<1x128xf32, #tpu.memory_space<vmem_shared>>
        %dma_wait3A_1436 = tpu.memref_squeeze %dma_wait3A_1435 : memref<1x128xf32, #tpu.memory_space<vmem_shared>> -> memref<128xf32, #tpu.memory_space<vmem_shared>>
        tpu.wait_dma2 semaphore(%run_scoped3A_1426 : memref<!tpu.dma_semaphore, #tpu.memory_space<semaphore_mem>>) src(%dma_wait3A_1436 : memref<128xf32, #tpu.memory_space<vmem_shared>>) dst(%arg9 : memref<128xf32, #tpu.memory_space<vmem>>)
        tpu.yield
      }) : () -> ()
      %get3A_893 = arith.constant 0 : index
      %get3A_894 = tpu.vector_load %arg8[%get3A_893] {strides = array<i32>} : memref<128xf32, #tpu.memory_space<vmem>>, vector<16xf32>,
      %get3A_895 = vector.shape_cast %get3A_894 : vector<16xf32> to vector<16xf32>
      %get3A_896 = arith.constant 0 : index
      %get3A_897 = tpu.vector_load %arg9[%get3A_896] {strides = array<i32>} : memref<128xf32, #tpu.memory_space<vmem>>, vector<16xf32>,
      %get3A_898 = vector.shape_cast %get3A_897 : vector<16xf32> to vector<16xf32>
      %add3A_899 = arith.addf %get3A_895, %get3A_898 : vector<16xf32>
      %swap3A_900 = arith.constant 0 : index
      %swap3A_901 = tpu.vector_load %arg8[%swap3A_900] {strides = array<i32>} : memref<128xf32, #tpu.memory_space<vmem>>, vector<16xf32>,
      %swap3A_902 = vector.shape_cast %swap3A_901 : vector<16xf32> to vector<16xf32>
      %swap3A_903 = vector.shape_cast %add3A_899 : vector<16xf32> to vector<16xf32>
      tpu.vector_store %arg8[%swap3A_900], %swap3A_903 {strides = array<i32>} : memref<128xf32, #tpu.memory_space<vmem>>, vector<16xf32>,
      %get3A_904 = arith.constant 16 : index
      %get3A_905 = tpu.vector_load %arg8[%get3A_904] {strides = array<i32>} : memref<128xf32, #tpu.memory_space<vmem>>, vector<16xf32>,
      %get3A_906 = vector.shape_cast %get3A_905 : vector<16xf32> to vector<16xf32>
      %get3A_907 = arith.constant 16 : index
      %get3A_908 = tpu.vector_load %arg9[%get3A_907] {strides = array<i32>} : memref<128xf32, #tpu.memory_space<vmem>>, vector<16xf32>,
      %get3A_909 = vector.shape_cast %get3A_908 : vector<16xf32> to vector<16xf32>
      %add3A_910 = arith.addf %get3A_906, %get3A_909 : vector<16xf32>
      %swap3A_911 = arith.constant 16 : index
      %swap3A_912 = tpu.vector_load %arg8[%swap3A_911] {strides = array<i32>} : memref<128xf32, #tpu.memory_space<vmem>>, vector<16xf32>,
      %swap3A_913 = vector.shape_cast %swap3A_912 : vector<16xf32> to vector<16xf32>
      %swap3A_914 = vector.shape_cast %add3A_910 : vector<16xf32> to vector<16xf32>
      tpu.vector_store %arg8[%swap3A_911], %swap3A_914 {strides = array<i32>} : memref<128xf32, #tpu.memory_space<vmem>>, vector<16xf32>,
      %get3A_915 = arith.constant 32 : index
      %get3A_916 = tpu.vector_load %arg8[%get3A_915] {strides = array<i32>} : memref<128xf32, #tpu.memory_space<vmem>>, vector<16xf32>,
      %get3A_917 = vector.shape_cast %get3A_916 : vector<16xf32> to vector<16xf32>
      %get3A_918 = arith.constant 32 : index
      %get3A_919 = tpu.vector_load %arg9[%get3A_918] {strides = array<i32>} : memref<128xf32, #tpu.memory_space<vmem>>, vector<16xf32>,
      %get3A_920 = vector.shape_cast %get3A_919 : vector<16xf32> to vector<16xf32>
      %add3A_921 = arith.addf %get3A_917, %get3A_920 : vector<16xf32>
      %swap3A_922 = arith.constant 32 : index
      %swap3A_923 = tpu.vector_load %arg8[%swap3A_922] {strides = array<i32>} : memref<128xf32, #tpu.memory_space<vmem>>, vector<16xf32>,
      %swap3A_924 = vector.shape_cast %swap3A_923 : vector<16xf32> to vector<16xf32>
      %swap3A_925 = vector.shape_cast %add3A_921 : vector<16xf32> to vector<16xf32>
      tpu.vector_store %arg8[%swap3A_922], %swap3A_925 {strides = array<i32>} : memref<128xf32, #tpu.memory_space<vmem>>, vector<16xf32>,
      %get3A_926 = arith.constant 48 : index
      %get3A_927 = tpu.vector_load %arg8[%get3A_926] {strides = array<i32>} : memref<128xf32, #tpu.memory_space<vmem>>, vector<16xf32>,
      %get3A_928 = vector.shape_cast %get3A_927 : vector<16xf32> to vector<16xf32>
      %get3A_929 = arith.constant 48 : index
      %get3A_930 = tpu.vector_load %arg9[%get3A_929] {strides = array<i32>} : memref<128xf32, #tpu.memory_space<vmem>>, vector<16xf32>,
      %get3A_931 = vector.shape_cast %get3A_930 : vector<16xf32> to vector<16xf32>
      %add3A_932 = arith.addf %get3A_928, %get3A_931 : vector<16xf32>
      %swap3A_933 = arith.constant 48 : index
      %swap3A_934 = tpu.vector_load %arg8[%swap3A_933] {strides = array<i32>} : memref<128xf32, #tpu.memory_space<vmem>>, vector<16xf32>,
      %swap3A_935 = vector.shape_cast %swap3A_934 : vector<16xf32> to vector<16xf32>
      %swap3A_936 = vector.shape_cast %add3A_932 : vector<16xf32> to vector<16xf32>
      tpu.vector_store %arg8[%swap3A_933], %swap3A_936 {strides = array<i32>} : memref<128xf32, #tpu.memory_space<vmem>>, vector<16xf32>,
      %get3A_937 = arith.constant 64 : index
      %get3A_938 = tpu.vector_load %arg8[%get3A_937] {strides = array<i32>} : memref<128xf32, #tpu.memory_space<vmem>>, vector<16xf32>,
      %get3A_939 = vector.shape_cast %get3A_938 : vector<16xf32> to vector<16xf32>
      %get3A_940 = arith.constant 64 : index
      %get3A_941 = tpu.vector_load %arg9[%get3A_940] {strides = array<i32>} : memref<128xf32, #tpu.memory_space<vmem>>, vector<16xf32>,
      %get3A_942 = vector.shape_cast %get3A_941 : vector<16xf32> to vector<16xf32>
      %add3A_943 = arith.addf %get3A_939, %get3A_942 : vector<16xf32>
      %swap3A_944 = arith.constant 64 : index
      %swap3A_945 = tpu.vector_load %arg8[%swap3A_944] {strides = array<i32>} : memref<128xf32, #tpu.memory_space<vmem>>, vector<16xf32>,
      %swap3A_946 = vector.shape_cast %swap3A_945 : vector<16xf32> to vector<16xf32>
      %swap3A_947 = vector.shape_cast %add3A_943 : vector<16xf32> to vector<16xf32>
      tpu.vector_store %arg8[%swap3A_944], %swap3A_947 {strides = array<i32>} : memref<128xf32, #tpu.memory_space<vmem>>, vector<16xf32>,
      %get3A_948 = arith.constant 80 : index
      %get3A_949 = tpu.vector_load %arg8[%get3A_948] {strides = array<i32>} : memref<128xf32, #tpu.memory_space<vmem>>, vector<16xf32>,
      %get3A_950 = vector.shape_cast %get3A_949 : vector<16xf32> to vector<16xf32>
      %get3A_951 = arith.constant 80 : index
      %get3A_952 = tpu.vector_load %arg9[%get3A_951] {strides = array<i32>} : memref<128xf32, #tpu.memory_space<vmem>>, vector<16xf32>,
      %get3A_953 = vector.shape_cast %get3A_952 : vector<16xf32> to vector<16xf32>
      %add3A_954 = arith.addf %get3A_950, %get3A_953 : vector<16xf32>
      %swap3A_955 = arith.constant 80 : index
      %swap3A_956 = tpu.vector_load %arg8[%swap3A_955] {strides = array<i32>} : memref<128xf32, #tpu.memory_space<vmem>>, vector<16xf32>,
      %swap3A_957 = vector.shape_cast %swap3A_956 : vector<16xf32> to vector<16xf32>
      %swap3A_958 = vector.shape_cast %add3A_954 : vector<16xf32> to vector<16xf32>
      tpu.vector_store %arg8[%swap3A_955], %swap3A_958 {strides = array<i32>} : memref<128xf32, #tpu.memory_space<vmem>>, vector<16xf32>,
      %get3A_959 = arith.constant 96 : index
      %get3A_960 = tpu.vector_load %arg8[%get3A_959] {strides = array<i32>} : memref<128xf32, #tpu.memory_space<vmem>>, vector<16xf32>,
      %get3A_961 = vector.shape_cast %get3A_960 : vector<16xf32> to vector<16xf32>
      %get3A_962 = arith.constant 96 : index
      %get3A_963 = tpu.vector_load %arg9[%get3A_962] {strides = array<i32>} : memref<128xf32, #tpu.memory_space<vmem>>, vector<16xf32>,
      %get3A_964 = vector.shape_cast %get3A_963 : vector<16xf32> to vector<16xf32>
      %add3A_965 = arith.addf %get3A_961, %get3A_964 : vector<16xf32>
      %swap3A_966 = arith.constant 96 : index
      %swap3A_967 = tpu.vector_load %arg8[%swap3A_966] {strides = array<i32>} : memref<128xf32, #tpu.memory_space<vmem>>, vector<16xf32>,
      %swap3A_968 = vector.shape_cast %swap3A_967 : vector<16xf32> to vector<16xf32>
      %swap3A_969 = vector.shape_cast %add3A_965 : vector<16xf32> to vector<16xf32>
      tpu.vector_store %arg8[%swap3A_966], %swap3A_969 {strides = array<i32>} : memref<128xf32, #tpu.memory_space<vmem>>, vector<16xf32>,
      %get3A_970 = arith.constant 112 : index
      %get3A_971 = tpu.vector_load %arg8[%get3A_970] {strides = array<i32>} : memref<128xf32, #tpu.memory_space<vmem>>, vector<16xf32>,
      %get3A_972 = vector.shape_cast %get3A_971 : vector<16xf32> to vector<16xf32>
      %get3A_973 = arith.constant 112 : index
      %get3A_974 = tpu.vector_load %arg9[%get3A_973] {strides = array<i32>} : memref<128xf32, #tpu.memory_space<vmem>>, vector<16xf32>,
      %get3A_975 = vector.shape_cast %get3A_974 : vector<16xf32> to vector<16xf32>
      %add3A_976 = arith.addf %get3A_972, %get3A_975 : vector<16xf32>
      %swap3A_977 = arith.constant 112 : index
      %swap3A_978 = tpu.vector_load %arg8[%swap3A_977] {strides = array<i32>} : memref<128xf32, #tpu.memory_space<vmem>>, vector<16xf32>,
      %swap3A_979 = vector.shape_cast %swap3A_978 : vector<16xf32> to vector<16xf32>
      %swap3A_980 = vector.shape_cast %add3A_976 : vector<16xf32> to vector<16xf32>
      tpu.vector_store %arg8[%swap3A_977], %swap3A_980 {strides = array<i32>} : memref<128xf32, #tpu.memory_space<vmem>>, vector<16xf32>,
      %run_scoped3A_981 = arith.constant 4 : i32
      "tpu.region"() ({
        %run_scoped3A_1426 = tpu.sem_alloc : memref<!tpu.dma_semaphore, #tpu.memory_space<semaphore_mem>>
        %dma_start3A = arith.constant 0 : i32
        %dma_start3A_1427 = tpu.memref_slice %arg10[%run_scoped3A_981, %dma_start3A] : memref<16x128xf32, #tpu.memory_space<vmem_shared>> -> memref<1x128xf32, #tpu.memory_space<vmem_shared>>
        %dma_start3A_1428 = tpu.memref_squeeze %dma_start3A_1427 : memref<1x128xf32, #tpu.memory_space<vmem_shared>> -> memref<128xf32, #tpu.memory_space<vmem_shared>>
        %dma_start3A_1429 = arith.constant 0 : i32
        %dma_start3A_1430 = tpu.memref_slice %arg10[%run_scoped3A_981, %dma_start3A_1429] : memref<16x128xf32, #tpu.memory_space<vmem_shared>> -> memref<1x128xf32, #tpu.memory_space<vmem_shared>>
        %dma_start3A_1431 = tpu.memref_squeeze %dma_start3A_1430 : memref<1x128xf32, #tpu.memory_space<vmem_shared>> -> memref<128xf32, #tpu.memory_space<vmem_shared>>
        tpu.enqueue_dma source(%dma_start3A_1431 : memref<128xf32, #tpu.memory_space<vmem_shared>>) target(%arg9 : memref<128xf32, #tpu.memory_space<vmem>>) target_semaphore(%run_scoped3A_1426 : memref<!tpu.dma_semaphore, #tpu.memory_space<semaphore_mem>>)
        %dma_wait3A = arith.constant 0 : i32
        %dma_wait3A_1432 = tpu.memref_slice %arg10[%run_scoped3A_981, %dma_wait3A] : memref<16x128xf32, #tpu.memory_space<vmem_shared>> -> memref<1x128xf32, #tpu.memory_space<vmem_shared>>
        %dma_wait3A_1433 = tpu.memref_squeeze %dma_wait3A_1432 : memref<1x128xf32, #tpu.memory_space<vmem_shared>> -> memref<128xf32, #tpu.memory_space<vmem_shared>>
        %dma_wait3A_1434 = arith.constant 0 : i32
        %dma_wait3A_1435 = tpu.memref_slice %arg10[%run_scoped3A_981, %dma_wait3A_1434] : memref<16x128xf32, #tpu.memory_space<vmem_shared>> -> memref<1x128xf32, #tpu.memory_space<vmem_shared>>
        %dma_wait3A_1436 = tpu.memref_squeeze %dma_wait3A_1435 : memref<1x128xf32, #tpu.memory_space<vmem_shared>> -> memref<128xf32, #tpu.memory_space<vmem_shared>>
        tpu.wait_dma2 semaphore(%run_scoped3A_1426 : memref<!tpu.dma_semaphore, #tpu.memory_space<semaphore_mem>>) src(%dma_wait3A_1436 : memref<128xf32, #tpu.memory_space<vmem_shared>>) dst(%arg9 : memref<128xf32, #tpu.memory_space<vmem>>)
        tpu.yield
      }) : () -> ()
      %get3A_982 = arith.constant 0 : index
      %get3A_983 = tpu.vector_load %arg8[%get3A_982] {strides = array<i32>} : memref<128xf32, #tpu.memory_space<vmem>>, vector<16xf32>,
      %get3A_984 = vector.shape_cast %get3A_983 : vector<16xf32> to vector<16xf32>
      %get3A_985 = arith.constant 0 : index
      %get3A_986 = tpu.vector_load %arg9[%get3A_985] {strides = array<i32>} : memref<128xf32, #tpu.memory_space<vmem>>, vector<16xf32>,
      %get3A_987 = vector.shape_cast %get3A_986 : vector<16xf32> to vector<16xf32>
      %add3A_988 = arith.addf %get3A_984, %get3A_987 : vector<16xf32>
      %swap3A_989 = arith.constant 0 : index
      %swap3A_990 = tpu.vector_load %arg8[%swap3A_989] {strides = array<i32>} : memref<128xf32, #tpu.memory_space<vmem>>, vector<16xf32>,
      %swap3A_991 = vector.shape_cast %swap3A_990 : vector<16xf32> to vector<16xf32>
      %swap3A_992 = vector.shape_cast %add3A_988 : vector<16xf32> to vector<16xf32>
      tpu.vector_store %arg8[%swap3A_989], %swap3A_992 {strides = array<i32>} : memref<128xf32, #tpu.memory_space<vmem>>, vector<16xf32>,
      %get3A_993 = arith.constant 16 : index
      %get3A_994 = tpu.vector_load %arg8[%get3A_993] {strides = array<i32>} : memref<128xf32, #tpu.memory_space<vmem>>, vector<16xf32>,
      %get3A_995 = vector.shape_cast %get3A_994 : vector<16xf32> to vector<16xf32>
      %get3A_996 = arith.constant 16 : index
      %get3A_997 = tpu.vector_load %arg9[%get3A_996] {strides = array<i32>} : memref<128xf32, #tpu.memory_space<vmem>>, vector<16xf32>,
      %get3A_998 = vector.shape_cast %get3A_997 : vector<16xf32> to vector<16xf32>
      %add3A_999 = arith.addf %get3A_995, %get3A_998 : vector<16xf32>
      %swap3A_1000 = arith.constant 16 : index
      %swap3A_1001 = tpu.vector_load %arg8[%swap3A_1000] {strides = array<i32>} : memref<128xf32, #tpu.memory_space<vmem>>, vector<16xf32>,
      %swap3A_1002 = vector.shape_cast %swap3A_1001 : vector<16xf32> to vector<16xf32>
      %swap3A_1003 = vector.shape_cast %add3A_999 : vector<16xf32> to vector<16xf32>
      tpu.vector_store %arg8[%swap3A_1000], %swap3A_1003 {strides = array<i32>} : memref<128xf32, #tpu.memory_space<vmem>>, vector<16xf32>,
      %get3A_1004 = arith.constant 32 : index
      %get3A_1005 = tpu.vector_load %arg8[%get3A_1004] {strides = array<i32>} : memref<128xf32, #tpu.memory_space<vmem>>, vector<16xf32>,
      %get3A_1006 = vector.shape_cast %get3A_1005 : vector<16xf32> to vector<16xf32>
      %get3A_1007 = arith.constant 32 : index
      %get3A_1008 = tpu.vector_load %arg9[%get3A_1007] {strides = array<i32>} : memref<128xf32, #tpu.memory_space<vmem>>, vector<16xf32>,
      %get3A_1009 = vector.shape_cast %get3A_1008 : vector<16xf32> to vector<16xf32>
      %add3A_1010 = arith.addf %get3A_1006, %get3A_1009 : vector<16xf32>
      %swap3A_1011 = arith.constant 32 : index
      %swap3A_1012 = tpu.vector_load %arg8[%swap3A_1011] {strides = array<i32>} : memref<128xf32, #tpu.memory_space<vmem>>, vector<16xf32>,
      %swap3A_1013 = vector.shape_cast %swap3A_1012 : vector<16xf32> to vector<16xf32>
      %swap3A_1014 = vector.shape_cast %add3A_1010 : vector<16xf32> to vector<16xf32>
      tpu.vector_store %arg8[%swap3A_1011], %swap3A_1014 {strides = array<i32>} : memref<128xf32, #tpu.memory_space<vmem>>, vector<16xf32>,
      %get3A_1015 = arith.constant 48 : index
      %get3A_1016 = tpu.vector_load %arg8[%get3A_1015] {strides = array<i32>} : memref<128xf32, #tpu.memory_space<vmem>>, vector<16xf32>,
      %get3A_1017 = vector.shape_cast %get3A_1016 : vector<16xf32> to vector<16xf32>
      %get3A_1018 = arith.constant 48 : index
      %get3A_1019 = tpu.vector_load %arg9[%get3A_1018] {strides = array<i32>} : memref<128xf32, #tpu.memory_space<vmem>>, vector<16xf32>,
      %get3A_1020 = vector.shape_cast %get3A_1019 : vector<16xf32> to vector<16xf32>
      %add3A_1021 = arith.addf %get3A_1017, %get3A_1020 : vector<16xf32>
      %swap3A_1022 = arith.constant 48 : index
      %swap3A_1023 = tpu.vector_load %arg8[%swap3A_1022] {strides = array<i32>} : memref<128xf32, #tpu.memory_space<vmem>>, vector<16xf32>,
      %swap3A_1024 = vector.shape_cast %swap3A_1023 : vector<16xf32> to vector<16xf32>
      %swap3A_1025 = vector.shape_cast %add3A_1021 : vector<16xf32> to vector<16xf32>
      tpu.vector_store %arg8[%swap3A_1022], %swap3A_1025 {strides = array<i32>} : memref<128xf32, #tpu.memory_space<vmem>>, vector<16xf32>,
      %get3A_1026 = arith.constant 64 : index
      %get3A_1027 = tpu.vector_load %arg8[%get3A_1026] {strides = array<i32>} : memref<128xf32, #tpu.memory_space<vmem>>, vector<16xf32>,
      %get3A_1028 = vector.shape_cast %get3A_1027 : vector<16xf32> to vector<16xf32>
      %get3A_1029 = arith.constant 64 : index
      %get3A_1030 = tpu.vector_load %arg9[%get3A_1029] {strides = array<i32>} : memref<128xf32, #tpu.memory_space<vmem>>, vector<16xf32>,
      %get3A_1031 = vector.shape_cast %get3A_1030 : vector<16xf32> to vector<16xf32>
      %add3A_1032 = arith.addf %get3A_1028, %get3A_1031 : vector<16xf32>
      %swap3A_1033 = arith.constant 64 : index
      %swap3A_1034 = tpu.vector_load %arg8[%swap3A_1033] {strides = array<i32>} : memref<128xf32, #tpu.memory_space<vmem>>, vector<16xf32>,
      %swap3A_1035 = vector.shape_cast %swap3A_1034 : vector<16xf32> to vector<16xf32>
      %swap3A_1036 = vector.shape_cast %add3A_1032 : vector<16xf32> to vector<16xf32>
      tpu.vector_store %arg8[%swap3A_1033], %swap3A_1036 {strides = array<i32>} : memref<128xf32, #tpu.memory_space<vmem>>, vector<16xf32>,
      %get3A_1037 = arith.constant 80 : index
      %get3A_1038 = tpu.vector_load %arg8[%get3A_1037] {strides = array<i32>} : memref<128xf32, #tpu.memory_space<vmem>>, vector<16xf32>,
      %get3A_1039 = vector.shape_cast %get3A_1038 : vector<16xf32> to vector<16xf32>
      %get3A_1040 = arith.constant 80 : index
      %get3A_1041 = tpu.vector_load %arg9[%get3A_1040] {strides = array<i32>} : memref<128xf32, #tpu.memory_space<vmem>>, vector<16xf32>,
      %get3A_1042 = vector.shape_cast %get3A_1041 : vector<16xf32> to vector<16xf32>
      %add3A_1043 = arith.addf %get3A_1039, %get3A_1042 : vector<16xf32>
      %swap3A_1044 = arith.constant 80 : index
      %swap3A_1045 = tpu.vector_load %arg8[%swap3A_1044] {strides = array<i32>} : memref<128xf32, #tpu.memory_space<vmem>>, vector<16xf32>,
      %swap3A_1046 = vector.shape_cast %swap3A_1045 : vector<16xf32> to vector<16xf32>
      %swap3A_1047 = vector.shape_cast %add3A_1043 : vector<16xf32> to vector<16xf32>
      tpu.vector_store %arg8[%swap3A_1044], %swap3A_1047 {strides = array<i32>} : memref<128xf32, #tpu.memory_space<vmem>>, vector<16xf32>,
      %get3A_1048 = arith.constant 96 : index
      %get3A_1049 = tpu.vector_load %arg8[%get3A_1048] {strides = array<i32>} : memref<128xf32, #tpu.memory_space<vmem>>, vector<16xf32>,
      %get3A_1050 = vector.shape_cast %get3A_1049 : vector<16xf32> to vector<16xf32>
      %get3A_1051 = arith.constant 96 : index
      %get3A_1052 = tpu.vector_load %arg9[%get3A_1051] {strides = array<i32>} : memref<128xf32, #tpu.memory_space<vmem>>, vector<16xf32>,
      %get3A_1053 = vector.shape_cast %get3A_1052 : vector<16xf32> to vector<16xf32>
      %add3A_1054 = arith.addf %get3A_1050, %get3A_1053 : vector<16xf32>
      %swap3A_1055 = arith.constant 96 : index
      %swap3A_1056 = tpu.vector_load %arg8[%swap3A_1055] {strides = array<i32>} : memref<128xf32, #tpu.memory_space<vmem>>, vector<16xf32>,
      %swap3A_1057 = vector.shape_cast %swap3A_1056 : vector<16xf32> to vector<16xf32>
      %swap3A_1058 = vector.shape_cast %add3A_1054 : vector<16xf32> to vector<16xf32>
      tpu.vector_store %arg8[%swap3A_1055], %swap3A_1058 {strides = array<i32>} : memref<128xf32, #tpu.memory_space<vmem>>, vector<16xf32>,
      %get3A_1059 = arith.constant 112 : index
      %get3A_1060 = tpu.vector_load %arg8[%get3A_1059] {strides = array<i32>} : memref<128xf32, #tpu.memory_space<vmem>>, vector<16xf32>,
      %get3A_1061 = vector.shape_cast %get3A_1060 : vector<16xf32> to vector<16xf32>
      %get3A_1062 = arith.constant 112 : index
      %get3A_1063 = tpu.vector_load %arg9[%get3A_1062] {strides = array<i32>} : memref<128xf32, #tpu.memory_space<vmem>>, vector<16xf32>,
      %get3A_1064 = vector.shape_cast %get3A_1063 : vector<16xf32> to vector<16xf32>
      %add3A_1065 = arith.addf %get3A_1061, %get3A_1064 : vector<16xf32>
      %swap3A_1066 = arith.constant 112 : index
      %swap3A_1067 = tpu.vector_load %arg8[%swap3A_1066] {strides = array<i32>} : memref<128xf32, #tpu.memory_space<vmem>>, vector<16xf32>,
      %swap3A_1068 = vector.shape_cast %swap3A_1067 : vector<16xf32> to vector<16xf32>
      %swap3A_1069 = vector.shape_cast %add3A_1065 : vector<16xf32> to vector<16xf32>
      tpu.vector_store %arg8[%swap3A_1066], %swap3A_1069 {strides = array<i32>} : memref<128xf32, #tpu.memory_space<vmem>>, vector<16xf32>,
      %run_scoped3A_1070 = arith.constant 3 : i32
      "tpu.region"() ({
        %run_scoped3A_1426 = tpu.sem_alloc : memref<!tpu.dma_semaphore, #tpu.memory_space<semaphore_mem>>
        %dma_start3A = arith.constant 0 : i32
        %dma_start3A_1427 = tpu.memref_slice %arg10[%run_scoped3A_1070, %dma_start3A] : memref<16x128xf32, #tpu.memory_space<vmem_shared>> -> memref<1x128xf32, #tpu.memory_space<vmem_shared>>
        %dma_start3A_1428 = tpu.memref_squeeze %dma_start3A_1427 : memref<1x128xf32, #tpu.memory_space<vmem_shared>> -> memref<128xf32, #tpu.memory_space<vmem_shared>>
        %dma_start3A_1429 = arith.constant 0 : i32
        %dma_start3A_1430 = tpu.memref_slice %arg10[%run_scoped3A_1070, %dma_start3A_1429] : memref<16x128xf32, #tpu.memory_space<vmem_shared>> -> memref<1x128xf32, #tpu.memory_space<vmem_shared>>
        %dma_start3A_1431 = tpu.memref_squeeze %dma_start3A_1430 : memref<1x128xf32, #tpu.memory_space<vmem_shared>> -> memref<128xf32, #tpu.memory_space<vmem_shared>>
        tpu.enqueue_dma source(%dma_start3A_1431 : memref<128xf32, #tpu.memory_space<vmem_shared>>) target(%arg9 : memref<128xf32, #tpu.memory_space<vmem>>) target_semaphore(%run_scoped3A_1426 : memref<!tpu.dma_semaphore, #tpu.memory_space<semaphore_mem>>)
        %dma_wait3A = arith.constant 0 : i32
        %dma_wait3A_1432 = tpu.memref_slice %arg10[%run_scoped3A_1070, %dma_wait3A] : memref<16x128xf32, #tpu.memory_space<vmem_shared>> -> memref<1x128xf32, #tpu.memory_space<vmem_shared>>
        %dma_wait3A_1433 = tpu.memref_squeeze %dma_wait3A_1432 : memref<1x128xf32, #tpu.memory_space<vmem_shared>> -> memref<128xf32, #tpu.memory_space<vmem_shared>>
        %dma_wait3A_1434 = arith.constant 0 : i32
        %dma_wait3A_1435 = tpu.memref_slice %arg10[%run_scoped3A_1070, %dma_wait3A_1434] : memref<16x128xf32, #tpu.memory_space<vmem_shared>> -> memref<1x128xf32, #tpu.memory_space<vmem_shared>>
        %dma_wait3A_1436 = tpu.memref_squeeze %dma_wait3A_1435 : memref<1x128xf32, #tpu.memory_space<vmem_shared>> -> memref<128xf32, #tpu.memory_space<vmem_shared>>
        tpu.wait_dma2 semaphore(%run_scoped3A_1426 : memref<!tpu.dma_semaphore, #tpu.memory_space<semaphore_mem>>) src(%dma_wait3A_1436 : memref<128xf32, #tpu.memory_space<vmem_shared>>) dst(%arg9 : memref<128xf32, #tpu.memory_space<vmem>>)
        tpu.yield
      }) : () -> ()
      %get3A_1071 = arith.constant 0 : index
      %get3A_1072 = tpu.vector_load %arg8[%get3A_1071] {strides = array<i32>} : memref<128xf32, #tpu.memory_space<vmem>>, vector<16xf32>,
      %get3A_1073 = vector.shape_cast %get3A_1072 : vector<16xf32> to vector<16xf32>
      %get3A_1074 = arith.constant 0 : index
      %get3A_1075 = tpu.vector_load %arg9[%get3A_1074] {strides = array<i32>} : memref<128xf32, #tpu.memory_space<vmem>>, vector<16xf32>,
      %get3A_1076 = vector.shape_cast %get3A_1075 : vector<16xf32> to vector<16xf32>
      %add3A_1077 = arith.addf %get3A_1073, %get3A_1076 : vector<16xf32>
      %swap3A_1078 = arith.constant 0 : index
      %swap3A_1079 = tpu.vector_load %arg8[%swap3A_1078] {strides = array<i32>} : memref<128xf32, #tpu.memory_space<vmem>>, vector<16xf32>,
      %swap3A_1080 = vector.shape_cast %swap3A_1079 : vector<16xf32> to vector<16xf32>
      %swap3A_1081 = vector.shape_cast %add3A_1077 : vector<16xf32> to vector<16xf32>
      tpu.vector_store %arg8[%swap3A_1078], %swap3A_1081 {strides = array<i32>} : memref<128xf32, #tpu.memory_space<vmem>>, vector<16xf32>,
      %get3A_1082 = arith.constant 16 : index
      %get3A_1083 = tpu.vector_load %arg8[%get3A_1082] {strides = array<i32>} : memref<128xf32, #tpu.memory_space<vmem>>, vector<16xf32>,
      %get3A_1084 = vector.shape_cast %get3A_1083 : vector<16xf32> to vector<16xf32>
      %get3A_1085 = arith.constant 16 : index
      %get3A_1086 = tpu.vector_load %arg9[%get3A_1085] {strides = array<i32>} : memref<128xf32, #tpu.memory_space<vmem>>, vector<16xf32>,
      %get3A_1087 = vector.shape_cast %get3A_1086 : vector<16xf32> to vector<16xf32>
      %add3A_1088 = arith.addf %get3A_1084, %get3A_1087 : vector<16xf32>
      %swap3A_1089 = arith.constant 16 : index
      %swap3A_1090 = tpu.vector_load %arg8[%swap3A_1089] {strides = array<i32>} : memref<128xf32, #tpu.memory_space<vmem>>, vector<16xf32>,
      %swap3A_1091 = vector.shape_cast %swap3A_1090 : vector<16xf32> to vector<16xf32>
      %swap3A_1092 = vector.shape_cast %add3A_1088 : vector<16xf32> to vector<16xf32>
      tpu.vector_store %arg8[%swap3A_1089], %swap3A_1092 {strides = array<i32>} : memref<128xf32, #tpu.memory_space<vmem>>, vector<16xf32>,
      %get3A_1093 = arith.constant 32 : index
      %get3A_1094 = tpu.vector_load %arg8[%get3A_1093] {strides = array<i32>} : memref<128xf32, #tpu.memory_space<vmem>>, vector<16xf32>,
      %get3A_1095 = vector.shape_cast %get3A_1094 : vector<16xf32> to vector<16xf32>
      %get3A_1096 = arith.constant 32 : index
      %get3A_1097 = tpu.vector_load %arg9[%get3A_1096] {strides = array<i32>} : memref<128xf32, #tpu.memory_space<vmem>>, vector<16xf32>,
      %get3A_1098 = vector.shape_cast %get3A_1097 : vector<16xf32> to vector<16xf32>
      %add3A_1099 = arith.addf %get3A_1095, %get3A_1098 : vector<16xf32>
      %swap3A_1100 = arith.constant 32 : index
      %swap3A_1101 = tpu.vector_load %arg8[%swap3A_1100] {strides = array<i32>} : memref<128xf32, #tpu.memory_space<vmem>>, vector<16xf32>,
      %swap3A_1102 = vector.shape_cast %swap3A_1101 : vector<16xf32> to vector<16xf32>
      %swap3A_1103 = vector.shape_cast %add3A_1099 : vector<16xf32> to vector<16xf32>
      tpu.vector_store %arg8[%swap3A_1100], %swap3A_1103 {strides = array<i32>} : memref<128xf32, #tpu.memory_space<vmem>>, vector<16xf32>,
      %get3A_1104 = arith.constant 48 : index
      %get3A_1105 = tpu.vector_load %arg8[%get3A_1104] {strides = array<i32>} : memref<128xf32, #tpu.memory_space<vmem>>, vector<16xf32>,
      %get3A_1106 = vector.shape_cast %get3A_1105 : vector<16xf32> to vector<16xf32>
      %get3A_1107 = arith.constant 48 : index
      %get3A_1108 = tpu.vector_load %arg9[%get3A_1107] {strides = array<i32>} : memref<128xf32, #tpu.memory_space<vmem>>, vector<16xf32>,
      %get3A_1109 = vector.shape_cast %get3A_1108 : vector<16xf32> to vector<16xf32>
      %add3A_1110 = arith.addf %get3A_1106, %get3A_1109 : vector<16xf32>
      %swap3A_1111 = arith.constant 48 : index
      %swap3A_1112 = tpu.vector_load %arg8[%swap3A_1111] {strides = array<i32>} : memref<128xf32, #tpu.memory_space<vmem>>, vector<16xf32>,
      %swap3A_1113 = vector.shape_cast %swap3A_1112 : vector<16xf32> to vector<16xf32>
      %swap3A_1114 = vector.shape_cast %add3A_1110 : vector<16xf32> to vector<16xf32>
      tpu.vector_store %arg8[%swap3A_1111], %swap3A_1114 {strides = array<i32>} : memref<128xf32, #tpu.memory_space<vmem>>, vector<16xf32>,
      %get3A_1115 = arith.constant 64 : index
      %get3A_1116 = tpu.vector_load %arg8[%get3A_1115] {strides = array<i32>} : memref<128xf32, #tpu.memory_space<vmem>>, vector<16xf32>,
      %get3A_1117 = vector.shape_cast %get3A_1116 : vector<16xf32> to vector<16xf32>
      %get3A_1118 = arith.constant 64 : index
      %get3A_1119 = tpu.vector_load %arg9[%get3A_1118] {strides = array<i32>} : memref<128xf32, #tpu.memory_space<vmem>>, vector<16xf32>,
      %get3A_1120 = vector.shape_cast %get3A_1119 : vector<16xf32> to vector<16xf32>
      %add3A_1121 = arith.addf %get3A_1117, %get3A_1120 : vector<16xf32>
      %swap3A_1122 = arith.constant 64 : index
      %swap3A_1123 = tpu.vector_load %arg8[%swap3A_1122] {strides = array<i32>} : memref<128xf32, #tpu.memory_space<vmem>>, vector<16xf32>,
      %swap3A_1124 = vector.shape_cast %swap3A_1123 : vector<16xf32> to vector<16xf32>
      %swap3A_1125 = vector.shape_cast %add3A_1121 : vector<16xf32> to vector<16xf32>
      tpu.vector_store %arg8[%swap3A_1122], %swap3A_1125 {strides = array<i32>} : memref<128xf32, #tpu.memory_space<vmem>>, vector<16xf32>,
      %get3A_1126 = arith.constant 80 : index
      %get3A_1127 = tpu.vector_load %arg8[%get3A_1126] {strides = array<i32>} : memref<128xf32, #tpu.memory_space<vmem>>, vector<16xf32>,
      %get3A_1128 = vector.shape_cast %get3A_1127 : vector<16xf32> to vector<16xf32>
      %get3A_1129 = arith.constant 80 : index
      %get3A_1130 = tpu.vector_load %arg9[%get3A_1129] {strides = array<i32>} : memref<128xf32, #tpu.memory_space<vmem>>, vector<16xf32>,
      %get3A_1131 = vector.shape_cast %get3A_1130 : vector<16xf32> to vector<16xf32>
      %add3A_1132 = arith.addf %get3A_1128, %get3A_1131 : vector<16xf32>
      %swap3A_1133 = arith.constant 80 : index
      %swap3A_1134 = tpu.vector_load %arg8[%swap3A_1133] {strides = array<i32>} : memref<128xf32, #tpu.memory_space<vmem>>, vector<16xf32>,
      %swap3A_1135 = vector.shape_cast %swap3A_1134 : vector<16xf32> to vector<16xf32>
      %swap3A_1136 = vector.shape_cast %add3A_1132 : vector<16xf32> to vector<16xf32>
      tpu.vector_store %arg8[%swap3A_1133], %swap3A_1136 {strides = array<i32>} : memref<128xf32, #tpu.memory_space<vmem>>, vector<16xf32>,
      %get3A_1137 = arith.constant 96 : index
      %get3A_1138 = tpu.vector_load %arg8[%get3A_1137] {strides = array<i32>} : memref<128xf32, #tpu.memory_space<vmem>>, vector<16xf32>,
      %get3A_1139 = vector.shape_cast %get3A_1138 : vector<16xf32> to vector<16xf32>
      %get3A_1140 = arith.constant 96 : index
      %get3A_1141 = tpu.vector_load %arg9[%get3A_1140] {strides = array<i32>} : memref<128xf32, #tpu.memory_space<vmem>>, vector<16xf32>,
      %get3A_1142 = vector.shape_cast %get3A_1141 : vector<16xf32> to vector<16xf32>
      %add3A_1143 = arith.addf %get3A_1139, %get3A_1142 : vector<16xf32>
      %swap3A_1144 = arith.constant 96 : index
      %swap3A_1145 = tpu.vector_load %arg8[%swap3A_1144] {strides = array<i32>} : memref<128xf32, #tpu.memory_space<vmem>>, vector<16xf32>,
      %swap3A_1146 = vector.shape_cast %swap3A_1145 : vector<16xf32> to vector<16xf32>
      %swap3A_1147 = vector.shape_cast %add3A_1143 : vector<16xf32> to vector<16xf32>
      tpu.vector_store %arg8[%swap3A_1144], %swap3A_1147 {strides = array<i32>} : memref<128xf32, #tpu.memory_space<vmem>>, vector<16xf32>,
      %get3A_1148 = arith.constant 112 : index
      %get3A_1149 = tpu.vector_load %arg8[%get3A_1148] {strides = array<i32>} : memref<128xf32, #tpu.memory_space<vmem>>, vector<16xf32>,
      %get3A_1150 = vector.shape_cast %get3A_1149 : vector<16xf32> to vector<16xf32>
      %get3A_1151 = arith.constant 112 : index
      %get3A_1152 = tpu.vector_load %arg9[%get3A_1151] {strides = array<i32>} : memref<128xf32, #tpu.memory_space<vmem>>, vector<16xf32>,
      %get3A_1153 = vector.shape_cast %get3A_1152 : vector<16xf32> to vector<16xf32>
      %add3A_1154 = arith.addf %get3A_1150, %get3A_1153 : vector<16xf32>
      %swap3A_1155 = arith.constant 112 : index
      %swap3A_1156 = tpu.vector_load %arg8[%swap3A_1155] {strides = array<i32>} : memref<128xf32, #tpu.memory_space<vmem>>, vector<16xf32>,
      %swap3A_1157 = vector.shape_cast %swap3A_1156 : vector<16xf32> to vector<16xf32>
      %swap3A_1158 = vector.shape_cast %add3A_1154 : vector<16xf32> to vector<16xf32>
      tpu.vector_store %arg8[%swap3A_1155], %swap3A_1158 {strides = array<i32>} : memref<128xf32, #tpu.memory_space<vmem>>, vector<16xf32>,
      %run_scoped3A_1159 = arith.constant 2 : i32
      "tpu.region"() ({
        %run_scoped3A_1426 = tpu.sem_alloc : memref<!tpu.dma_semaphore, #tpu.memory_space<semaphore_mem>>
        %dma_start3A = arith.constant 0 : i32
        %dma_start3A_1427 = tpu.memref_slice %arg10[%run_scoped3A_1159, %dma_start3A] : memref<16x128xf32, #tpu.memory_space<vmem_shared>> -> memref<1x128xf32, #tpu.memory_space<vmem_shared>>
        %dma_start3A_1428 = tpu.memref_squeeze %dma_start3A_1427 : memref<1x128xf32, #tpu.memory_space<vmem_shared>> -> memref<128xf32, #tpu.memory_space<vmem_shared>>
        %dma_start3A_1429 = arith.constant 0 : i32
        %dma_start3A_1430 = tpu.memref_slice %arg10[%run_scoped3A_1159, %dma_start3A_1429] : memref<16x128xf32, #tpu.memory_space<vmem_shared>> -> memref<1x128xf32, #tpu.memory_space<vmem_shared>>
        %dma_start3A_1431 = tpu.memref_squeeze %dma_start3A_1430 : memref<1x128xf32, #tpu.memory_space<vmem_shared>> -> memref<128xf32, #tpu.memory_space<vmem_shared>>
        tpu.enqueue_dma source(%dma_start3A_1431 : memref<128xf32, #tpu.memory_space<vmem_shared>>) target(%arg9 : memref<128xf32, #tpu.memory_space<vmem>>) target_semaphore(%run_scoped3A_1426 : memref<!tpu.dma_semaphore, #tpu.memory_space<semaphore_mem>>)
        %dma_wait3A = arith.constant 0 : i32
        %dma_wait3A_1432 = tpu.memref_slice %arg10[%run_scoped3A_1159, %dma_wait3A] : memref<16x128xf32, #tpu.memory_space<vmem_shared>> -> memref<1x128xf32, #tpu.memory_space<vmem_shared>>
        %dma_wait3A_1433 = tpu.memref_squeeze %dma_wait3A_1432 : memref<1x128xf32, #tpu.memory_space<vmem_shared>> -> memref<128xf32, #tpu.memory_space<vmem_shared>>
        %dma_wait3A_1434 = arith.constant 0 : i32
        %dma_wait3A_1435 = tpu.memref_slice %arg10[%run_scoped3A_1159, %dma_wait3A_1434] : memref<16x128xf32, #tpu.memory_space<vmem_shared>> -> memref<1x128xf32, #tpu.memory_space<vmem_shared>>
        %dma_wait3A_1436 = tpu.memref_squeeze %dma_wait3A_1435 : memref<1x128xf32, #tpu.memory_space<vmem_shared>> -> memref<128xf32, #tpu.memory_space<vmem_shared>>
        tpu.wait_dma2 semaphore(%run_scoped3A_1426 : memref<!tpu.dma_semaphore, #tpu.memory_space<semaphore_mem>>) src(%dma_wait3A_1436 : memref<128xf32, #tpu.memory_space<vmem_shared>>) dst(%arg9 : memref<128xf32, #tpu.memory_space<vmem>>)
        tpu.yield
      }) : () -> ()
      %get3A_1160 = arith.constant 0 : index
      %get3A_1161 = tpu.vector_load %arg8[%get3A_1160] {strides = array<i32>} : memref<128xf32, #tpu.memory_space<vmem>>, vector<16xf32>,
      %get3A_1162 = vector.shape_cast %get3A_1161 : vector<16xf32> to vector<16xf32>
      %get3A_1163 = arith.constant 0 : index
      %get3A_1164 = tpu.vector_load %arg9[%get3A_1163] {strides = array<i32>} : memref<128xf32, #tpu.memory_space<vmem>>, vector<16xf32>,
      %get3A_1165 = vector.shape_cast %get3A_1164 : vector<16xf32> to vector<16xf32>
      %add3A_1166 = arith.addf %get3A_1162, %get3A_1165 : vector<16xf32>
      %swap3A_1167 = arith.constant 0 : index
      %swap3A_1168 = tpu.vector_load %arg8[%swap3A_1167] {strides = array<i32>} : memref<128xf32, #tpu.memory_space<vmem>>, vector<16xf32>,
      %swap3A_1169 = vector.shape_cast %swap3A_1168 : vector<16xf32> to vector<16xf32>
      %swap3A_1170 = vector.shape_cast %add3A_1166 : vector<16xf32> to vector<16xf32>
      tpu.vector_store %arg8[%swap3A_1167], %swap3A_1170 {strides = array<i32>} : memref<128xf32, #tpu.memory_space<vmem>>, vector<16xf32>,
      %get3A_1171 = arith.constant 16 : index
      %get3A_1172 = tpu.vector_load %arg8[%get3A_1171] {strides = array<i32>} : memref<128xf32, #tpu.memory_space<vmem>>, vector<16xf32>,
      %get3A_1173 = vector.shape_cast %get3A_1172 : vector<16xf32> to vector<16xf32>
      %get3A_1174 = arith.constant 16 : index
      %get3A_1175 = tpu.vector_load %arg9[%get3A_1174] {strides = array<i32>} : memref<128xf32, #tpu.memory_space<vmem>>, vector<16xf32>,
      %get3A_1176 = vector.shape_cast %get3A_1175 : vector<16xf32> to vector<16xf32>
      %add3A_1177 = arith.addf %get3A_1173, %get3A_1176 : vector<16xf32>
      %swap3A_1178 = arith.constant 16 : index
      %swap3A_1179 = tpu.vector_load %arg8[%swap3A_1178] {strides = array<i32>} : memref<128xf32, #tpu.memory_space<vmem>>, vector<16xf32>,
      %swap3A_1180 = vector.shape_cast %swap3A_1179 : vector<16xf32> to vector<16xf32>
      %swap3A_1181 = vector.shape_cast %add3A_1177 : vector<16xf32> to vector<16xf32>
      tpu.vector_store %arg8[%swap3A_1178], %swap3A_1181 {strides = array<i32>} : memref<128xf32, #tpu.memory_space<vmem>>, vector<16xf32>,
      %get3A_1182 = arith.constant 32 : index
      %get3A_1183 = tpu.vector_load %arg8[%get3A_1182] {strides = array<i32>} : memref<128xf32, #tpu.memory_space<vmem>>, vector<16xf32>,
      %get3A_1184 = vector.shape_cast %get3A_1183 : vector<16xf32> to vector<16xf32>
      %get3A_1185 = arith.constant 32 : index
      %get3A_1186 = tpu.vector_load %arg9[%get3A_1185] {strides = array<i32>} : memref<128xf32, #tpu.memory_space<vmem>>, vector<16xf32>,
      %get3A_1187 = vector.shape_cast %get3A_1186 : vector<16xf32> to vector<16xf32>
      %add3A_1188 = arith.addf %get3A_1184, %get3A_1187 : vector<16xf32>
      %swap3A_1189 = arith.constant 32 : index
      %swap3A_1190 = tpu.vector_load %arg8[%swap3A_1189] {strides = array<i32>} : memref<128xf32, #tpu.memory_space<vmem>>, vector<16xf32>,
      %swap3A_1191 = vector.shape_cast %swap3A_1190 : vector<16xf32> to vector<16xf32>
      %swap3A_1192 = vector.shape_cast %add3A_1188 : vector<16xf32> to vector<16xf32>
      tpu.vector_store %arg8[%swap3A_1189], %swap3A_1192 {strides = array<i32>} : memref<128xf32, #tpu.memory_space<vmem>>, vector<16xf32>,
      %get3A_1193 = arith.constant 48 : index
      %get3A_1194 = tpu.vector_load %arg8[%get3A_1193] {strides = array<i32>} : memref<128xf32, #tpu.memory_space<vmem>>, vector<16xf32>,
      %get3A_1195 = vector.shape_cast %get3A_1194 : vector<16xf32> to vector<16xf32>
      %get3A_1196 = arith.constant 48 : index
      %get3A_1197 = tpu.vector_load %arg9[%get3A_1196] {strides = array<i32>} : memref<128xf32, #tpu.memory_space<vmem>>, vector<16xf32>,
      %get3A_1198 = vector.shape_cast %get3A_1197 : vector<16xf32> to vector<16xf32>
      %add3A_1199 = arith.addf %get3A_1195, %get3A_1198 : vector<16xf32>
      %swap3A_1200 = arith.constant 48 : index
      %swap3A_1201 = tpu.vector_load %arg8[%swap3A_1200] {strides = array<i32>} : memref<128xf32, #tpu.memory_space<vmem>>, vector<16xf32>,
      %swap3A_1202 = vector.shape_cast %swap3A_1201 : vector<16xf32> to vector<16xf32>
      %swap3A_1203 = vector.shape_cast %add3A_1199 : vector<16xf32> to vector<16xf32>
      tpu.vector_store %arg8[%swap3A_1200], %swap3A_1203 {strides = array<i32>} : memref<128xf32, #tpu.memory_space<vmem>>, vector<16xf32>,
      %get3A_1204 = arith.constant 64 : index
      %get3A_1205 = tpu.vector_load %arg8[%get3A_1204] {strides = array<i32>} : memref<128xf32, #tpu.memory_space<vmem>>, vector<16xf32>,
      %get3A_1206 = vector.shape_cast %get3A_1205 : vector<16xf32> to vector<16xf32>
      %get3A_1207 = arith.constant 64 : index
      %get3A_1208 = tpu.vector_load %arg9[%get3A_1207] {strides = array<i32>} : memref<128xf32, #tpu.memory_space<vmem>>, vector<16xf32>,
      %get3A_1209 = vector.shape_cast %get3A_1208 : vector<16xf32> to vector<16xf32>
      %add3A_1210 = arith.addf %get3A_1206, %get3A_1209 : vector<16xf32>
      %swap3A_1211 = arith.constant 64 : index
      %swap3A_1212 = tpu.vector_load %arg8[%swap3A_1211] {strides = array<i32>} : memref<128xf32, #tpu.memory_space<vmem>>, vector<16xf32>,
      %swap3A_1213 = vector.shape_cast %swap3A_1212 : vector<16xf32> to vector<16xf32>
      %swap3A_1214 = vector.shape_cast %add3A_1210 : vector<16xf32> to vector<16xf32>
      tpu.vector_store %arg8[%swap3A_1211], %swap3A_1214 {strides = array<i32>} : memref<128xf32, #tpu.memory_space<vmem>>, vector<16xf32>,
      %get3A_1215 = arith.constant 80 : index
      %get3A_1216 = tpu.vector_load %arg8[%get3A_1215] {strides = array<i32>} : memref<128xf32, #tpu.memory_space<vmem>>, vector<16xf32>,
      %get3A_1217 = vector.shape_cast %get3A_1216 : vector<16xf32> to vector<16xf32>
      %get3A_1218 = arith.constant 80 : index
      %get3A_1219 = tpu.vector_load %arg9[%get3A_1218] {strides = array<i32>} : memref<128xf32, #tpu.memory_space<vmem>>, vector<16xf32>,
      %get3A_1220 = vector.shape_cast %get3A_1219 : vector<16xf32> to vector<16xf32>
      %add3A_1221 = arith.addf %get3A_1217, %get3A_1220 : vector<16xf32>
      %swap3A_1222 = arith.constant 80 : index
      %swap3A_1223 = tpu.vector_load %arg8[%swap3A_1222] {strides = array<i32>} : memref<128xf32, #tpu.memory_space<vmem>>, vector<16xf32>,
      %swap3A_1224 = vector.shape_cast %swap3A_1223 : vector<16xf32> to vector<16xf32>
      %swap3A_1225 = vector.shape_cast %add3A_1221 : vector<16xf32> to vector<16xf32>
      tpu.vector_store %arg8[%swap3A_1222], %swap3A_1225 {strides = array<i32>} : memref<128xf32, #tpu.memory_space<vmem>>, vector<16xf32>,
      %get3A_1226 = arith.constant 96 : index
      %get3A_1227 = tpu.vector_load %arg8[%get3A_1226] {strides = array<i32>} : memref<128xf32, #tpu.memory_space<vmem>>, vector<16xf32>,
      %get3A_1228 = vector.shape_cast %get3A_1227 : vector<16xf32> to vector<16xf32>
      %get3A_1229 = arith.constant 96 : index
      %get3A_1230 = tpu.vector_load %arg9[%get3A_1229] {strides = array<i32>} : memref<128xf32, #tpu.memory_space<vmem>>, vector<16xf32>,
      %get3A_1231 = vector.shape_cast %get3A_1230 : vector<16xf32> to vector<16xf32>
      %add3A_1232 = arith.addf %get3A_1228, %get3A_1231 : vector<16xf32>
      %swap3A_1233 = arith.constant 96 : index
      %swap3A_1234 = tpu.vector_load %arg8[%swap3A_1233] {strides = array<i32>} : memref<128xf32, #tpu.memory_space<vmem>>, vector<16xf32>,
      %swap3A_1235 = vector.shape_cast %swap3A_1234 : vector<16xf32> to vector<16xf32>
      %swap3A_1236 = vector.shape_cast %add3A_1232 : vector<16xf32> to vector<16xf32>
      tpu.vector_store %arg8[%swap3A_1233], %swap3A_1236 {strides = array<i32>} : memref<128xf32, #tpu.memory_space<vmem>>, vector<16xf32>,
      %get3A_1237 = arith.constant 112 : index
      %get3A_1238 = tpu.vector_load %arg8[%get3A_1237] {strides = array<i32>} : memref<128xf32, #tpu.memory_space<vmem>>, vector<16xf32>,
      %get3A_1239 = vector.shape_cast %get3A_1238 : vector<16xf32> to vector<16xf32>
      %get3A_1240 = arith.constant 112 : index
      %get3A_1241 = tpu.vector_load %arg9[%get3A_1240] {strides = array<i32>} : memref<128xf32, #tpu.memory_space<vmem>>, vector<16xf32>,
      %get3A_1242 = vector.shape_cast %get3A_1241 : vector<16xf32> to vector<16xf32>
      %add3A_1243 = arith.addf %get3A_1239, %get3A_1242 : vector<16xf32>
      %swap3A_1244 = arith.constant 112 : index
      %swap3A_1245 = tpu.vector_load %arg8[%swap3A_1244] {strides = array<i32>} : memref<128xf32, #tpu.memory_space<vmem>>, vector<16xf32>,
      %swap3A_1246 = vector.shape_cast %swap3A_1245 : vector<16xf32> to vector<16xf32>
      %swap3A_1247 = vector.shape_cast %add3A_1243 : vector<16xf32> to vector<16xf32>
      tpu.vector_store %arg8[%swap3A_1244], %swap3A_1247 {strides = array<i32>} : memref<128xf32, #tpu.memory_space<vmem>>, vector<16xf32>,
      %run_scoped3A_1248 = arith.constant 1 : i32
      "tpu.region"() ({
        %run_scoped3A_1426 = tpu.sem_alloc : memref<!tpu.dma_semaphore, #tpu.memory_space<semaphore_mem>>
        %dma_start3A = arith.constant 0 : i32
        %dma_start3A_1427 = tpu.memref_slice %arg10[%run_scoped3A_1248, %dma_start3A] : memref<16x128xf32, #tpu.memory_space<vmem_shared>> -> memref<1x128xf32, #tpu.memory_space<vmem_shared>>
        %dma_start3A_1428 = tpu.memref_squeeze %dma_start3A_1427 : memref<1x128xf32, #tpu.memory_space<vmem_shared>> -> memref<128xf32, #tpu.memory_space<vmem_shared>>
        %dma_start3A_1429 = arith.constant 0 : i32
        %dma_start3A_1430 = tpu.memref_slice %arg10[%run_scoped3A_1248, %dma_start3A_1429] : memref<16x128xf32, #tpu.memory_space<vmem_shared>> -> memref<1x128xf32, #tpu.memory_space<vmem_shared>>
        %dma_start3A_1431 = tpu.memref_squeeze %dma_start3A_1430 : memref<1x128xf32, #tpu.memory_space<vmem_shared>> -> memref<128xf32, #tpu.memory_space<vmem_shared>>
        tpu.enqueue_dma source(%dma_start3A_1431 : memref<128xf32, #tpu.memory_space<vmem_shared>>) target(%arg9 : memref<128xf32, #tpu.memory_space<vmem>>) target_semaphore(%run_scoped3A_1426 : memref<!tpu.dma_semaphore, #tpu.memory_space<semaphore_mem>>)
        %dma_wait3A = arith.constant 0 : i32
        %dma_wait3A_1432 = tpu.memref_slice %arg10[%run_scoped3A_1248, %dma_wait3A] : memref<16x128xf32, #tpu.memory_space<vmem_shared>> -> memref<1x128xf32, #tpu.memory_space<vmem_shared>>
        %dma_wait3A_1433 = tpu.memref_squeeze %dma_wait3A_1432 : memref<1x128xf32, #tpu.memory_space<vmem_shared>> -> memref<128xf32, #tpu.memory_space<vmem_shared>>
        %dma_wait3A_1434 = arith.constant 0 : i32
        %dma_wait3A_1435 = tpu.memref_slice %arg10[%run_scoped3A_1248, %dma_wait3A_1434] : memref<16x128xf32, #tpu.memory_space<vmem_shared>> -> memref<1x128xf32, #tpu.memory_space<vmem_shared>>
        %dma_wait3A_1436 = tpu.memref_squeeze %dma_wait3A_1435 : memref<1x128xf32, #tpu.memory_space<vmem_shared>> -> memref<128xf32, #tpu.memory_space<vmem_shared>>
        tpu.wait_dma2 semaphore(%run_scoped3A_1426 : memref<!tpu.dma_semaphore, #tpu.memory_space<semaphore_mem>>) src(%dma_wait3A_1436 : memref<128xf32, #tpu.memory_space<vmem_shared>>) dst(%arg9 : memref<128xf32, #tpu.memory_space<vmem>>)
        tpu.yield
      }) : () -> ()
      %get3A_1249 = arith.constant 0 : index
      %get3A_1250 = tpu.vector_load %arg8[%get3A_1249] {strides = array<i32>} : memref<128xf32, #tpu.memory_space<vmem>>, vector<16xf32>,
      %get3A_1251 = vector.shape_cast %get3A_1250 : vector<16xf32> to vector<16xf32>
      %get3A_1252 = arith.constant 0 : index
      %get3A_1253 = tpu.vector_load %arg9[%get3A_1252] {strides = array<i32>} : memref<128xf32, #tpu.memory_space<vmem>>, vector<16xf32>,
      %get3A_1254 = vector.shape_cast %get3A_1253 : vector<16xf32> to vector<16xf32>
      %add3A_1255 = arith.addf %get3A_1251, %get3A_1254 : vector<16xf32>
      %swap3A_1256 = arith.constant 0 : index
      %swap3A_1257 = tpu.vector_load %arg8[%swap3A_1256] {strides = array<i32>} : memref<128xf32, #tpu.memory_space<vmem>>, vector<16xf32>,
      %swap3A_1258 = vector.shape_cast %swap3A_1257 : vector<16xf32> to vector<16xf32>
      %swap3A_1259 = vector.shape_cast %add3A_1255 : vector<16xf32> to vector<16xf32>
      tpu.vector_store %arg8[%swap3A_1256], %swap3A_1259 {strides = array<i32>} : memref<128xf32, #tpu.memory_space<vmem>>, vector<16xf32>,
      %get3A_1260 = arith.constant 16 : index
      %get3A_1261 = tpu.vector_load %arg8[%get3A_1260] {strides = array<i32>} : memref<128xf32, #tpu.memory_space<vmem>>, vector<16xf32>,
      %get3A_1262 = vector.shape_cast %get3A_1261 : vector<16xf32> to vector<16xf32>
      %get3A_1263 = arith.constant 16 : index
      %get3A_1264 = tpu.vector_load %arg9[%get3A_1263] {strides = array<i32>} : memref<128xf32, #tpu.memory_space<vmem>>, vector<16xf32>,
      %get3A_1265 = vector.shape_cast %get3A_1264 : vector<16xf32> to vector<16xf32>
      %add3A_1266 = arith.addf %get3A_1262, %get3A_1265 : vector<16xf32>
      %swap3A_1267 = arith.constant 16 : index
      %swap3A_1268 = tpu.vector_load %arg8[%swap3A_1267] {strides = array<i32>} : memref<128xf32, #tpu.memory_space<vmem>>, vector<16xf32>,
      %swap3A_1269 = vector.shape_cast %swap3A_1268 : vector<16xf32> to vector<16xf32>
      %swap3A_1270 = vector.shape_cast %add3A_1266 : vector<16xf32> to vector<16xf32>
      tpu.vector_store %arg8[%swap3A_1267], %swap3A_1270 {strides = array<i32>} : memref<128xf32, #tpu.memory_space<vmem>>, vector<16xf32>,
      %get3A_1271 = arith.constant 32 : index
      %get3A_1272 = tpu.vector_load %arg8[%get3A_1271] {strides = array<i32>} : memref<128xf32, #tpu.memory_space<vmem>>, vector<16xf32>,
      %get3A_1273 = vector.shape_cast %get3A_1272 : vector<16xf32> to vector<16xf32>
      %get3A_1274 = arith.constant 32 : index
      %get3A_1275 = tpu.vector_load %arg9[%get3A_1274] {strides = array<i32>} : memref<128xf32, #tpu.memory_space<vmem>>, vector<16xf32>,
      %get3A_1276 = vector.shape_cast %get3A_1275 : vector<16xf32> to vector<16xf32>
      %add3A_1277 = arith.addf %get3A_1273, %get3A_1276 : vector<16xf32>
      %swap3A_1278 = arith.constant 32 : index
      %swap3A_1279 = tpu.vector_load %arg8[%swap3A_1278] {strides = array<i32>} : memref<128xf32, #tpu.memory_space<vmem>>, vector<16xf32>,
      %swap3A_1280 = vector.shape_cast %swap3A_1279 : vector<16xf32> to vector<16xf32>
      %swap3A_1281 = vector.shape_cast %add3A_1277 : vector<16xf32> to vector<16xf32>
      tpu.vector_store %arg8[%swap3A_1278], %swap3A_1281 {strides = array<i32>} : memref<128xf32, #tpu.memory_space<vmem>>, vector<16xf32>,
      %get3A_1282 = arith.constant 48 : index
      %get3A_1283 = tpu.vector_load %arg8[%get3A_1282] {strides = array<i32>} : memref<128xf32, #tpu.memory_space<vmem>>, vector<16xf32>,
      %get3A_1284 = vector.shape_cast %get3A_1283 : vector<16xf32> to vector<16xf32>
      %get3A_1285 = arith.constant 48 : index
      %get3A_1286 = tpu.vector_load %arg9[%get3A_1285] {strides = array<i32>} : memref<128xf32, #tpu.memory_space<vmem>>, vector<16xf32>,
      %get3A_1287 = vector.shape_cast %get3A_1286 : vector<16xf32> to vector<16xf32>
      %add3A_1288 = arith.addf %get3A_1284, %get3A_1287 : vector<16xf32>
      %swap3A_1289 = arith.constant 48 : index
      %swap3A_1290 = tpu.vector_load %arg8[%swap3A_1289] {strides = array<i32>} : memref<128xf32, #tpu.memory_space<vmem>>, vector<16xf32>,
      %swap3A_1291 = vector.shape_cast %swap3A_1290 : vector<16xf32> to vector<16xf32>
      %swap3A_1292 = vector.shape_cast %add3A_1288 : vector<16xf32> to vector<16xf32>
      tpu.vector_store %arg8[%swap3A_1289], %swap3A_1292 {strides = array<i32>} : memref<128xf32, #tpu.memory_space<vmem>>, vector<16xf32>,
      %get3A_1293 = arith.constant 64 : index
      %get3A_1294 = tpu.vector_load %arg8[%get3A_1293] {strides = array<i32>} : memref<128xf32, #tpu.memory_space<vmem>>, vector<16xf32>,
      %get3A_1295 = vector.shape_cast %get3A_1294 : vector<16xf32> to vector<16xf32>
      %get3A_1296 = arith.constant 64 : index
      %get3A_1297 = tpu.vector_load %arg9[%get3A_1296] {strides = array<i32>} : memref<128xf32, #tpu.memory_space<vmem>>, vector<16xf32>,
      %get3A_1298 = vector.shape_cast %get3A_1297 : vector<16xf32> to vector<16xf32>
      %add3A_1299 = arith.addf %get3A_1295, %get3A_1298 : vector<16xf32>
      %swap3A_1300 = arith.constant 64 : index
      %swap3A_1301 = tpu.vector_load %arg8[%swap3A_1300] {strides = array<i32>} : memref<128xf32, #tpu.memory_space<vmem>>, vector<16xf32>,
      %swap3A_1302 = vector.shape_cast %swap3A_1301 : vector<16xf32> to vector<16xf32>
      %swap3A_1303 = vector.shape_cast %add3A_1299 : vector<16xf32> to vector<16xf32>
      tpu.vector_store %arg8[%swap3A_1300], %swap3A_1303 {strides = array<i32>} : memref<128xf32, #tpu.memory_space<vmem>>, vector<16xf32>,
      %get3A_1304 = arith.constant 80 : index
      %get3A_1305 = tpu.vector_load %arg8[%get3A_1304] {strides = array<i32>} : memref<128xf32, #tpu.memory_space<vmem>>, vector<16xf32>,
      %get3A_1306 = vector.shape_cast %get3A_1305 : vector<16xf32> to vector<16xf32>
      %get3A_1307 = arith.constant 80 : index
      %get3A_1308 = tpu.vector_load %arg9[%get3A_1307] {strides = array<i32>} : memref<128xf32, #tpu.memory_space<vmem>>, vector<16xf32>,
      %get3A_1309 = vector.shape_cast %get3A_1308 : vector<16xf32> to vector<16xf32>
      %add3A_1310 = arith.addf %get3A_1306, %get3A_1309 : vector<16xf32>
      %swap3A_1311 = arith.constant 80 : index
      %swap3A_1312 = tpu.vector_load %arg8[%swap3A_1311] {strides = array<i32>} : memref<128xf32, #tpu.memory_space<vmem>>, vector<16xf32>,
      %swap3A_1313 = vector.shape_cast %swap3A_1312 : vector<16xf32> to vector<16xf32>
      %swap3A_1314 = vector.shape_cast %add3A_1310 : vector<16xf32> to vector<16xf32>
      tpu.vector_store %arg8[%swap3A_1311], %swap3A_1314 {strides = array<i32>} : memref<128xf32, #tpu.memory_space<vmem>>, vector<16xf32>,
      %get3A_1315 = arith.constant 96 : index
      %get3A_1316 = tpu.vector_load %arg8[%get3A_1315] {strides = array<i32>} : memref<128xf32, #tpu.memory_space<vmem>>, vector<16xf32>,
      %get3A_1317 = vector.shape_cast %get3A_1316 : vector<16xf32> to vector<16xf32>
      %get3A_1318 = arith.constant 96 : index
      %get3A_1319 = tpu.vector_load %arg9[%get3A_1318] {strides = array<i32>} : memref<128xf32, #tpu.memory_space<vmem>>, vector<16xf32>,
      %get3A_1320 = vector.shape_cast %get3A_1319 : vector<16xf32> to vector<16xf32>
      %add3A_1321 = arith.addf %get3A_1317, %get3A_1320 : vector<16xf32>
      %swap3A_1322 = arith.constant 96 : index
      %swap3A_1323 = tpu.vector_load %arg8[%swap3A_1322] {strides = array<i32>} : memref<128xf32, #tpu.memory_space<vmem>>, vector<16xf32>,
      %swap3A_1324 = vector.shape_cast %swap3A_1323 : vector<16xf32> to vector<16xf32>
      %swap3A_1325 = vector.shape_cast %add3A_1321 : vector<16xf32> to vector<16xf32>
      tpu.vector_store %arg8[%swap3A_1322], %swap3A_1325 {strides = array<i32>} : memref<128xf32, #tpu.memory_space<vmem>>, vector<16xf32>,
      %get3A_1326 = arith.constant 112 : index
      %get3A_1327 = tpu.vector_load %arg8[%get3A_1326] {strides = array<i32>} : memref<128xf32, #tpu.memory_space<vmem>>, vector<16xf32>,
      %get3A_1328 = vector.shape_cast %get3A_1327 : vector<16xf32> to vector<16xf32>
      %get3A_1329 = arith.constant 112 : index
      %get3A_1330 = tpu.vector_load %arg9[%get3A_1329] {strides = array<i32>} : memref<128xf32, #tpu.memory_space<vmem>>, vector<16xf32>,
      %get3A_1331 = vector.shape_cast %get3A_1330 : vector<16xf32> to vector<16xf32>
      %add3A_1332 = arith.addf %get3A_1328, %get3A_1331 : vector<16xf32>
      %swap3A_1333 = arith.constant 112 : index
      %swap3A_1334 = tpu.vector_load %arg8[%swap3A_1333] {strides = array<i32>} : memref<128xf32, #tpu.memory_space<vmem>>, vector<16xf32>,
      %swap3A_1335 = vector.shape_cast %swap3A_1334 : vector<16xf32> to vector<16xf32>
      %swap3A_1336 = vector.shape_cast %add3A_1332 : vector<16xf32> to vector<16xf32>
      tpu.vector_store %arg8[%swap3A_1333], %swap3A_1336 {strides = array<i32>} : memref<128xf32, #tpu.memory_space<vmem>>, vector<16xf32>,
      %run_scoped3A_1337 = arith.constant 0 : i32
      "tpu.region"() ({
        %run_scoped3A_1426 = tpu.sem_alloc : memref<!tpu.dma_semaphore, #tpu.memory_space<semaphore_mem>>
        %dma_start3A = arith.constant 0 : i32
        %dma_start3A_1427 = tpu.memref_slice %arg10[%run_scoped3A_1337, %dma_start3A] : memref<16x128xf32, #tpu.memory_space<vmem_shared>> -> memref<1x128xf32, #tpu.memory_space<vmem_shared>>
        %dma_start3A_1428 = tpu.memref_squeeze %dma_start3A_1427 : memref<1x128xf32, #tpu.memory_space<vmem_shared>> -> memref<128xf32, #tpu.memory_space<vmem_shared>>
        %dma_start3A_1429 = arith.constant 0 : i32
        %dma_start3A_1430 = tpu.memref_slice %arg10[%run_scoped3A_1337, %dma_start3A_1429] : memref<16x128xf32, #tpu.memory_space<vmem_shared>> -> memref<1x128xf32, #tpu.memory_space<vmem_shared>>
        %dma_start3A_1431 = tpu.memref_squeeze %dma_start3A_1430 : memref<1x128xf32, #tpu.memory_space<vmem_shared>> -> memref<128xf32, #tpu.memory_space<vmem_shared>>
        tpu.enqueue_dma source(%dma_start3A_1431 : memref<128xf32, #tpu.memory_space<vmem_shared>>) target(%arg9 : memref<128xf32, #tpu.memory_space<vmem>>) target_semaphore(%run_scoped3A_1426 : memref<!tpu.dma_semaphore, #tpu.memory_space<semaphore_mem>>)
        %dma_wait3A = arith.constant 0 : i32
        %dma_wait3A_1432 = tpu.memref_slice %arg10[%run_scoped3A_1337, %dma_wait3A] : memref<16x128xf32, #tpu.memory_space<vmem_shared>> -> memref<1x128xf32, #tpu.memory_space<vmem_shared>>
        %dma_wait3A_1433 = tpu.memref_squeeze %dma_wait3A_1432 : memref<1x128xf32, #tpu.memory_space<vmem_shared>> -> memref<128xf32, #tpu.memory_space<vmem_shared>>
        %dma_wait3A_1434 = arith.constant 0 : i32
        %dma_wait3A_1435 = tpu.memref_slice %arg10[%run_scoped3A_1337, %dma_wait3A_1434] : memref<16x128xf32, #tpu.memory_space<vmem_shared>> -> memref<1x128xf32, #tpu.memory_space<vmem_shared>>
        %dma_wait3A_1436 = tpu.memref_squeeze %dma_wait3A_1435 : memref<1x128xf32, #tpu.memory_space<vmem_shared>> -> memref<128xf32, #tpu.memory_space<vmem_shared>>
        tpu.wait_dma2 semaphore(%run_scoped3A_1426 : memref<!tpu.dma_semaphore, #tpu.memory_space<semaphore_mem>>) src(%dma_wait3A_1436 : memref<128xf32, #tpu.memory_space<vmem_shared>>) dst(%arg9 : memref<128xf32, #tpu.memory_space<vmem>>)
        tpu.yield
      }) : () -> ()
      %get3A_1338 = arith.constant 0 : index
      %get3A_1339 = tpu.vector_load %arg8[%get3A_1338] {strides = array<i32>} : memref<128xf32, #tpu.memory_space<vmem>>, vector<16xf32>,
      %get3A_1340 = vector.shape_cast %get3A_1339 : vector<16xf32> to vector<16xf32>
      %get3A_1341 = arith.constant 0 : index
      %get3A_1342 = tpu.vector_load %arg9[%get3A_1341] {strides = array<i32>} : memref<128xf32, #tpu.memory_space<vmem>>, vector<16xf32>,
      %get3A_1343 = vector.shape_cast %get3A_1342 : vector<16xf32> to vector<16xf32>
      %add3A_1344 = arith.addf %get3A_1340, %get3A_1343 : vector<16xf32>
      %swap3A_1345 = arith.constant 0 : index
      %swap3A_1346 = tpu.vector_load %arg8[%swap3A_1345] {strides = array<i32>} : memref<128xf32, #tpu.memory_space<vmem>>, vector<16xf32>,
      %swap3A_1347 = vector.shape_cast %swap3A_1346 : vector<16xf32> to vector<16xf32>
      %swap3A_1348 = vector.shape_cast %add3A_1344 : vector<16xf32> to vector<16xf32>
      tpu.vector_store %arg8[%swap3A_1345], %swap3A_1348 {strides = array<i32>} : memref<128xf32, #tpu.memory_space<vmem>>, vector<16xf32>,
      %get3A_1349 = arith.constant 16 : index
      %get3A_1350 = tpu.vector_load %arg8[%get3A_1349] {strides = array<i32>} : memref<128xf32, #tpu.memory_space<vmem>>, vector<16xf32>,
      %get3A_1351 = vector.shape_cast %get3A_1350 : vector<16xf32> to vector<16xf32>
      %get3A_1352 = arith.constant 16 : index
      %get3A_1353 = tpu.vector_load %arg9[%get3A_1352] {strides = array<i32>} : memref<128xf32, #tpu.memory_space<vmem>>, vector<16xf32>,
      %get3A_1354 = vector.shape_cast %get3A_1353 : vector<16xf32> to vector<16xf32>
      %add3A_1355 = arith.addf %get3A_1351, %get3A_1354 : vector<16xf32>
      %swap3A_1356 = arith.constant 16 : index
      %swap3A_1357 = tpu.vector_load %arg8[%swap3A_1356] {strides = array<i32>} : memref<128xf32, #tpu.memory_space<vmem>>, vector<16xf32>,
      %swap3A_1358 = vector.shape_cast %swap3A_1357 : vector<16xf32> to vector<16xf32>
      %swap3A_1359 = vector.shape_cast %add3A_1355 : vector<16xf32> to vector<16xf32>
      tpu.vector_store %arg8[%swap3A_1356], %swap3A_1359 {strides = array<i32>} : memref<128xf32, #tpu.memory_space<vmem>>, vector<16xf32>,
      %get3A_1360 = arith.constant 32 : index
      %get3A_1361 = tpu.vector_load %arg8[%get3A_1360] {strides = array<i32>} : memref<128xf32, #tpu.memory_space<vmem>>, vector<16xf32>,
      %get3A_1362 = vector.shape_cast %get3A_1361 : vector<16xf32> to vector<16xf32>
      %get3A_1363 = arith.constant 32 : index
      %get3A_1364 = tpu.vector_load %arg9[%get3A_1363] {strides = array<i32>} : memref<128xf32, #tpu.memory_space<vmem>>, vector<16xf32>,
      %get3A_1365 = vector.shape_cast %get3A_1364 : vector<16xf32> to vector<16xf32>
      %add3A_1366 = arith.addf %get3A_1362, %get3A_1365 : vector<16xf32>
      %swap3A_1367 = arith.constant 32 : index
      %swap3A_1368 = tpu.vector_load %arg8[%swap3A_1367] {strides = array<i32>} : memref<128xf32, #tpu.memory_space<vmem>>, vector<16xf32>,
      %swap3A_1369 = vector.shape_cast %swap3A_1368 : vector<16xf32> to vector<16xf32>
      %swap3A_1370 = vector.shape_cast %add3A_1366 : vector<16xf32> to vector<16xf32>
      tpu.vector_store %arg8[%swap3A_1367], %swap3A_1370 {strides = array<i32>} : memref<128xf32, #tpu.memory_space<vmem>>, vector<16xf32>,
      %get3A_1371 = arith.constant 48 : index
      %get3A_1372 = tpu.vector_load %arg8[%get3A_1371] {strides = array<i32>} : memref<128xf32, #tpu.memory_space<vmem>>, vector<16xf32>,
      %get3A_1373 = vector.shape_cast %get3A_1372 : vector<16xf32> to vector<16xf32>
      %get3A_1374 = arith.constant 48 : index
      %get3A_1375 = tpu.vector_load %arg9[%get3A_1374] {strides = array<i32>} : memref<128xf32, #tpu.memory_space<vmem>>, vector<16xf32>,
      %get3A_1376 = vector.shape_cast %get3A_1375 : vector<16xf32> to vector<16xf32>
      %add3A_1377 = arith.addf %get3A_1373, %get3A_1376 : vector<16xf32>
      %swap3A_1378 = arith.constant 48 : index
      %swap3A_1379 = tpu.vector_load %arg8[%swap3A_1378] {strides = array<i32>} : memref<128xf32, #tpu.memory_space<vmem>>, vector<16xf32>,
      %swap3A_1380 = vector.shape_cast %swap3A_1379 : vector<16xf32> to vector<16xf32>
      %swap3A_1381 = vector.shape_cast %add3A_1377 : vector<16xf32> to vector<16xf32>
      tpu.vector_store %arg8[%swap3A_1378], %swap3A_1381 {strides = array<i32>} : memref<128xf32, #tpu.memory_space<vmem>>, vector<16xf32>,
      %get3A_1382 = arith.constant 64 : index
      %get3A_1383 = tpu.vector_load %arg8[%get3A_1382] {strides = array<i32>} : memref<128xf32, #tpu.memory_space<vmem>>, vector<16xf32>,
      %get3A_1384 = vector.shape_cast %get3A_1383 : vector<16xf32> to vector<16xf32>
      %get3A_1385 = arith.constant 64 : index
      %get3A_1386 = tpu.vector_load %arg9[%get3A_1385] {strides = array<i32>} : memref<128xf32, #tpu.memory_space<vmem>>, vector<16xf32>,
      %get3A_1387 = vector.shape_cast %get3A_1386 : vector<16xf32> to vector<16xf32>
      %add3A_1388 = arith.addf %get3A_1384, %get3A_1387 : vector<16xf32>
      %swap3A_1389 = arith.constant 64 : index
      %swap3A_1390 = tpu.vector_load %arg8[%swap3A_1389] {strides = array<i32>} : memref<128xf32, #tpu.memory_space<vmem>>, vector<16xf32>,
      %swap3A_1391 = vector.shape_cast %swap3A_1390 : vector<16xf32> to vector<16xf32>
      %swap3A_1392 = vector.shape_cast %add3A_1388 : vector<16xf32> to vector<16xf32>
      tpu.vector_store %arg8[%swap3A_1389], %swap3A_1392 {strides = array<i32>} : memref<128xf32, #tpu.memory_space<vmem>>, vector<16xf32>,
      %get3A_1393 = arith.constant 80 : index
      %get3A_1394 = tpu.vector_load %arg8[%get3A_1393] {strides = array<i32>} : memref<128xf32, #tpu.memory_space<vmem>>, vector<16xf32>,
      %get3A_1395 = vector.shape_cast %get3A_1394 : vector<16xf32> to vector<16xf32>
      %get3A_1396 = arith.constant 80 : index
      %get3A_1397 = tpu.vector_load %arg9[%get3A_1396] {strides = array<i32>} : memref<128xf32, #tpu.memory_space<vmem>>, vector<16xf32>,
      %get3A_1398 = vector.shape_cast %get3A_1397 : vector<16xf32> to vector<16xf32>
      %add3A_1399 = arith.addf %get3A_1395, %get3A_1398 : vector<16xf32>
      %swap3A_1400 = arith.constant 80 : index
      %swap3A_1401 = tpu.vector_load %arg8[%swap3A_1400] {strides = array<i32>} : memref<128xf32, #tpu.memory_space<vmem>>, vector<16xf32>,
      %swap3A_1402 = vector.shape_cast %swap3A_1401 : vector<16xf32> to vector<16xf32>
      %swap3A_1403 = vector.shape_cast %add3A_1399 : vector<16xf32> to vector<16xf32>
      tpu.vector_store %arg8[%swap3A_1400], %swap3A_1403 {strides = array<i32>} : memref<128xf32, #tpu.memory_space<vmem>>, vector<16xf32>,
      %get3A_1404 = arith.constant 96 : index
      %get3A_1405 = tpu.vector_load %arg8[%get3A_1404] {strides = array<i32>} : memref<128xf32, #tpu.memory_space<vmem>>, vector<16xf32>,
      %get3A_1406 = vector.shape_cast %get3A_1405 : vector<16xf32> to vector<16xf32>
      %get3A_1407 = arith.constant 96 : index
      %get3A_1408 = tpu.vector_load %arg9[%get3A_1407] {strides = array<i32>} : memref<128xf32, #tpu.memory_space<vmem>>, vector<16xf32>,
      %get3A_1409 = vector.shape_cast %get3A_1408 : vector<16xf32> to vector<16xf32>
      %add3A_1410 = arith.addf %get3A_1406, %get3A_1409 : vector<16xf32>
      %swap3A_1411 = arith.constant 96 : index
      %swap3A_1412 = tpu.vector_load %arg8[%swap3A_1411] {strides = array<i32>} : memref<128xf32, #tpu.memory_space<vmem>>, vector<16xf32>,
      %swap3A_1413 = vector.shape_cast %swap3A_1412 : vector<16xf32> to vector<16xf32>
      %swap3A_1414 = vector.shape_cast %add3A_1410 : vector<16xf32> to vector<16xf32>
      tpu.vector_store %arg8[%swap3A_1411], %swap3A_1414 {strides = array<i32>} : memref<128xf32, #tpu.memory_space<vmem>>, vector<16xf32>,
      %get3A_1415 = arith.constant 112 : index
      %get3A_1416 = tpu.vector_load %arg8[%get3A_1415] {strides = array<i32>} : memref<128xf32, #tpu.memory_space<vmem>>, vector<16xf32>,
      %get3A_1417 = vector.shape_cast %get3A_1416 : vector<16xf32> to vector<16xf32>
      %get3A_1418 = arith.constant 112 : index
      %get3A_1419 = tpu.vector_load %arg9[%get3A_1418] {strides = array<i32>} : memref<128xf32, #tpu.memory_space<vmem>>, vector<16xf32>,
      %get3A_1420 = vector.shape_cast %get3A_1419 : vector<16xf32> to vector<16xf32>
      %add3A_1421 = arith.addf %get3A_1417, %get3A_1420 : vector<16xf32>
      %swap3A_1422 = arith.constant 112 : index
      %swap3A_1423 = tpu.vector_load %arg8[%swap3A_1422] {strides = array<i32>} : memref<128xf32, #tpu.memory_space<vmem>>, vector<16xf32>,
      %swap3A_1424 = vector.shape_cast %swap3A_1423 : vector<16xf32> to vector<16xf32>
      %swap3A_1425 = vector.shape_cast %add3A_1421 : vector<16xf32> to vector<16xf32>
      tpu.vector_store %arg8[%swap3A_1422], %swap3A_1425 {strides = array<i32>} : memref<128xf32, #tpu.memory_space<vmem>>, vector<16xf32>,
      "tpu.region"() ({
        %run_scoped3A_1426 = tpu.sem_alloc : memref<!tpu.dma_semaphore, #tpu.memory_space<semaphore_mem>>
        %dma_start3A = arith.constant 0 : i32
        %dma_start3A_1427 = tpu.memref_slice %arg5[%arg0, %dma_start3A] : memref<2x128xf32, #tpu.memory_space<hbm>> -> memref<1x128xf32, #tpu.memory_space<hbm>>
        %dma_start3A_1428 = tpu.memref_squeeze %dma_start3A_1427 : memref<1x128xf32, #tpu.memory_space<hbm>> -> memref<128xf32, #tpu.memory_space<hbm>>
        %dma_start3A_1429 = arith.constant 0 : i32
        %dma_start3A_1430 = tpu.memref_slice %arg5[%arg0, %dma_start3A_1429] : memref<2x128xf32, #tpu.memory_space<hbm>> -> memref<1x128xf32, #tpu.memory_space<hbm>>
        %dma_start3A_1431 = tpu.memref_squeeze %dma_start3A_1430 : memref<1x128xf32, #tpu.memory_space<hbm>> -> memref<128xf32, #tpu.memory_space<hbm>>
        tpu.enqueue_dma source(%arg8 : memref<128xf32, #tpu.memory_space<vmem>>) target(%dma_start3A_1431 : memref<128xf32, #tpu.memory_space<hbm>>) target_semaphore(%run_scoped3A_1426 : memref<!tpu.dma_semaphore, #tpu.memory_space<semaphore_mem>>)
        %dma_wait3A = arith.constant 0 : i32
        %dma_wait3A_1432 = tpu.memref_slice %arg5[%arg0, %dma_wait3A] : memref<2x128xf32, #tpu.memory_space<hbm>> -> memref<1x128xf32, #tpu.memory_space<hbm>>
        %dma_wait3A_1433 = tpu.memref_squeeze %dma_wait3A_1432 : memref<1x128xf32, #tpu.memory_space<hbm>> -> memref<128xf32, #tpu.memory_space<hbm>>
        %dma_wait3A_1434 = arith.constant 0 : i32
        %dma_wait3A_1435 = tpu.memref_slice %arg5[%arg0, %dma_wait3A_1434] : memref<2x128xf32, #tpu.memory_space<hbm>> -> memref<1x128xf32, #tpu.memory_space<hbm>>
        %dma_wait3A_1436 = tpu.memref_squeeze %dma_wait3A_1435 : memref<1x128xf32, #tpu.memory_space<hbm>> -> memref<128xf32, #tpu.memory_space<hbm>>
        tpu.wait_dma2 semaphore(%run_scoped3A_1426 : memref<!tpu.dma_semaphore, #tpu.memory_space<semaphore_mem>>) src(%arg8 : memref<128xf32, #tpu.memory_space<vmem>>) dst(%dma_wait3A_1436 : memref<128xf32, #tpu.memory_space<hbm>>)
        tpu.yield
      }) : () -> ()
    } else {
    }
    return
  }
}

module attributes {stable_mosaic.version = 14 : i64} {
  func.func @_sums_body(%arg0: i32, %arg1: memref<1x2048xi32, #tpu.memory_space<vmem>>, %arg2: memref<2048x512xf32, #tpu.memory_space<vmem>>, %arg3: memref<512x1024xf32, #tpu.memory_space<vmem>>, %arg4: memref<1x1024xf32, #tpu.memory_space<vmem>>, %arg5: memref<16x1024xf32, #tpu.memory_space<vmem>>, %arg6: memref<16x1024xf32, #tpu.memory_space<vmem>>) attributes {dimension_semantics = [#tpu.dimension_semantics<arbitrary>], iteration_bounds = array<i64: 16>, scalar_prefetch = 0 : i64, scratch_operands = 1 : i64, tpu.core_type = #tpu.core_type<tc>, window_params = [{transform_indices = @transform_0, window_bounds = array<i64: 1, 2048>}, {transform_indices = @transform_1, window_bounds = array<i64: 2048, 512>}, {pipeline_mode = #tpu.pipeline_mode<synchronous>, transform_indices = @transform_2, window_bounds = array<i64: 512, 1024>}, {pipeline_mode = #tpu.pipeline_mode<synchronous>, transform_indices = @transform_3, window_bounds = array<i64: 1, 1024>}, {pipeline_mode = #tpu.pipeline_mode<synchronous>, transform_indices = @transform_4, window_bounds = array<i64: 16, 1024>}]} {
    %eq3A = arith.constant 0 : i32
    %eq3A_0 = arith.cmpi eq, %arg0, %eq3A : i32
    %convert_element_type3A = arith.extui %eq3A_0 : i1 to i32
    %cond3A = arith.constant 0 : i32
    %cond3A_1 = arith.cmpi ne, %convert_element_type3A, %cond3A : i32
    scf.if %cond3A_1 {
      %broadcast_in_dim3A_35 = arith.constant 0.000000e+00 : f32
      %broadcast_in_dim3A_36 = vector.broadcast %broadcast_in_dim3A_35 : f32 to vector<16x1024xf32>
      %swap3A_37 = arith.constant 0 : index
      %swap3A_38 = arith.constant 0 : index
      %swap3A_39 = vector.load %arg6[%swap3A_37, %swap3A_38] : memref<16x1024xf32, #tpu.memory_space<vmem>>, vector<16x1024xf32>
      tpu.vector_store %arg6[%swap3A_37, %swap3A_38], %broadcast_in_dim3A_36 {strides = array<i32>} : memref<16x1024xf32, #tpu.memory_space<vmem>>, vector<16x1024xf32>,
    } else {
    }
    %get3A = arith.constant 0 : index
    %get3A_2 = arith.constant 0 : index
    %get3A_3 = vector.load %arg2[%get3A, %get3A_2] : memref<2048x512xf32, #tpu.memory_space<vmem>>, vector<2048x512xf32>
    %get3A_4 = arith.constant 0 : index
    %get3A_5 = arith.constant 0 : index
    %get3A_6 = vector.load %arg3[%get3A_4, %get3A_5] : memref<512x1024xf32, #tpu.memory_space<vmem>>, vector<512x1024xf32>
    %dot_general3A = arith.constant dense<0.000000e+00> : vector<2048x1024xf32>
    %dot_general3A_7 = tpu.matmul %get3A_3, %get3A_6, %dot_general3A {dimension_numbers = #tpu.dot_dimension_numbers<[1], [0], [0], [1], [0, 0, 1, 1], [], []>, transpose_lhs_hint = false} : vector<2048x512xf32>, vector<512x1024xf32>, vector<2048x1024xf32> -> vector<2048x1024xf32>
    %get3A_8 = arith.constant 0 : index
    %get3A_9 = arith.constant 0 : index
    %get3A_10 = vector.load %arg4[%get3A_8, %get3A_9] : memref<1x1024xf32, #tpu.memory_space<vmem>>, vector<1x1024xf32>
    %add3A = vector.broadcast %get3A_10 : vector<1x1024xf32> to vector<2048x1024xf32>
    %add3A_11 = arith.addf %dot_general3A_7, %add3A : vector<2048x1024xf32>
    %max3A = arith.constant 0.000000e+00 : f32
    %max3A_12 = vector.broadcast %max3A : f32 to vector<2048x1024xf32>
    %max3A_13 = arith.maximumf %add3A_11, %max3A_12 : vector<2048x1024xf32>
    %get3A_14 = arith.constant 0 : index
    %get3A_15 = arith.constant 0 : index
    %get3A_16 = vector.load %arg1[%get3A_14, %get3A_15] : memref<1x2048xi32, #tpu.memory_space<vmem>>, vector<1x2048xi32>
    %get3A_17 = vector.shape_cast %get3A_16 : vector<1x2048xi32> to vector<2048xi32>
    %broadcast_in_dim3A = vector.shape_cast %get3A_17 : vector<2048xi32> to vector<1x2048xi32>
    %iota3A = tpu.iota {dimensions = array<i32: 0>} : vector<16x2048xi32>
    %eq3A_18 = vector.broadcast %broadcast_in_dim3A : vector<1x2048xi32> to vector<16x2048xi32>
    %eq3A_19 = arith.cmpi eq, %eq3A_18, %iota3A : vector<16x2048xi32>
    %convert_element_type3A_20 = arith.extui %eq3A_19 : vector<16x2048xi1> to vector<16x2048xi32>
    %convert_element_type3A_21 = arith.sitofp %convert_element_type3A_20 : vector<16x2048xi32> to vector<16x2048xf32>
    %get3A_22 = arith.constant 0 : index
    %get3A_23 = arith.constant 0 : index
    %get3A_24 = vector.load %arg6[%get3A_22, %get3A_23] : memref<16x1024xf32, #tpu.memory_space<vmem>>, vector<16x1024xf32>
    %dot_general3A_25 = arith.constant dense<0.000000e+00> : vector<16x1024xf32>
    %dot_general3A_26 = tpu.matmul %convert_element_type3A_21, %max3A_13, %dot_general3A_25 {dimension_numbers = #tpu.dot_dimension_numbers<[1], [0], [0], [1], [0, 0, 1, 1], [], []>, transpose_lhs_hint = false} : vector<16x2048xf32>, vector<2048x1024xf32>, vector<16x1024xf32> -> vector<16x1024xf32>
    %add3A_27 = arith.addf %get3A_24, %dot_general3A_26 : vector<16x1024xf32>
    %swap3A = arith.constant 0 : index
    %swap3A_28 = arith.constant 0 : index
    %swap3A_29 = vector.load %arg6[%swap3A, %swap3A_28] : memref<16x1024xf32, #tpu.memory_space<vmem>>, vector<16x1024xf32>
    tpu.vector_store %arg6[%swap3A, %swap3A_28], %add3A_27 {strides = array<i32>} : memref<16x1024xf32, #tpu.memory_space<vmem>>, vector<16x1024xf32>,
    %eq3A_30 = arith.constant 15 : i32
    %eq3A_31 = arith.cmpi eq, %arg0, %eq3A_30 : i32
    %convert_element_type3A_32 = arith.extui %eq3A_31 : i1 to i32
    %cond3A_33 = arith.constant 0 : i32
    %cond3A_34 = arith.cmpi ne, %convert_element_type3A_32, %cond3A_33 : i32
    scf.if %cond3A_34 {
      %get3A_35 = arith.constant 0 : index
      %get3A_36 = arith.constant 0 : index
      %get3A_37 = vector.load %arg6[%get3A_35, %get3A_36] : memref<16x1024xf32, #tpu.memory_space<vmem>>, vector<16x1024xf32>
      %swap3A_38 = arith.constant 0 : index
      %swap3A_39 = arith.constant 0 : index
      %swap3A_40 = vector.load %arg5[%swap3A_38, %swap3A_39] : memref<16x1024xf32, #tpu.memory_space<vmem>>, vector<16x1024xf32>
      tpu.vector_store %arg5[%swap3A_38, %swap3A_39], %get3A_37 {strides = array<i32>} : memref<16x1024xf32, #tpu.memory_space<vmem>>, vector<16x1024xf32>,
    } else {
    }
    return
  }
  func.func @transform_0(%arg0: i32) -> (i32, i32) {
    %c0_i32 = arith.constant 0 : i32
    %c0_i32_0 = arith.constant 0 : i32
    return %c0_i32, %arg0 : i32, i32
  }
  func.func @transform_1(%arg0: i32) -> (i32, i32) {
    %c0_i32 = arith.constant 0 : i32
    %c0_i32_0 = arith.constant 0 : i32
    return %arg0, %c0_i32 : i32, i32
  }
  func.func @transform_2(%arg0: i32) -> (i32, i32) {
    %c0_i32 = arith.constant 0 : i32
    %c0_i32_0 = arith.constant 0 : i32
    %c0_i32_1 = arith.constant 0 : i32
    return %c0_i32, %c0_i32_0 : i32, i32
  }
  func.func @transform_3(%arg0: i32) -> (i32, i32) {
    %c0_i32 = arith.constant 0 : i32
    %c0_i32_0 = arith.constant 0 : i32
    %c0_i32_1 = arith.constant 0 : i32
    return %c0_i32, %c0_i32_0 : i32, i32
  }
  func.func @transform_4(%arg0: i32) -> (i32, i32) {
    %c0_i32 = arith.constant 0 : i32
    %c0_i32_0 = arith.constant 0 : i32
    %c0_i32_1 = arith.constant 0 : i32
    return %c0_i32, %c0_i32_0 : i32, i32
  }
}

module attributes {stable_mosaic.version = 14 : i64} {
  func.func @_finish_body(%arg0: memref<16x1024xf32, #tpu.memory_space<vmem>>, %arg1: memref<2x128xf32, #tpu.memory_space<vmem>>, %arg2: memref<1024x512xf32, #tpu.memory_space<vmem>>, %arg3: memref<1x512xf32, #tpu.memory_space<vmem>>, %arg4: memref<512x128xf32, #tpu.memory_space<vmem>>, %arg5: memref<1x128xf32, #tpu.memory_space<vmem>>, %arg6: memref<16x128xf32, #tpu.memory_space<vmem>>) attributes {dimension_semantics = [], scalar_prefetch = 0 : i64, scratch_operands = 0 : i64, tpu.core_type = #tpu.core_type<tc>} {
    %get3A = arith.constant 0 : index
    %get3A_0 = arith.constant 0 : index
    %get3A_1 = vector.load %arg1[%get3A, %get3A_0] : memref<2x128xf32, #tpu.memory_space<vmem>>, vector<1x128xf32>
    %get3A_2 = arith.constant 1 : index
    %get3A_3 = arith.constant 0 : index
    %get3A_4 = vector.load %arg1[%get3A_2, %get3A_3] : memref<2x128xf32, #tpu.memory_space<vmem>>, vector<1x128xf32>
    %add3A = arith.addf %get3A_1, %get3A_4 : vector<1x128xf32>
    %iota3A = tpu.iota {dimensions = array<i32: 0>} : vector<16x128xi32>
    %iota3A_5 = tpu.iota {dimensions = array<i32: 1>} : vector<16x128xi32>
    %eq3A = arith.cmpi eq, %iota3A, %iota3A_5 : vector<16x128xi32>
    %convert_element_type3A = arith.extui %eq3A : vector<16x128xi1> to vector<16x128xi32>
    %convert_element_type3A_6 = arith.sitofp %convert_element_type3A : vector<16x128xi32> to vector<16x128xf32>
    %dot_general3A = arith.constant dense<0.000000e+00> : vector<16x1xf32>
    %dot_general3A_7 = tpu.matmul %convert_element_type3A_6, %add3A, %dot_general3A {dimension_numbers = #tpu.dot_dimension_numbers<[1], [1], [0], [0], [0, 0, 1, 0], [], []>, transpose_lhs_hint = false} : vector<16x128xf32>, vector<1x128xf32>, vector<16x1xf32> -> vector<16x1xf32>
    %max3A = arith.constant 1.000000e+00 : f32
    %max3A_8 = vector.broadcast %max3A : f32 to vector<16x1xf32>
    %max3A_9 = arith.maximumf %dot_general3A_7, %max3A_8 : vector<16x1xf32>
    %get3A_10 = arith.constant 0 : index
    %get3A_11 = arith.constant 0 : index
    %get3A_12 = vector.load %arg0[%get3A_10, %get3A_11] : memref<16x1024xf32, #tpu.memory_space<vmem>>, vector<16x1024xf32>
    %get3A_13 = arith.constant 0 : index
    %get3A_14 = arith.constant 0 : index
    %get3A_15 = vector.load %arg2[%get3A_13, %get3A_14] : memref<1024x512xf32, #tpu.memory_space<vmem>>, vector<1024x512xf32>
    %dot_general3A_16 = arith.constant dense<0.000000e+00> : vector<16x512xf32>
    %dot_general3A_17 = tpu.matmul %get3A_12, %get3A_15, %dot_general3A_16 {dimension_numbers = #tpu.dot_dimension_numbers<[1], [0], [0], [1], [0, 0, 1, 1], [], []>, transpose_lhs_hint = false} : vector<16x1024xf32>, vector<1024x512xf32>, vector<16x512xf32> -> vector<16x512xf32>
    %div3A = vector.broadcast %max3A_9 : vector<16x1xf32> to vector<16x512xf32>
    %div3A_18 = arith.divf %dot_general3A_17, %div3A : vector<16x512xf32>
    %get3A_19 = arith.constant 0 : index
    %get3A_20 = arith.constant 0 : index
    %get3A_21 = vector.load %arg3[%get3A_19, %get3A_20] : memref<1x512xf32, #tpu.memory_space<vmem>>, vector<1x512xf32>
    %add3A_22 = vector.broadcast %get3A_21 : vector<1x512xf32> to vector<16x512xf32>
    %add3A_23 = arith.addf %div3A_18, %add3A_22 : vector<16x512xf32>
    %get3A_24 = arith.constant 0 : index
    %get3A_25 = arith.constant 0 : index
    %get3A_26 = vector.load %arg4[%get3A_24, %get3A_25] : memref<512x128xf32, #tpu.memory_space<vmem>>, vector<512x128xf32>
    %dot_general3A_27 = arith.constant dense<0.000000e+00> : vector<16x128xf32>
    %dot_general3A_28 = tpu.matmul %add3A_23, %get3A_26, %dot_general3A_27 {dimension_numbers = #tpu.dot_dimension_numbers<[1], [0], [0], [1], [0, 0, 1, 1], [], []>, transpose_lhs_hint = false} : vector<16x512xf32>, vector<512x128xf32>, vector<16x128xf32> -> vector<16x128xf32>
    %get3A_29 = arith.constant 0 : index
    %get3A_30 = arith.constant 0 : index
    %get3A_31 = vector.load %arg5[%get3A_29, %get3A_30] : memref<1x128xf32, #tpu.memory_space<vmem>>, vector<1x128xf32>
    %add3A_32 = vector.broadcast %get3A_31 : vector<1x128xf32> to vector<16x128xf32>
    %add3A_33 = arith.addf %dot_general3A_28, %add3A_32 : vector<16x128xf32>
    %swap3A = arith.constant 0 : index
    %swap3A_34 = arith.constant 0 : index
    %swap3A_35 = vector.load %arg6[%swap3A, %swap3A_34] : memref<16x128xf32, #tpu.memory_space<vmem>>, vector<16x128xf32>
    tpu.vector_store %arg6[%swap3A, %swap3A_34], %add3A_33 {strides = array<i32>} : memref<16x128xf32, #tpu.memory_space<vmem>>, vector<16x128xf32>,
    return
  }
}

</mosaic_0001>

<sc_bundles>
// kernel: kernel.5.cloned.1.call-start
scs
__scs_entry_jumppad:
0x0: {  	(pc) =	sbr.rel $0x88, $3  }
0x1: {  	(tag) =	ssettag $0x0;
	lr =	simm.s32 $0x1  }
0x2: {  	[smem:$0x3F99] =	sst lr;
	_ =	strace $0xD0000000  }
0x3: {  	_ = 	snop  }
0x4: {  	_ = 	snop  }
0x5: {  	_ = 	snop  }
0x6: {  	_ = 	snop  }
0x7: {  	_ = 	snop  }
__scs_overlays_trampoline_lowered:
0x8: {  	[smem:$0x3FA8] =	sst s0  }
0x9: {  	[smem:$0x3FA9] =	sst s1  }
0xa: {  	[smem:$0x3FAA] =	sst s2  }
0xb: {  	[smem:$0x3FAB] =	sst s3  }
0xc: {  	[smem:$0x3FAC] =	sst s4  }
0xd: {  	[smem:$0x3FAD] =	sst s5  }
0xe: {  	[smem:$0x3FAE] =	sst s6  }
0xf: {  	[smem:$0x3FAF] =	sst s7  }
0x10: {  	[smem:$0x3FB0] =	sst s8  }
0x11: {  	[smem:$0x3FB1] =	sst s9;
	s0 =	simm.s32 @!p0 $0x0  }
0x12: {  	s1 =	sld [smem:$0x3F97];
	s0 =	simm.s32 @p0 $0x1  }
0x13: {  	[smem:$0x3FB2] =	sst s0;
	s0 =	simm.s32 @!p1 $0x0  }
0x14: {  	s2 =	sld [smem:$0x3F96];
	s0 =	simm.s32 @p1 $0x1  }
0x15: {  	[smem:$0x3FB3] =	sst s0;
	s0 =	simm.s32 @!p2 $0x0  }
0x16: {  	s3 =	sld [smem:$0x3FDB];
	s0 =	simm.s32 @p2 $0x1  }
0x17: {  	s4 =	simm.s32 $0x1BF5;
	[smem:$0x3FB5] =	sst s0  }
0x18: {  	s0 =	sld [smem:$0x3F98];
	_ =	swait.ge [sflag:s4], $0x0  }
0x19: {  	s7 =	sld [smem:$0x3F99]  }
0x1a: {  	s8 =	sadd.s32 $0xFFFFE003, lr  }
0x1b: {  	s9 =	sadd.s32 $0xFFFFFEF7, lr;
	s5 =	simm.s32 $0xFFFFFFFF;
	p2 =	slt.u32 s8, $0xFFFFF086  }
0x1c: {  	p1 =	slt.u32 s9, $0xF7A;
	s5 =	simm.s32 @!p2 $0x0  }
0x1d: {  	s5 =	simm.s32 @p1 $0x1;
	p0 =	seq.s32 s7, s2  }
0x1e: {  	s7 =	smul.u32 @!p0 $0xF7A, s2;
	p2 =	seq.s32 @!p0 s5, $0x0  }
0x1f: {  	s9 =	smul.u32 $0xF7A, s1;
	s8 =	simm.s32 @!p0 $0x1BF5;
	p2 =	por !p2, p0  }
0x20: {  	[sflag:s8] =	ssyncset.s32 @!p0 $0xFFFFF086;
	s6 =	sadd.s32 @!p0 s3, s7;
	s7 =	simm.s32 @!p0 $0x108  }
0x21: {  	s3 =	sadd.s32 s3, s9;
	s6 =	sadd.s32 @!p0 $0x88, s6;
	s7 =	simm.s32 @p2 $0x1082  }
0x22: {  	[simem:s7], [sflag:s8] =	dma.local @!p0 [hbm:s6], $0xF7A  }
0x23: {  	s9 =	sor.u32 $0xD0000000, s2;
	s6 =	simm.s32 $0x108;
	_ =	swait.ge @!p0 [sflag:s8], $0x0  }
0x24: {  	s3 =	sadd.s32 $0x88, s3;
	s6 =	simm.s32 @!p1 $0x1082;
	[sflag:s4] =	ssyncset.s32 $0xFFFFF086  }
0x25: {  	[simem:s6], [sflag:s4] =	dma.local [hbm:s3], $0xF7A  }
0x26: {  	[smem:$0x3F99] =	sst s1;
	(tag) =	ssettag s2;
	_ =	strace s9  }
0x27: {  	s1 =	sld [smem:$0x3FA9]  }
0x28: {  	s2 =	sld [smem:$0x3FAA]  }
0x29: {  	s4 =	sld [smem:$0x3FAC]  }
0x2a: {  	p0 =	seq.s32 s5, $0x0;
	s5 =	sld [smem:$0x3FAD]  }
0x2b: {  	s6 =	sld [smem:$0x3FAE]  }
0x2c: {  	s7 =	sld [smem:$0x3FAF]  }
0x2d: {  	s3 =	simm.s32 $0x108;
	s8 =	sld [smem:$0x3FB0]  }
0x2e: {  	s3 =	simm.s32 @!p0 $0x1082;
	s9 =	sld [smem:$0x3FB1]  }
0x2f: {  	lr =	sadd.s32 s0, s3;
	s0 =	sld [smem:$0x3FA8]  }
0x30: {  	s3 =	sld [smem:$0x3FAB]  }
0x31: {  	[smem:$0x3FB4] =	sst s10  }
0x32: {  	s10 =	sld [smem:$0x3FB2];
	_ =	sdelay $0x3  }
0x33: {  	p0 =	seq.s32 s10, $0x1;
	s10 =	sld [smem:$0x3FB4];
	_ =	sdelay $0x3  }
0x34: {  	[smem:$0x3FB4] =	sst s10  }
0x35: {  	s10 =	sld [smem:$0x3FB3];
	_ =	sdelay $0x3  }
0x36: {  	p1 =	seq.s32 s10, $0x1;
	s10 =	sld [smem:$0x3FB4];
	_ =	sdelay $0x3  }
0x37: {  	[smem:$0x3FB4] =	sst s10  }
0x38: {  	s10 =	sld [smem:$0x3FB5]  }
0x39: {  	_ = 	snop;
	(pc) =	sbr.ind lr, $3  }
0x3a: {  	_ = 	snop  }
0x3b: {  	_ = 	snop  }
0x3c: {  	p2 =	seq.s32 s10, $0x1;
	s10 =	sld [smem:$0x3FB4]  }
0x3d: {  	_ =	shalt  }
0x3e: {  	_ =	shalt  }
0x3f: {  	_ =	shalt  }
0x40: {  	_ =	shalt  }
0x41: {  	_ =	shalt  }
0x42: {  	_ =	shalt  }
0x43: {  	_ =	shalt  }
0x44: {  	_ =	shalt  }
0x45: {  	_ =	shalt  }
0x46: {  	_ =	shalt  }
0x47: {  	_ =	shalt  }
0x48: {  	_ =	shalt  }
0x49: {  	_ =	shalt  }
0x4a: {  	_ =	shalt  }
0x4b: {  	_ =	shalt  }
0x4c: {  	_ =	shalt  }
0x4d: {  	_ =	shalt  }
0x4e: {  	_ =	shalt  }
0x4f: {  	_ =	shalt  }
0x50: {  	_ =	shalt  }
0x51: {  	_ =	shalt  }
0x52: {  	_ =	shalt  }
0x53: {  	_ =	shalt  }
0x54: {  	_ =	shalt  }
0x55: {  	_ =	shalt  }
0x56: {  	_ =	shalt  }
0x57: {  	_ =	shalt  }
0x58: {  	_ =	shalt  }
0x59: {  	_ =	shalt  }
0x5a: {  	_ =	shalt  }
0x5b: {  	_ =	shalt  }
0x5c: {  	_ =	shalt  }
0x5d: {  	_ =	shalt  }
0x5e: {  	_ =	shalt  }
0x5f: {  	_ =	shalt  }
0x60: {  	_ =	shalt  }
0x61: {  	_ =	shalt  }
0x62: {  	_ =	shalt  }
0x63: {  	_ =	shalt  }
0x64: {  	_ =	shalt  }
0x65: {  	_ =	shalt  }
0x66: {  	_ =	shalt  }
0x67: {  	_ =	shalt  }
0x68: {  	_ =	shalt  }
0x69: {  	_ =	shalt  }
0x6a: {  	_ =	shalt  }
0x6b: {  	_ =	shalt  }
0x6c: {  	_ =	shalt  }
0x6d: {  	_ =	shalt  }
0x6e: {  	_ =	shalt  }
0x6f: {  	_ =	shalt  }
0x70: {  	_ =	shalt  }
0x71: {  	_ =	shalt  }
0x72: {  	_ =	shalt  }
0x73: {  	_ =	shalt  }
0x74: {  	_ =	shalt  }
0x75: {  	_ =	shalt  }
0x76: {  	_ =	shalt  }
0x77: {  	_ =	shalt  }
0x78: {  	_ =	shalt  }
0x79: {  	_ =	shalt  }
0x7a: {  	_ =	shalt  }
0x7b: {  	_ =	shalt  }
0x7c: {  	_ =	shalt  }
0x7d: {  	_ =	shalt  }
0x7e: {  	_ =	shalt  }
0x7f: {  	_ =	shalt  }
0x80: {  	_ =	shalt  }
0x81: {  	_ =	shalt  }
0x82: {  	_ =	shalt  }
0x83: {  	_ =	shalt  }
0x84: {  	_ =	shalt  }
0x85: {  	_ =	shalt  }
0x86: {  	_ =	shalt  }
0x87: {  	_ =	shalt  }
.Lfunc_end0:
.L_simem_size_0:
called_computation_lowered:
.L_overlay_start_0:
0x88: {  	s2 =	sld [smem:$0x3FD9]  }
0x89: {  	s3 =	sld [smem:$0x3FFE];
	_ =	sdelay $0x1  }
0x8a: {  	s1 =	srdreg.scid  }
0x8b: {  	s0 =	sand.u32 $0x1, s1  }
0x8c: {  	s17 =	sshll.u32 s0, $0xA;
	s2 =	sadd.s32 s3, s2  }
0x8d: {  	s2 =	sadd.s32 s2, s17  }
0x8e: {  	[smem:$0x3FC0] =	sst s2  }
0x8f: {  	_ = 	snop  }
0x90: {  	s2 =	sld [smem:$0x3FC8]  }
0x91: {  	s18 =	sld [smem:$0x3FD0];
	(tm) =	ssettm $0x1  }
0x92: {  	s4 =	sld [smem:$0x3FFB];
	_ =	sdelay $0x3  }
0x93: {  	_ =	strace s4  }
0x94: {  	s4 =	sld [smem:$0x3FFC];
	_ =	sdelay $0x3  }
0x95: {  	_ =	strace s4  }
0x96: {  	s4 =	sld [smem:$0x3FFD];
	_ =	sdelay $0x3  }
0x97: {  	_ =	strace s4  }
0x98: {  	_ =	strace $0x8FFFFFFF  }
0x99: {  	s19 =	sld [smem:$0x3FDB];
	_ =	sdelay $0x1  }
0x9a: {  	s5 =	simm.s32 $_scs_section_size  }
0x9b: {  	s6 =	simm.s32 $_size__tile_overlayer_lowered;
	s7 =	simm.s32 $_tile_overlayer_lowered  }
0x9c: {  	s22 =	simm.s32 $0x1BFF;
	s21 =	sshll.u32 s7, $0x1;
	s4 =	sadd.s32 s5, s19  }
0x9d: {  	s8 =	simm.s32 $0x0;
	s20 =	sshll.u32 s6, $0x1;
	s6 =	sadd.s32 s21, s4  }
0x9e: {  	[timem:s8], [sflag:s22] =	dma.local [hbm:s6], s20  }
0x9f: {  	_ =	swait.ge [sflag:s22], s20  }
0xa0: {  	s5 =	ssub.s32 $0x0, s20;
	[sflag:s22] =	ssyncset.done $0x0  }
0xa1: {  	[sflag:s22] =	ssyncadd.s32 s5;
	_ =	sdelay $0x1  }
0xa2: {  	s23 =	simm.s32 $0x1B8B  }
0xa3: {  	_ =	swait.ge [sflag:s23], $0x1  }
0xa4: {  	[sflag:s23] =	ssyncset.done $0x0  }
0xa5: {  	s25 =	simm.s32 $0x1B8E;
	s24 =	sld [smem:$0x3FFE];
	[sflag:s23] =	ssyncadd.s32 $0xFFFFFFFF  }
0xa6: {  	s26 =	simm.s32 $execute0_lowered;
	[smem:$0x3FD2] =	sst s25  }
0xa7: {  	s6 =	sshll.u32 s26, $0x1;
	_ =	strace $0x80000046;
	[dreg:$0x1] =	wrdreg $0xFFFFFFFF  }
0xa8: {  	s28 =	simm.s32 $_size_execute0_lowered;
	s4 =	sadd.s32 s4, s6;
	[dreg:$0x0] =	wrdreg $0x0  }
0xa9: {  	s6 =	sshll.u32 s28, $0x1;
	[dreg:$0x2] =	wrdreg s4  }
0xaa: {  	[dreg:$0x3] =	wrdreg s6  }
0xab: {  	[dreg:$0x4] =	wrdreg $0xC0  }
0xac: {  	_ =	task [dreg:s8], $0x5FFFF  }
0xad: {  	[dreg:$0x1] =	wrdreg $0xFFFFFFFF  }
0xae: {  	[dreg:$0x0] =	wrdreg $0x60  }
0xaf: {  	[dreg:$0x2] =	wrdreg s2  }
0xb0: {  	[dreg:$0x3] =	wrdreg s18  }
0xb1: {  	[dreg:$0x4] =	wrdreg s24  }
0xb2: {  	[dreg:$0x5] =	wrdreg $0x9000  }
0xb3: {  	[dreg:$0x6] =	wrdreg $0x9  }
0xb4: {  	_ =	task.clear_ibuf [dreg:s8], $0x7FFFF;
	_ =	strace $0x90000046  }
0xb5: {  	s29 =	simm.s32 $0x9;
	_ =	strace $0x80000048  }
0xb6: {  	_ =	swait.ge [sflag:s29], $0x1  }
0xb7: {  	[sflag:s29] =	ssyncadd.s32 $0xFFFFFFFF  }
0xb8: {  	_ =	strace $0x90000048  }
0xb9: {  	_ =	sfence  }
0xba: {  	s30 =	sld [smem:$0x0];
	_ =	sdelay $0x2  }
0xbb: {  	s31 =	sshll.u32 s1, $0xD;
	s1 =	sshrl.u32 s1, $0x2  }
0xbc: {  	s3 =	sand.u32 $0x4000, s31;
	s1 =	sadd.s32 s1, s30  }
0xbd: {  	s0 =	sor.u32 s3, s0;
	s1 =	sshll.u32 s1, $0x11  }
0xbe: {  	s0 =	sor.u32 s1, s0  }
0xbf: {  	s0 =	sadd.s32 $0x8F2B, s0  }
0xc0: {  	[sflag:s0] =	ssyncadd.remote.s32 $0x1  }
0xc1: {  	_ =	sfence.sel $0xFFFF  }
0xc2: {  	[dreg:$0x0] =	wrdreg $0xFFFFFFFF;
	(pc) =	sbr.abs _section_cstart, $3  }
0xc3: {  	[dreg:$0x1] =	wrdreg $0xFFFFFFFF  }
0xc4: {  	_ =	task.clear_ibuf [dreg:s8], $0x2FFFF;
	_ =	strace $0x9FFFFFFF  }
0xc5: {  	(tm) =	ssettm $0x7FFFFFFF  }
tec
execute0_lowered:
.L_overlay_start_1:
0x0: {  	(tag) =	ssettag $0x1  }
0x1: {  	s5 =	rddreg [dreg:$0x0]  }
0x2: {  	s1 =	rddreg [dreg:$0x1]  }
0x3: {  	s6 =	rddreg [dreg:$0x2]  }
0x4: {  	s2 =	rddreg [dreg:$0x3]  }
0x5: {  	s0 =	rddreg [dreg:$0x4]  }
0x6: {  	s3 =	simm.s32 $0x0;
	s4 =	srdreg.scid;
	s24 =	stileid.u32  }
0x7: {  	s26 =	simm.s32 $0x400;
	s28 =	simm.s32 $0x800;
	s29 =	simm.s32 $0x880  }
0x8: {  	[smem:$0x7FF] =	sst s3;
	s7 =	sand.u32 $0x1, s4;
	s4 =	sadd.s32 $0x1400, s6  }
0x9: {  	s31 =	sshll.u32 s24, $0x7;
	s10 =	sadd.s32 $0x600, s2;
	s11 =	sadd.s32 $0x580, s2  }
0xa: {  	s12 =	sadd.s32 $0x500, s2;
	s13 =	sadd.s32 $0x480, s2;
	s14 =	sadd.s32 $0x400, s2  }
0xb: {  	s15 =	sadd.s32 $0x380, s2;
	s16 =	sadd.s32 $0x300, s2;
	s17 =	sadd.s32 $0x280, s2  }
0xc: {  	s18 =	sadd.s32 $0x200, s2;
	s19 =	sadd.s32 $0x180, s2;
	s20 =	sadd.s32 $0x100, s2  }
0xd: {  	s21 =	sadd.s32 $0x80, s2;
	s25 =	sshll.u32 s24, $0x6;
	p0 =	sne.s32 s24, $0x0  }
0xe: {  	s24 =	simm.s32 $0x1;
	_ =	strace $0x80000047;
	s8 =	sshll.u32 s7, $0x4  }
.Ltmp0:
0xf: {  	s30 =	ssub.s32 $0x2, s7;
	s7 =	sshll.u32 s7, $0xB;
	(pc) =	sbr.rel .LBB2_1-.Ltmp0, $4  }
0x10: {  	s5 =	sadd.s32 s5, s31;
	s25 =	sor.u32 $0x1C01, s25;
	s22 =	sadd.s32 s8, s6  }
0x11: {  	s9 =	sshrl.u32 s30, $0x1;
	s5 =	sadd.s32 s7, s5;
	s6 =	sadd.s32 s31, s2  }
0x12: {  	s7 =	sadd.s32 $0x780, s2;
	s8 =	sadd.s32 $0x700, s2;
	s23 =	ssub.s32 s30, s9  }
0x13: {  	s9 =	sadd.s32 $0x680, s2;
	s22 =	sadd.s32 $0x1600, s22;
	s23 =	smax.u32 s23, $0x1  }
.LBB2_3:
0x14: {  	s23 =	sadd.s32 $0xFFFFFFFF, s23  }
0x15: {  	p1 =	sne.s32 s23, $0x0  }
.Ltmp1:
0x16: {  	_ = 	snop;
	(pc) =	sbr.rel @!p1 .LBB2_4-.Ltmp1, $1  }
0x17: {  	_ =	sdelay $0x3  }
.LBB2_1:
0x18: {  	[tilespmem:s3], [sflag:$0x1] =	stream.linear.gather [hbm4b:s5+s3], $0x400, $0x38;
	[tilespmem:$0x980] =	vst v63  }
0x19: {  	_ =	swait.ge [sflag:s24], $0x400  }
0x1a: {  	[sflag:s24] =	ssyncset.done $0x0  }
0x1b: {  	[sflag:s24] =	ssyncadd.s32 $0xFFFFFC00  }
0x1c: {  	[tilespmem:s26], [sflag:$0x1] =	stream.linear.gather [hbm4b:s1+s3], $0x400, $0x38;
	[tilespmem:$0x980] =	vst v63  }
0x1d: {  	_ =	swait.ge [sflag:s24], $0x400  }
0x1e: {  	[sflag:s24] =	ssyncset.done $0x0  }
0x1f: {  	s30 =	sshrl.u32 s6, $0x3;
	[sflag:s24] =	ssyncadd.s32 $0xFFFFFC00  }
0x20: {  	[spmem:s30], [sflag:s25] =	dma.local [hbm:s4], $0x10  }
0x21: {  	_ =	swait.ge [sflag:s24], $0x10  }
0x22: {  	[sflag:s24] =	ssyncset.done $0x0  }
0x23: {  	[sflag:s24] =	ssyncadd.s32 $0xFFFFFFF0  }
0x24: {  	[spmem:s6] =	stream.indirect.scatter.add.f32 [tilespmem:s26], [sflag:$0x1], $0x1, s3, s26, $0xb8;
	[tilespmem:$0x980] =	vst v63  }
.Ltmp2:
0x25: {  	_ =	swait.ge [sflag:s24], $0x400;
	(pc) =	sbr.rel @p0 .LBB2_3-.Ltmp2, $3  }
0x26: {  	[sflag:s24] =	ssyncset.done $0x0  }
0x27: {  	[sflag:s24] =	ssyncadd.s32 $0xFFFFFC00  }
0x28: {  	[bflag:$0x0] =	sbarrier.arrive $0xFFFF;
	_ =	sdelay $0x1  }
0x29: {  	[tilespmem:s28], [sflag:$0x1] =	stream.linear.gather [hbm4b:s4+s3], $0x80, $0x38;
	[tilespmem:$0x980] =	vst v63  }
0x2a: {  	_ =	swait.ge [sflag:s24], $0x80  }
0x2b: {  	[sflag:s24] =	ssyncset.done $0x0  }
0x2c: {  	[sflag:s24] =	ssyncadd.s32 $0xFFFFFF80  }
0x2d: {  	[tilespmem:s29], [sflag:$0x1] =	stream.linear.gather [spmem:s7], $0x80, $0x38;
	[tilespmem:$0x980] =	vst v63  }
0x2e: {  	_ =	swait.ge [sflag:s24], $0x80  }
0x2f: {  	[sflag:s24] =	ssyncset.done $0x0  }
0x30: {  	[sflag:s24] =	ssyncadd.s32 $0xFFFFFF80  }
0x31: {  	v0 =	vld [tilespmem:$0x800]  }
0x32: {  	v1 =	vld [tilespmem:$0x880]  }
0x33: {  	v2 =	vld [tilespmem:$0x810]  }
0x34: {  	v3 =	vld [tilespmem:$0x890]  }
0x35: {  	v4 =	vld [tilespmem:$0x820]  }
0x36: {  	v5 =	vld [tilespmem:$0x8A0]  }
0x37: {  	v6 =	vld [tilespmem:$0x830]  }
0x38: {  	v7 =	vld [tilespmem:$0x8B0]  }
0x39: {  	v8 =	vld [tilespmem:$0x840]  }
0x3a: {  	v9 =	vld [tilespmem:$0x8C0]  }
0x3b: {  	v10 =	vld [tilespmem:$0x850]  }
0x3c: {  	v11 =	vld [tilespmem:$0x8D0]  }
0x3d: {  	v12 =	vld [tilespmem:$0x860]  }
0x3e: {  	v20 =	vld [tilespmem:$0x8E0];
	v0 =	vadd.f32 v1, v0  }
0x3f: {  	v21 =	vld [tilespmem:$0x870];
	v2 =	vadd.f32 v3, v2  }
0x40: {  	v23 =	vld [tilespmem:$0x8F0];
	v22 =	vadd.f32 v5, v4;
	[tilespmem:$0x800] =	vst v0  }
0x41: {  	v24 =	vadd.f32 v7, v6;
	[tilespmem:$0x810] =	vst v2  }
0x42: {  	v25 =	vadd.f32 v9, v8;
	[tilespmem:$0x820] =	vst v22  }
0x43: {  	v26 =	vadd.f32 v11, v10;
	[tilespmem:$0x830] =	vst v24  }
0x44: {  	v27 =	vadd.f32 v20, v12;
	[tilespmem:$0x840] =	vst v25  }
0x45: {  	v28 =	vadd.f32 v23, v21;
	[tilespmem:$0x850] =	vst v26  }
0x46: {  	[tilespmem:$0x860] =	vst v27  }
0x47: {  	[tilespmem:$0x870] =	vst v28  }
0x48: {  	[tilespmem:s29], [sflag:$0x1] =	stream.linear.gather [spmem:s8], $0x80, $0x38;
	[tilespmem:$0x980] =	vst v63  }
0x49: {  	_ =	swait.ge [sflag:s24], $0x80  }
0x4a: {  	[sflag:s24] =	ssyncset.done $0x0  }
0x4b: {  	[sflag:s24] =	ssyncadd.s32 $0xFFFFFF80  }
0x4c: {  	v29 =	vld [tilespmem:$0x800]  }
0x4d: {  	v30 =	vld [tilespmem:$0x880]  }
0x4e: {  	v31 =	vld [tilespmem:$0x810]  }
0x4f: {  	v32 =	vld [tilespmem:$0x890]  }
0x50: {  	v33 =	vld [tilespmem:$0x820]  }
0x51: {  	v34 =	vld [tilespmem:$0x8A0]  }
0x52: {  	v35 =	vld [tilespmem:$0x830]  }
0x53: {  	v36 =	vld [tilespmem:$0x8B0]  }
0x54: {  	v37 =	vld [tilespmem:$0x840]  }
0x55: {  	v38 =	vld [tilespmem:$0x8C0]  }
0x56: {  	v39 =	vld [tilespmem:$0x850]  }
0x57: {  	v40 =	vld [tilespmem:$0x8D0]  }
0x58: {  	v41 =	vld [tilespmem:$0x860]  }
0x59: {  	v42 =	vld [tilespmem:$0x8E0];
	v0 =	vadd.f32 v30, v29  }
0x5a: {  	v43 =	vld [tilespmem:$0x870];
	v2 =	vadd.f32 v32, v31  }
0x5b: {  	v45 =	vld [tilespmem:$0x8F0];
	v44 =	vadd.f32 v34, v33;
	[tilespmem:$0x800] =	vst v0  }
0x5c: {  	v46 =	vadd.f32 v36, v35;
	[tilespmem:$0x810] =	vst v2  }
0x5d: {  	v47 =	vadd.f32 v38, v37;
	[tilespmem:$0x820] =	vst v44  }
0x5e: {  	v48 =	vadd.f32 v40, v39;
	[tilespmem:$0x830] =	vst v46  }
0x5f: {  	v49 =	vadd.f32 v42, v41;
	[tilespmem:$0x840] =	vst v47  }
0x60: {  	v50 =	vadd.f32 v45, v43;
	[tilespmem:$0x850] =	vst v48  }
0x61: {  	[tilespmem:$0x860] =	vst v49  }
0x62: {  	[tilespmem:$0x870] =	vst v50  }
0x63: {  	[tilespmem:s29], [sflag:$0x1] =	stream.linear.gather [spmem:s9], $0x80, $0x38;
	[tilespmem:$0x980] =	vst v63  }
0x64: {  	_ =	swait.ge [sflag:s24], $0x80  }
0x65: {  	[sflag:s24] =	ssyncset.done $0x0  }
0x66: {  	[sflag:s24] =	ssyncadd.s32 $0xFFFFFF80  }
0x67: {  	v51 =	vld [tilespmem:$0x800]  }
0x68: {  	v52 =	vld [tilespmem:$0x880]  }
0x69: {  	v53 =	vld [tilespmem:$0x810]  }
0x6a: {  	v54 =	vld [tilespmem:$0x890]  }
0x6b: {  	v55 =	vld [tilespmem:$0x820]  }
0x6c: {  	v56 =	vld [tilespmem:$0x8A0]  }
0x6d: {  	v57 =	vld [tilespmem:$0x830]  }
0x6e: {  	v58 =	vld [tilespmem:$0x8B0]  }
0x6f: {  	v59 =	vld [tilespmem:$0x840]  }
0x70: {  	v60 =	vld [tilespmem:$0x8C0]  }
0x71: {  	v61 =	vld [tilespmem:$0x850]  }
0x72: {  	v62 =	vld [tilespmem:$0x8D0]  }
0x73: {  	v63 =	vld [tilespmem:$0x860]  }
0x74: {  	v16 =	vld [tilespmem:$0x8E0];
	v0 =	vadd.f32 v52, v51  }
0x75: {  	v17 =	vld [tilespmem:$0x870];
	v2 =	vadd.f32 v54, v53  }
0x76: {  	v19 =	vld [tilespmem:$0x8F0];
	v18 =	vadd.f32 v56, v55;
	[tilespmem:$0x800] =	vst v0  }
0x77: {  	v20 =	vadd.f32 v58, v57;
	[tilespmem:$0x810] =	vst v2  }
0x78: {  	v21 =	vadd.f32 v60, v59;
	[tilespmem:$0x820] =	vst v18  }
0x79: {  	v22 =	vadd.f32 v62, v61;
	[tilespmem:$0x830] =	vst v20  }
0x7a: {  	v23 =	vadd.f32 v16, v63;
	[tilespmem:$0x840] =	vst v21  }
0x7b: {  	v24 =	vadd.f32 v19, v17;
	[tilespmem:$0x850] =	vst v22  }
0x7c: {  	[tilespmem:$0x860] =	vst v23  }
0x7d: {  	[tilespmem:$0x870] =	vst v24  }
0x7e: {  	[tilespmem:s29], [sflag:$0x1] =	stream.linear.gather [spmem:s10], $0x80, $0x38;
	[tilespmem:$0x980] =	vst v63  }
0x7f: {  	_ =	swait.ge [sflag:s24], $0x80  }
0x80: {  	[sflag:s24] =	ssyncset.done $0x0  }
0x81: {  	[sflag:s24] =	ssyncadd.s32 $0xFFFFFF80  }
0x82: {  	v25 =	vld [tilespmem:$0x800]  }
0x83: {  	v26 =	vld [tilespmem:$0x880]  }
0x84: {  	v27 =	vld [tilespmem:$0x810]  }
0x85: {  	v28 =	vld [tilespmem:$0x890]  }
0x86: {  	v29 =	vld [tilespmem:$0x820]  }
0x87: {  	v30 =	vld [tilespmem:$0x8A0]  }
0x88: {  	v31 =	vld [tilespmem:$0x830]  }
0x89: {  	v32 =	vld [tilespmem:$0x8B0]  }
0x8a: {  	v33 =	vld [tilespmem:$0x840]  }
0x8b: {  	v34 =	vld [tilespmem:$0x8C0]  }
0x8c: {  	v35 =	vld [tilespmem:$0x850]  }
0x8d: {  	v36 =	vld [tilespmem:$0x8D0]  }
0x8e: {  	v37 =	vld [tilespmem:$0x860]  }
0x8f: {  	v38 =	vld [tilespmem:$0x8E0];
	v0 =	vadd.f32 v26, v25  }
0x90: {  	v39 =	vld [tilespmem:$0x870];
	v2 =	vadd.f32 v28, v27  }
0x91: {  	v41 =	vld [tilespmem:$0x8F0];
	v40 =	vadd.f32 v30, v29;
	[tilespmem:$0x800] =	vst v0  }
0x92: {  	v42 =	vadd.f32 v32, v31;
	[tilespmem:$0x810] =	vst v2  }
0x93: {  	v43 =	vadd.f32 v34, v33;
	[tilespmem:$0x820] =	vst v40  }
0x94: {  	v44 =	vadd.f32 v36, v35;
	[tilespmem:$0x830] =	vst v42  }
0x95: {  	v45 =	vadd.f32 v38, v37;
	[tilespmem:$0x840] =	vst v43  }
0x96: {  	v46 =	vadd.f32 v41, v39;
	[tilespmem:$0x850] =	vst v44  }
0x97: {  	[tilespmem:$0x860] =	vst v45  }
0x98: {  	[tilespmem:$0x870] =	vst v46  }
0x99: {  	[tilespmem:s29], [sflag:$0x1] =	stream.linear.gather [spmem:s11], $0x80, $0x38;
	[tilespmem:$0x980] =	vst v63  }
0x9a: {  	_ =	swait.ge [sflag:s24], $0x80  }
0x9b: {  	[sflag:s24] =	ssyncset.done $0x0  }
0x9c: {  	[sflag:s24] =	ssyncadd.s32 $0xFFFFFF80  }
0x9d: {  	v47 =	vld [tilespmem:$0x800]  }
0x9e: {  	v48 =	vld [tilespmem:$0x880]  }
0x9f: {  	v49 =	vld [tilespmem:$0x810]  }
0xa0: {  	v50 =	vld [tilespmem:$0x890]  }
0xa1: {  	v51 =	vld [tilespmem:$0x820]  }
0xa2: {  	v52 =	vld [tilespmem:$0x8A0]  }
0xa3: {  	v53 =	vld [tilespmem:$0x830]  }
0xa4: {  	v54 =	vld [tilespmem:$0x8B0]  }
0xa5: {  	v55 =	vld [tilespmem:$0x840]  }
0xa6: {  	v56 =	vld [tilespmem:$0x8C0]  }
0xa7: {  	v57 =	vld [tilespmem:$0x850]  }
0xa8: {  	v58 =	vld [tilespmem:$0x8D0]  }
0xa9: {  	v59 =	vld [tilespmem:$0x860]  }
0xaa: {  	v60 =	vld [tilespmem:$0x8E0];
	v0 =	vadd.f32 v48, v47  }
0xab: {  	v61 =	vld [tilespmem:$0x870];
	v2 =	vadd.f32 v50, v49  }
0xac: {  	v63 =	vld [tilespmem:$0x8F0];
	v62 =	vadd.f32 v52, v51;
	[tilespmem:$0x800] =	vst v0  }
0xad: {  	v7 =	vadd.f32 v54, v53;
	[tilespmem:$0x810] =	vst v2  }
0xae: {  	v13 =	vadd.f32 v56, v55;
	[tilespmem:$0x820] =	vst v62  }
0xaf: {  	v14 =	vadd.f32 v58, v57;
	[tilespmem:$0x830] =	vst v7  }
0xb0: {  	v15 =	vadd.f32 v60, v59;
	[tilespmem:$0x840] =	vst v13  }
0xb1: {  	v16 =	vadd.f32 v63, v61;
	[tilespmem:$0x850] =	vst v14  }
0xb2: {  	[tilespmem:$0x860] =	vst v15  }
0xb3: {  	[tilespmem:$0x870] =	vst v16  }
0xb4: {  	[tilespmem:s29], [sflag:$0x1] =	stream.linear.gather [spmem:s12], $0x80, $0x38;
	[tilespmem:$0x980] =	vst v63  }
0xb5: {  	_ =	swait.ge [sflag:s24], $0x80  }
0xb6: {  	[sflag:s24] =	ssyncset.done $0x0  }
0xb7: {  	[sflag:s24] =	ssyncadd.s32 $0xFFFFFF80  }
0xb8: {  	v17 =	vld [tilespmem:$0x800]  }
0xb9: {  	v18 =	vld [tilespmem:$0x880]  }
0xba: {  	v19 =	vld [tilespmem:$0x810]  }
0xbb: {  	v20 =	vld [tilespmem:$0x890]  }
0xbc: {  	v21 =	vld [tilespmem:$0x820]  }
0xbd: {  	v22 =	vld [tilespmem:$0x8A0]  }
0xbe: {  	v23 =	vld [tilespmem:$0x830]  }
0xbf: {  	v24 =	vld [tilespmem:$0x8B0]  }
0xc0: {  	v25 =	vld [tilespmem:$0x840]  }
0xc1: {  	v26 =	vld [tilespmem:$0x8C0]  }
0xc2: {  	v27 =	vld [tilespmem:$0x850]  }
0xc3: {  	v28 =	vld [tilespmem:$0x8D0]  }
0xc4: {  	v29 =	vld [tilespmem:$0x860]  }
0xc5: {  	v30 =	vld [tilespmem:$0x8E0];
	v0 =	vadd.f32 v18, v17  }
0xc6: {  	v31 =	vld [tilespmem:$0x870];
	v2 =	vadd.f32 v20, v19  }
0xc7: {  	v33 =	vld [tilespmem:$0x8F0];
	v32 =	vadd.f32 v22, v21;
	[tilespmem:$0x800] =	vst v0  }
0xc8: {  	v34 =	vadd.f32 v24, v23;
	[tilespmem:$0x810] =	vst v2  }
0xc9: {  	v35 =	vadd.f32 v26, v25;
	[tilespmem:$0x820] =	vst v32  }
0xca: {  	v36 =	vadd.f32 v28, v27;
	[tilespmem:$0x830] =	vst v34  }
0xcb: {  	v37 =	vadd.f32 v30, v29;
	[tilespmem:$0x840] =	vst v35  }
0xcc: {  	v38 =	vadd.f32 v33, v31;
	[tilespmem:$0x850] =	vst v36  }
0xcd: {  	[tilespmem:$0x860] =	vst v37  }
0xce: {  	[tilespmem:$0x870] =	vst v38  }
0xcf: {  	[tilespmem:s29], [sflag:$0x1] =	stream.linear.gather [spmem:s13], $0x80, $0x38;
	[tilespmem:$0x980] =	vst v63  }
0xd0: {  	_ =	swait.ge [sflag:s24], $0x80  }
0xd1: {  	[sflag:s24] =	ssyncset.done $0x0  }
0xd2: {  	[sflag:s24] =	ssyncadd.s32 $0xFFFFFF80  }
0xd3: {  	v39 =	vld [tilespmem:$0x800]  }
0xd4: {  	v40 =	vld [tilespmem:$0x880]  }
0xd5: {  	v41 =	vld [tilespmem:$0x810]  }
0xd6: {  	v42 =	vld [tilespmem:$0x890]  }
0xd7: {  	v43 =	vld [tilespmem:$0x820]  }
0xd8: {  	v44 =	vld [tilespmem:$0x8A0]  }
0xd9: {  	v45 =	vld [tilespmem:$0x830]  }
0xda: {  	v46 =	vld [tilespmem:$0x8B0]  }
0xdb: {  	v47 =	vld [tilespmem:$0x840]  }
0xdc: {  	v48 =	vld [tilespmem:$0x8C0]  }
0xdd: {  	v49 =	vld [tilespmem:$0x850]  }
0xde: {  	v50 =	vld [tilespmem:$0x8D0]  }
0xdf: {  	v51 =	vld [tilespmem:$0x860]  }
0xe0: {  	v52 =	vld [tilespmem:$0x8E0];
	v0 =	vadd.f32 v40, v39  }
0xe1: {  	v53 =	vld [tilespmem:$0x870];
	v2 =	vadd.f32 v42, v41  }
0xe2: {  	v55 =	vld [tilespmem:$0x8F0];
	v54 =	vadd.f32 v44, v43;
	[tilespmem:$0x800] =	vst v0  }
0xe3: {  	v56 =	vadd.f32 v46, v45;
	[tilespmem:$0x810] =	vst v2  }
0xe4: {  	v57 =	vadd.f32 v48, v47;
	[tilespmem:$0x820] =	vst v54  }
0xe5: {  	v58 =	vadd.f32 v50, v49;
	[tilespmem:$0x830] =	vst v56  }
0xe6: {  	v59 =	vadd.f32 v52, v51;
	[tilespmem:$0x840] =	vst v57  }
0xe7: {  	v60 =	vadd.f32 v55, v53;
	[tilespmem:$0x850] =	vst v58  }
0xe8: {  	[tilespmem:$0x860] =	vst v59  }
0xe9: {  	[tilespmem:$0x870] =	vst v60  }
0xea: {  	[tilespmem:s29], [sflag:$0x1] =	stream.linear.gather [spmem:s14], $0x80, $0x38;
	[tilespmem:$0x980] =	vst v63  }
0xeb: {  	_ =	swait.ge [sflag:s24], $0x80  }
0xec: {  	[sflag:s24] =	ssyncset.done $0x0  }
0xed: {  	[sflag:s24] =	ssyncadd.s32 $0xFFFFFF80  }
0xee: {  	v61 =	vld [tilespmem:$0x800]  }
0xef: {  	v62 =	vld [tilespmem:$0x880]  }
0xf0: {  	v63 =	vld [tilespmem:$0x810]  }
0xf1: {  	v16 =	vld [tilespmem:$0x890]  }
0xf2: {  	v17 =	vld [tilespmem:$0x820]  }
0xf3: {  	v18 =	vld [tilespmem:$0x8A0]  }
0xf4: {  	v19 =	vld [tilespmem:$0x830]  }
0xf5: {  	v20 =	vld [tilespmem:$0x8B0]  }
0xf6: {  	v21 =	vld [tilespmem:$0x840]  }
0xf7: {  	v22 =	vld [tilespmem:$0x8C0]  }
0xf8: {  	v23 =	vld [tilespmem:$0x850]  }
0xf9: {  	v24 =	vld [tilespmem:$0x8D0]  }
0xfa: {  	v25 =	vld [tilespmem:$0x860]  }
0xfb: {  	v26 =	vld [tilespmem:$0x8E0];
	v0 =	vadd.f32 v62, v61  }
0xfc: {  	v27 =	vld [tilespmem:$0x870];
	v2 =	vadd.f32 v16, v63  }
0xfd: {  	v29 =	vld [tilespmem:$0x8F0];
	v28 =	vadd.f32 v18, v17;
	[tilespmem:$0x800] =	vst v0  }
0xfe: {  	v30 =	vadd.f32 v20, v19;
	[tilespmem:$0x810] =	vst v2  }
0xff: {  	v31 =	vadd.f32 v22, v21;
	[tilespmem:$0x820] =	vst v28  }
0x100: {  	v32 =	vadd.f32 v24, v23;
	[tilespmem:$0x830] =	vst v30  }
0x101: {  	v33 =	vadd.f32 v26, v25;
	[tilespmem:$0x840] =	vst v31  }
0x102: {  	v34 =	vadd.f32 v29, v27;
	[tilespmem:$0x850] =	vst v32  }
0x103: {  	[tilespmem:$0x860] =	vst v33  }
0x104: {  	[tilespmem:$0x870] =	vst v34  }
0x105: {  	[tilespmem:s29], [sflag:$0x1] =	stream.linear.gather [spmem:s15], $0x80, $0x38;
	[tilespmem:$0x980] =	vst v63  }
0x106: {  	_ =	swait.ge [sflag:s24], $0x80  }
0x107: {  	[sflag:s24] =	ssyncset.done $0x0  }
0x108: {  	[sflag:s24] =	ssyncadd.s32 $0xFFFFFF80  }
0x109: {  	v35 =	vld [tilespmem:$0x800]  }
0x10a: {  	v36 =	vld [tilespmem:$0x880]  }
0x10b: {  	v37 =	vld [tilespmem:$0x810]  }
0x10c: {  	v38 =	vld [tilespmem:$0x890]  }
0x10d: {  	v39 =	vld [tilespmem:$0x820]  }
0x10e: {  	v40 =	vld [tilespmem:$0x8A0]  }
0x10f: {  	v41 =	vld [tilespmem:$0x830]  }
0x110: {  	v42 =	vld [tilespmem:$0x8B0]  }
0x111: {  	v43 =	vld [tilespmem:$0x840]  }
0x112: {  	v44 =	vld [tilespmem:$0x8C0]  }
0x113: {  	v45 =	vld [tilespmem:$0x850]  }
0x114: {  	v46 =	vld [tilespmem:$0x8D0]  }
0x115: {  	v47 =	vld [tilespmem:$0x860]  }
0x116: {  	v48 =	vld [tilespmem:$0x8E0];
	v0 =	vadd.f32 v36, v35  }
0x117: {  	v49 =	vld [tilespmem:$0x870];
	v2 =	vadd.f32 v38, v37  }
0x118: {  	v51 =	vld [tilespmem:$0x8F0];
	v50 =	vadd.f32 v40, v39;
	[tilespmem:$0x800] =	vst v0  }
0x119: {  	v52 =	vadd.f32 v42, v41;
	[tilespmem:$0x810] =	vst v2  }
0x11a: {  	v53 =	vadd.f32 v44, v43;
	[tilespmem:$0x820] =	vst v50  }
0x11b: {  	v54 =	vadd.f32 v46, v45;
	[tilespmem:$0x830] =	vst v52  }
0x11c: {  	v55 =	vadd.f32 v48, v47;
	[tilespmem:$0x840] =	vst v53  }
0x11d: {  	v56 =	vadd.f32 v51, v49;
	[tilespmem:$0x850] =	vst v54  }
0x11e: {  	[tilespmem:$0x860] =	vst v55  }
0x11f: {  	[tilespmem:$0x870] =	vst v56  }
0x120: {  	[tilespmem:s29], [sflag:$0x1] =	stream.linear.gather [spmem:s16], $0x80, $0x38;
	[tilespmem:$0x980] =	vst v63  }
0x121: {  	_ =	swait.ge [sflag:s24], $0x80  }
0x122: {  	[sflag:s24] =	ssyncset.done $0x0  }
0x123: {  	[sflag:s24] =	ssyncadd.s32 $0xFFFFFF80  }
0x124: {  	v57 =	vld [tilespmem:$0x800]  }
0x125: {  	v58 =	vld [tilespmem:$0x880]  }
0x126: {  	v59 =	vld [tilespmem:$0x810]  }
0x127: {  	v60 =	vld [tilespmem:$0x890]  }
0x128: {  	v61 =	vld [tilespmem:$0x820]  }
0x129: {  	v62 =	vld [tilespmem:$0x8A0]  }
0x12a: {  	v63 =	vld [tilespmem:$0x830]  }
0x12b: {  	v16 =	vld [tilespmem:$0x8B0]  }
0x12c: {  	v17 =	vld [tilespmem:$0x840]  }
0x12d: {  	v18 =	vld [tilespmem:$0x8C0]  }
0x12e: {  	v19 =	vld [tilespmem:$0x850]  }
0x12f: {  	v20 =	vld [tilespmem:$0x8D0]  }
0x130: {  	v21 =	vld [tilespmem:$0x860]  }
0x131: {  	v22 =	vld [tilespmem:$0x8E0];
	v0 =	vadd.f32 v58, v57  }
0x132: {  	v23 =	vld [tilespmem:$0x870];
	v2 =	vadd.f32 v60, v59  }
0x133: {  	v25 =	vld [tilespmem:$0x8F0];
	v24 =	vadd.f32 v62, v61;
	[tilespmem:$0x800] =	vst v0  }
0x134: {  	v26 =	vadd.f32 v16, v63;
	[tilespmem:$0x810] =	vst v2  }
0x135: {  	v27 =	vadd.f32 v18, v17;
	[tilespmem:$0x820] =	vst v24  }
0x136: {  	v28 =	vadd.f32 v20, v19;
	[tilespmem:$0x830] =	vst v26  }
0x137: {  	v29 =	vadd.f32 v22, v21;
	[tilespmem:$0x840] =	vst v27  }
0x138: {  	v30 =	vadd.f32 v25, v23;
	[tilespmem:$0x850] =	vst v28  }
0x139: {  	[tilespmem:$0x860] =	vst v29  }
0x13a: {  	[tilespmem:$0x870] =	vst v30  }
0x13b: {  	[tilespmem:s29], [sflag:$0x1] =	stream.linear.gather [spmem:s17], $0x80, $0x38;
	[tilespmem:$0x980] =	vst v63  }
0x13c: {  	_ =	swait.ge [sflag:s24], $0x80  }
0x13d: {  	[sflag:s24] =	ssyncset.done $0x0  }
0x13e: {  	[sflag:s24] =	ssyncadd.s32 $0xFFFFFF80  }
0x13f: {  	v31 =	vld [tilespmem:$0x800]  }
0x140: {  	v32 =	vld [tilespmem:$0x880]  }
0x141: {  	v33 =	vld [tilespmem:$0x810]  }
0x142: {  	v34 =	vld [tilespmem:$0x890]  }
0x143: {  	v35 =	vld [tilespmem:$0x820]  }
0x144: {  	v36 =	vld [tilespmem:$0x8A0]  }
0x145: {  	v37 =	vld [tilespmem:$0x830]  }
0x146: {  	v38 =	vld [tilespmem:$0x8B0]  }
0x147: {  	v39 =	vld [tilespmem:$0x840]  }
0x148: {  	v40 =	vld [tilespmem:$0x8C0]  }
0x149: {  	v41 =	vld [tilespmem:$0x850]  }
0x14a: {  	v42 =	vld [tilespmem:$0x8D0]  }
0x14b: {  	v43 =	vld [tilespmem:$0x860]  }
0x14c: {  	v44 =	vld [tilespmem:$0x8E0];
	v0 =	vadd.f32 v32, v31  }
0x14d: {  	v45 =	vld [tilespmem:$0x870];
	v2 =	vadd.f32 v34, v33  }
0x14e: {  	v47 =	vld [tilespmem:$0x8F0];
	v46 =	vadd.f32 v36, v35;
	[tilespmem:$0x800] =	vst v0  }
0x14f: {  	v48 =	vadd.f32 v38, v37;
	[tilespmem:$0x810] =	vst v2  }
0x150: {  	v49 =	vadd.f32 v40, v39;
	[tilespmem:$0x820] =	vst v46  }
0x151: {  	v50 =	vadd.f32 v42, v41;
	[tilespmem:$0x830] =	vst v48  }
0x152: {  	v51 =	vadd.f32 v44, v43;
	[tilespmem:$0x840] =	vst v49  }
0x153: {  	v52 =	vadd.f32 v47, v45;
	[tilespmem:$0x850] =	vst v50  }
0x154: {  	[tilespmem:$0x860] =	vst v51  }
0x155: {  	[tilespmem:$0x870] =	vst v52  }
0x156: {  	[tilespmem:s29], [sflag:$0x1] =	stream.linear.gather [spmem:s18], $0x80, $0x38;
	[tilespmem:$0x980] =	vst v63  }
0x157: {  	_ =	swait.ge [sflag:s24], $0x80  }
0x158: {  	[sflag:s24] =	ssyncset.done $0x0  }
0x159: {  	[sflag:s24] =	ssyncadd.s32 $0xFFFFFF80  }
0x15a: {  	v53 =	vld [tilespmem:$0x800]  }
0x15b: {  	v54 =	vld [tilespmem:$0x880]  }
0x15c: {  	v55 =	vld [tilespmem:$0x810]  }
0x15d: {  	v56 =	vld [tilespmem:$0x890]  }
0x15e: {  	v57 =	vld [tilespmem:$0x820]  }
0x15f: {  	v58 =	vld [tilespmem:$0x8A0]  }
0x160: {  	v59 =	vld [tilespmem:$0x830]  }
0x161: {  	v60 =	vld [tilespmem:$0x8B0]  }
0x162: {  	v61 =	vld [tilespmem:$0x840]  }
0x163: {  	v62 =	vld [tilespmem:$0x8C0]  }
0x164: {  	v63 =	vld [tilespmem:$0x850]  }
0x165: {  	v16 =	vld [tilespmem:$0x8D0]  }
0x166: {  	v17 =	vld [tilespmem:$0x860]  }
0x167: {  	v18 =	vld [tilespmem:$0x8E0];
	v0 =	vadd.f32 v54, v53  }
0x168: {  	v19 =	vld [tilespmem:$0x870];
	v2 =	vadd.f32 v56, v55  }
0x169: {  	v21 =	vld [tilespmem:$0x8F0];
	v20 =	vadd.f32 v58, v57;
	[tilespmem:$0x800] =	vst v0  }
0x16a: {  	v22 =	vadd.f32 v60, v59;
	[tilespmem:$0x810] =	vst v2  }
0x16b: {  	v23 =	vadd.f32 v62, v61;
	[tilespmem:$0x820] =	vst v20  }
0x16c: {  	v24 =	vadd.f32 v16, v63;
	[tilespmem:$0x830] =	vst v22  }
0x16d: {  	v25 =	vadd.f32 v18, v17;
	[tilespmem:$0x840] =	vst v23  }
0x16e: {  	v26 =	vadd.f32 v21, v19;
	[tilespmem:$0x850] =	vst v24  }
0x16f: {  	[tilespmem:$0x860] =	vst v25  }
0x170: {  	[tilespmem:$0x870] =	vst v26  }
0x171: {  	[tilespmem:s29], [sflag:$0x1] =	stream.linear.gather [spmem:s19], $0x80, $0x38;
	[tilespmem:$0x980] =	vst v63  }
0x172: {  	_ =	swait.ge [sflag:s24], $0x80  }
0x173: {  	[sflag:s24] =	ssyncset.done $0x0  }
0x174: {  	[sflag:s24] =	ssyncadd.s32 $0xFFFFFF80  }
0x175: {  	v27 =	vld [tilespmem:$0x800]  }
0x176: {  	v28 =	vld [tilespmem:$0x880]  }
0x177: {  	v29 =	vld [tilespmem:$0x810]  }
0x178: {  	v30 =	vld [tilespmem:$0x890]  }
0x179: {  	v31 =	vld [tilespmem:$0x820]  }
0x17a: {  	v32 =	vld [tilespmem:$0x8A0]  }
0x17b: {  	v33 =	vld [tilespmem:$0x830]  }
0x17c: {  	v34 =	vld [tilespmem:$0x8B0]  }
0x17d: {  	v35 =	vld [tilespmem:$0x840]  }
0x17e: {  	v36 =	vld [tilespmem:$0x8C0]  }
0x17f: {  	v37 =	vld [tilespmem:$0x850]  }
0x180: {  	v38 =	vld [tilespmem:$0x8D0]  }
0x181: {  	v39 =	vld [tilespmem:$0x860]  }
0x182: {  	v40 =	vld [tilespmem:$0x8E0];
	v0 =	vadd.f32 v28, v27  }
0x183: {  	v41 =	vld [tilespmem:$0x870];
	v2 =	vadd.f32 v30, v29  }
0x184: {  	v43 =	vld [tilespmem:$0x8F0];
	v42 =	vadd.f32 v32, v31;
	[tilespmem:$0x800] =	vst v0  }
0x185: {  	v44 =	vadd.f32 v34, v33;
	[tilespmem:$0x810] =	vst v2  }
0x186: {  	v45 =	vadd.f32 v36, v35;
	[tilespmem:$0x820] =	vst v42  }
0x187: {  	v46 =	vadd.f32 v38, v37;
	[tilespmem:$0x830] =	vst v44  }
0x188: {  	v47 =	vadd.f32 v40, v39;
	[tilespmem:$0x840] =	vst v45  }
0x189: {  	v48 =	vadd.f32 v43, v41;
	[tilespmem:$0x850] =	vst v46  }
0x18a: {  	[tilespmem:$0x860] =	vst v47  }
0x18b: {  	[tilespmem:$0x870] =	vst v48  }
0x18c: {  	[tilespmem:s29], [sflag:$0x1] =	stream.linear.gather [spmem:s20], $0x80, $0x38;
	[tilespmem:$0x980] =	vst v63  }
0x18d: {  	_ =	swait.ge [sflag:s24], $0x80  }
0x18e: {  	[sflag:s24] =	ssyncset.done $0x0  }
0x18f: {  	[sflag:s24] =	ssyncadd.s32 $0xFFFFFF80  }
0x190: {  	v49 =	vld [tilespmem:$0x800]  }
0x191: {  	v50 =	vld [tilespmem:$0x880]  }
0x192: {  	v51 =	vld [tilespmem:$0x810]  }
0x193: {  	v52 =	vld [tilespmem:$0x890]  }
0x194: {  	v53 =	vld [tilespmem:$0x820]  }
0x195: {  	v54 =	vld [tilespmem:$0x8A0]  }
0x196: {  	v55 =	vld [tilespmem:$0x830]  }
0x197: {  	v56 =	vld [tilespmem:$0x8B0]  }
0x198: {  	v57 =	vld [tilespmem:$0x840]  }
0x199: {  	v58 =	vld [tilespmem:$0x8C0]  }
0x19a: {  	v59 =	vld [tilespmem:$0x850]  }
0x19b: {  	v60 =	vld [tilespmem:$0x8D0]  }
0x19c: {  	v61 =	vld [tilespmem:$0x860]  }
0x19d: {  	v62 =	vld [tilespmem:$0x8E0];
	v0 =	vadd.f32 v50, v49  }
0x19e: {  	v63 =	vld [tilespmem:$0x870];
	v2 =	vadd.f32 v52, v51  }
0x19f: {  	v14 =	vld [tilespmem:$0x8F0];
	v13 =	vadd.f32 v54, v53;
	[tilespmem:$0x800] =	vst v0  }
0x1a0: {  	v15 =	vadd.f32 v56, v55;
	[tilespmem:$0x810] =	vst v2  }
0x1a1: {  	v16 =	vadd.f32 v58, v57;
	[tilespmem:$0x820] =	vst v13  }
0x1a2: {  	v17 =	vadd.f32 v60, v59;
	[tilespmem:$0x830] =	vst v15  }
0x1a3: {  	v18 =	vadd.f32 v62, v61;
	[tilespmem:$0x840] =	vst v16  }
0x1a4: {  	v19 =	vadd.f32 v14, v63;
	[tilespmem:$0x850] =	vst v17  }
0x1a5: {  	[tilespmem:$0x860] =	vst v18  }
0x1a6: {  	[tilespmem:$0x870] =	vst v19  }
0x1a7: {  	[tilespmem:s29], [sflag:$0x1] =	stream.linear.gather [spmem:s21], $0x80, $0x38;
	[tilespmem:$0x980] =	vst v63  }
0x1a8: {  	_ =	swait.ge [sflag:s24], $0x80  }
0x1a9: {  	[sflag:s24] =	ssyncset.done $0x0  }
0x1aa: {  	[sflag:s24] =	ssyncadd.s32 $0xFFFFFF80  }
0x1ab: {  	v20 =	vld [tilespmem:$0x800]  }
0x1ac: {  	v21 =	vld [tilespmem:$0x880]  }
0x1ad: {  	v22 =	vld [tilespmem:$0x810]  }
0x1ae: {  	v23 =	vld [tilespmem:$0x890]  }
0x1af: {  	v24 =	vld [tilespmem:$0x820]  }
0x1b0: {  	v25 =	vld [tilespmem:$0x8A0]  }
0x1b1: {  	v26 =	vld [tilespmem:$0x830]  }
0x1b2: {  	v27 =	vld [tilespmem:$0x8B0]  }
0x1b3: {  	v28 =	vld [tilespmem:$0x840]  }
0x1b4: {  	v29 =	vld [tilespmem:$0x8C0]  }
0x1b5: {  	v30 =	vld [tilespmem:$0x850]  }
0x1b6: {  	v31 =	vld [tilespmem:$0x8D0]  }
0x1b7: {  	v32 =	vld [tilespmem:$0x860]  }
0x1b8: {  	v33 =	vld [tilespmem:$0x8E0];
	v0 =	vadd.f32 v21, v20  }
0x1b9: {  	v34 =	vld [tilespmem:$0x870];
	v2 =	vadd.f32 v23, v22  }
0x1ba: {  	v36 =	vld [tilespmem:$0x8F0];
	v35 =	vadd.f32 v25, v24;
	[tilespmem:$0x800] =	vst v0  }
0x1bb: {  	v37 =	vadd.f32 v27, v26;
	[tilespmem:$0x810] =	vst v2  }
0x1bc: {  	v38 =	vadd.f32 v29, v28;
	[tilespmem:$0x820] =	vst v35  }
0x1bd: {  	v39 =	vadd.f32 v31, v30;
	[tilespmem:$0x830] =	vst v37  }
0x1be: {  	v40 =	vadd.f32 v33, v32;
	[tilespmem:$0x840] =	vst v38  }
0x1bf: {  	v41 =	vadd.f32 v36, v34;
	[tilespmem:$0x850] =	vst v39  }
0x1c0: {  	[tilespmem:$0x860] =	vst v40  }
0x1c1: {  	[tilespmem:$0x870] =	vst v41  }
0x1c2: {  	[tilespmem:s29], [sflag:$0x1] =	stream.linear.gather [spmem:s2], $0x80, $0x38;
	[tilespmem:$0x980] =	vst v63  }
0x1c3: {  	_ =	swait.ge [sflag:s24], $0x80  }
0x1c4: {  	[sflag:s24] =	ssyncset.done $0x0  }
0x1c5: {  	[sflag:s24] =	ssyncadd.s32 $0xFFFFFF80  }
0x1c6: {  	v42 =	vld [tilespmem:$0x800]  }
0x1c7: {  	v43 =	vld [tilespmem:$0x880]  }
0x1c8: {  	v44 =	vld [tilespmem:$0x810]  }
0x1c9: {  	v45 =	vld [tilespmem:$0x890]  }
0x1ca: {  	v46 =	vld [tilespmem:$0x820]  }
0x1cb: {  	v47 =	vld [tilespmem:$0x8A0]  }
0x1cc: {  	v48 =	vld [tilespmem:$0x830]  }
0x1cd: {  	v49 =	vld [tilespmem:$0x8B0]  }
0x1ce: {  	v50 =	vld [tilespmem:$0x840]  }
0x1cf: {  	v51 =	vld [tilespmem:$0x8C0]  }
0x1d0: {  	v52 =	vld [tilespmem:$0x850]  }
0x1d1: {  	v53 =	vld [tilespmem:$0x8D0]  }
0x1d2: {  	v54 =	vld [tilespmem:$0x860]  }
0x1d3: {  	v55 =	vld [tilespmem:$0x8E0];
	v0 =	vadd.f32 v43, v42  }
0x1d4: {  	v56 =	vld [tilespmem:$0x870];
	v2 =	vadd.f32 v45, v44  }
0x1d5: {  	v58 =	vld [tilespmem:$0x8F0];
	v57 =	vadd.f32 v47, v46;
	[tilespmem:$0x800] =	vst v0  }
0x1d6: {  	v59 =	vadd.f32 v49, v48;
	[tilespmem:$0x810] =	vst v2  }
0x1d7: {  	v60 =	vadd.f32 v51, v50;
	[tilespmem:$0x820] =	vst v57  }
0x1d8: {  	v61 =	vadd.f32 v53, v52;
	[tilespmem:$0x830] =	vst v59  }
0x1d9: {  	v62 =	vadd.f32 v55, v54;
	[tilespmem:$0x840] =	vst v60  }
0x1da: {  	v63 =	vadd.f32 v58, v56;
	[tilespmem:$0x850] =	vst v61  }
0x1db: {  	[tilespmem:$0x860] =	vst v62  }
.Ltmp3:
0x1dc: {  	[tilespmem:$0x870] =	vst v63;
	(pc) =	sbr.rel .LBB2_3-.Ltmp3, $4  }
0x1dd: {  	[hbm4b:s22+s3] =	stream.linear.scatter [tilespmem:s28], [sflag:$0x1], $0x80, $0x38;
	[tilespmem:$0x980] =	vst v63  }
0x1de: {  	_ =	swait.ge [sflag:s24], $0x80  }
0x1df: {  	[sflag:s24] =	ssyncset.done $0x0  }
0x1e0: {  	[sflag:s24] =	ssyncadd.s32 $0xFFFFFF80  }
.LBB2_4:
0x1e1: {  	_ =	sfence.sel $0x180000  }
0x1e2: {  	[bflag:$0x0] =	sbarrier.arrive $0xFFFF  }
0x1e3: {  	_ =	strace $0x90000047  }
0x1e4: {  	s0 =	sadd.s32 @!p0 $0x100000, s0;
	[bflag:$0x2] =	sbarrier.arrive $0xFFFF  }
0x1e5: {  	[sflag:s0] =	ssyncadd.tile.s32 @!p0 $0x1;
	_ =	shalt  }
.Lfunc_end2:
_tile_overlayer_lowered:
.L_overlay_start_2:
0x1e6: {  	(tag) =	ssettag $0x2  }
0x1e7: {  	s0 =	rddreg [dreg:$0x0];
	s2 =	stileid.u32  }
0x1e8: {  	s1 =	rddreg [dreg:$0x1];
	p0 =	sne.s32 s2, $0x0  }
0x1e9: {  	s3 =	rddreg [dreg:$0x2];
	[bflag:$0x3] =	sbarrier.arrive $0xFFFF;
	s2 =	simm.s32 @!p0 $0x1C01  }
0x1ea: {  	[timem:s3], [sflag:s2] =	dma.local @!p0 [hbm:s0], s1  }
0x1eb: {  	s0 =	simm.s32 @!p0 $0x1  }
0x1ec: {  	_ =	swait.ge @!p0 [sflag:s0], s1  }
0x1ed: {  	s1 =	ssub.s32 @!p0 $0x0, s1;
	[sflag:s0] =	ssyncset.done @!p0 $0x0  }
0x1ee: {  	[sflag:s0] =	ssyncadd.s32 @!p0 s1  }
0x1ef: {  	[bflag:$0x3] =	sbarrier.arrive $0xFFFF  }
0x1f0: {  	_ =	shalt  }

</sc_bundles>
